<compile_context>
chip_gen: v7x
topology: tpu7x:2x2x1
jax: 0.10.2.dev20260603
libtpu: 0.0.44.dev20260713+nightly
codegen_flags: <defaults>
</compile_context>

<pallas_src>
import functools

import jax
import jax.numpy as jnp
from jax import lax
from jax.experimental import pallas as pl
from jax.experimental.pallas import tpu as pltpu
from jax.experimental.pallas import tpu_sc as plsc

N = 10000
F = 128
NPAD = 10240
E = 320000
CH = 128
NCH = 80
IB = 16
TILES = 32
EPAD = TILES * NCH * CH
RPT = NPAD // 16
BLK = 512

_MESH = dict(core_axis_name="c", subcore_axis_name="s")



def _sc_degree(dst2d, zeros1d):

    @functools.partial(
        pl.kernel,
        out_type=jax.ShapeDtypeStruct((2, NPAD), jnp.float32),
        mesh=plsc.VectorSubcoreMesh(**_MESH),
        scratch_types=[
            pltpu.VMEM((NCH, CH), jnp.int32),
            pltpu.VMEM((CH,), jnp.float32),
            pltpu.VMEM_SHARED((NPAD,), jnp.float32),
        ],
    )
    def k(dst_hbm, z_hbm, out_hbm, dst_v, ones_v, acc):
        c = lax.axis_index("c")
        s = lax.axis_index("s")
        t = c * 16 + s
        pltpu.sync_copy(dst_hbm.at[pl.ds(t * NCH, NCH)], dst_v)
        for i in range(CH // 16):
            ones_v[pl.ds(i * 16, 16)] = jnp.ones((16,), jnp.float32)
        pltpu.sync_copy(z_hbm.at[pl.ds(s * RPT, RPT)], acc.at[pl.ds(s * RPT, RPT)])
        plsc.subcore_barrier()

        @pl.loop(0, NCH)
        def _(j):
            pltpu.sync_copy(ones_v, acc.at[dst_v.at[j]], add=True)

        plsc.subcore_barrier()
        pltpu.sync_copy(acc.at[pl.ds(s * RPT, RPT)], out_hbm.at[c, pl.ds(s * RPT, RPT)])

    return k(dst2d, zeros1d)


def _sc_scatter_rows(g, src2d, dst2d, zeros2d):

    @functools.partial(
        pl.kernel,
        out_type=jax.ShapeDtypeStruct((2, NPAD, F), jnp.float32),
        mesh=plsc.VectorSubcoreMesh(**_MESH),
        scratch_types=[
            pltpu.VMEM((IB, CH), jnp.int32),
            pltpu.VMEM((IB, CH), jnp.int32),
            pltpu.VMEM((2, CH, F), jnp.float32),
            pltpu.VMEM_SHARED((NPAD, F), jnp.float32),
            [pltpu.SemaphoreType.DMA] * 2,
            [pltpu.SemaphoreType.DMA] * 2,
        ],
    )
    def k(g_hbm, src_hbm, dst_hbm, z_hbm, out_hbm, src_v, dst_v, rows_v, acc,
          gsems, ssems):
        c = lax.axis_index("c")
        s = lax.axis_index("s")
        t = c * 16 + s
        pltpu.sync_copy(z_hbm.at[pl.ds(s * RPT, RPT)], acc.at[pl.ds(s * RPT, RPT)])
        plsc.subcore_barrier()

        def _wait_scat(b):
            pltpu.make_async_copy(rows_v.at[b], acc.at[dst_v.at[b]],
                                  ssems[b]).wait()

        @pl.loop(0, NCH // IB)
        def _(ib):
            @pl.when(ib > 0)
            def _():
                _wait_scat(0)
                _wait_scat(1)

            base = t * NCH + ib * IB
            pltpu.sync_copy(src_hbm.at[pl.ds(base, IB)], src_v)
            pltpu.sync_copy(dst_hbm.at[pl.ds(base, IB)], dst_v)

            @pl.loop(0, IB, step=2)
            def _(j):
                @pl.when(j > 0)
                def _():
                    _wait_scat(0)
                    _wait_scat(1)

                d0 = pltpu.async_copy(g_hbm.at[src_v.at[j]], rows_v.at[0],
                                      gsems[0])
                d1 = pltpu.async_copy(g_hbm.at[src_v.at[j + 1]], rows_v.at[1],
                                      gsems[1])
                d0.wait()
                pltpu.async_copy(rows_v.at[0], acc.at[dst_v.at[j]], ssems[0],
                                 add=True)
                d1.wait()
                pltpu.async_copy(rows_v.at[1], acc.at[dst_v.at[j + 1]],
                                 ssems[1], add=True)

        _wait_scat(0)
        _wait_scat(1)
        plsc.subcore_barrier()
        pltpu.sync_copy(acc.at[pl.ds(s * RPT, RPT)], out_hbm.at[c, pl.ds(s * RPT, RPT)])

    return k(g, src2d, dst2d, zeros2d)



def _dinv_of(d0, d1):
    return lax.rsqrt(d0[...] + d1[...] + 1.0)[:, None]


def _tc_first(x_ref, w_ref, d0, d1, o_ref):
    dinv = _dinv_of(d0, d1)
    o_ref[...] = jnp.dot(x_ref[...], w_ref[...],
                         preferred_element_type=jnp.float32) * dinv


def _tc_mid(a0, a1, g_ref, b_ref, w_ref, d0, d1, o_ref):
    dinv = _dinv_of(d0, d1)
    z = (a0[...] + a1[...] + g_ref[...]) * dinv + b_ref[...][None, :]
    h = jnp.maximum(z, 0.0) + jnp.log1p(jnp.exp(-jnp.abs(z)))
    o_ref[...] = jnp.dot(h, w_ref[...],
                         preferred_element_type=jnp.float32) * dinv


def _tc_last(a0, a1, g_ref, b_ref, wf_ref, bf_ref, d0, d1, o_ref):
    dinv = _dinv_of(d0, d1)
    z = (a0[...] + a1[...] + g_ref[...]) * dinv + b_ref[...][None, :]
    logits = jnp.dot(z, wf_ref[...],
                     preferred_element_type=jnp.float32) + bf_ref[...][None, :]
    m = jnp.max(logits, axis=1, keepdims=True)
    e = jnp.exp(logits - m)
    o_ref[...] = e / jnp.sum(e, axis=1, keepdims=True)


def _row_spec():
    return pl.BlockSpec((BLK, F), lambda i: (i, 0))


def _full_spec(shape):
    nd = len(shape)
    return pl.BlockSpec(shape, lambda i: (0,) * nd)


def _vec_spec():
    return pl.BlockSpec((BLK,), lambda i: (i,))


def _tc_call(body, in_specs, args):
    return pl.pallas_call(
        body,
        grid=(NPAD // BLK,),
        in_specs=in_specs,
        out_specs=_row_spec(),
        out_shape=jax.ShapeDtypeStruct((NPAD, F), jnp.float32),
    )(*args)



def kernel(x, edge_index, W1, b1, W2, b2, Wf, bf):
    src = edge_index[0].astype(jnp.int32)
    dst = edge_index[1].astype(jnp.int32)
    pad = EPAD - E
    pad_dst = N + (jnp.arange(pad, dtype=jnp.int32) % (NPAD - N))

    def _chunked(a):
        a2 = a.reshape(NCH, TILES, CH).transpose(1, 0, 2)
        return a2.reshape(TILES * NCH, CH)

    src2d = _chunked(jnp.concatenate([src, jnp.full((pad,), N, jnp.int32)]))
    dst2d = _chunked(jnp.concatenate([dst, pad_dst]))
    xp = jnp.zeros((NPAD, F), x.dtype).at[:N].set(x)
    zeros1d = jnp.zeros((NPAD,), jnp.float32)
    zeros2d = jnp.zeros((NPAD, F), jnp.float32)

    deg = _sc_degree(dst2d, zeros1d)
    d0, d1 = deg[0], deg[1]

    g1 = _tc_call(
        _tc_first,
        [_row_spec(), _full_spec((F, F)), _vec_spec(), _vec_spec()],
        (xp, W1, d0, d1))
    acc1 = _sc_scatter_rows(g1, src2d, dst2d, zeros2d)

    g2 = _tc_call(
        _tc_mid,
        [_row_spec(), _row_spec(), _row_spec(), _full_spec((F,)),
         _full_spec((F, F)), _vec_spec(), _vec_spec()],
        (acc1[0], acc1[1], g1, b1, W2, d0, d1))
    acc2 = _sc_scatter_rows(g2, src2d, dst2d, zeros2d)

    wf_pad = jnp.zeros((F, F), jnp.float32).at[:, :7].set(Wf)
    bf_pad = jnp.full((F,), -1e30, jnp.float32).at[:7].set(bf)
    probs = _tc_call(
        _tc_last,
        [_row_spec(), _row_spec(), _row_spec(), _full_spec((F,)),
         _full_spec((F, F)), _full_spec((F,)), _vec_spec(), _vec_spec()],
        (acc2[0], acc2[1], g2, b2, wf_pad, bf_pad, d0, d1))
    return probs[:N, :7]

# --- scband reference (transcript-rebuilt; emitter-appended) ---
"""Pipeline reference for scband-gcn-541165879459 (READ-ONLY COPY).

The authoritative reference and input builder live on the scoring server;
editing this copy changes nothing except your own understanding.
"""

import jax, jax.numpy as jnp
import numpy as np

N_NODES = 10000
N_EDGES = 320000
NFEAT = 128
NHID = 128
NCLASS_OUT = 7  # nclass - 1 per original code (fc = Linear(nhid, nclass - 1))


def gcn_conv(x, src, dst, W, b, num_nodes):
    # GCNConv with added self-loops and symmetric normalization (PyG semantics)
    loop = jnp.arange(num_nodes, dtype=src.dtype)
    src_f = jnp.concatenate([src, loop])
    dst_f = jnp.concatenate([dst, loop])
    ew = jnp.ones(src_f.shape[0], dtype=x.dtype)
    deg = jax.ops.segment_sum(ew, dst_f, num_segments=num_nodes)
    dinv = jnp.where(deg > 0, deg ** -0.5, 0.0)
    norm = dinv[src_f] * dinv[dst_f]
    h = x @ W  # lin(x), bias=False inside GCNConv
    msg = jnp.take(h, src_f, axis=0) * norm[:, None]
    out = jax.ops.segment_sum(msg, dst_f, num_segments=num_nodes)
    return out + b


def setup_inputs(seed: int = 0) -> dict:
    key = jax.random.key(seed)
    k_x, k_e, k1, k2, k3 = jax.random.split(key, 5)
    x = jax.random.normal(k_x, (N_NODES, NFEAT), dtype=jnp.float32)
    edge_index = jax.random.randint(k_e, (2, N_EDGES), 0, N_NODES, dtype=jnp.int64)
    s1 = (6.0 / (NFEAT + NHID)) ** 0.5
    s2 = (6.0 / (NHID + NHID)) ** 0.5
    s3 = (6.0 / (NHID + NCLASS_OUT)) ** 0.5
    W1 = jax.random.uniform(k1, (NFEAT, NHID), minval=-s1, maxval=s1, dtype=jnp.float32)
    b1 = jnp.zeros((NHID,), dtype=jnp.float32)
    W2 = jax.random.uniform(k2, (NHID, NHID), minval=-s2, maxval=s2, dtype=jnp.float32)
    b2 = jnp.zeros((NHID,), dtype=jnp.float32)
    Wf = jax.random.uniform(k3, (NHID, NCLASS_OUT), minval=-s3, maxval=s3, dtype=jnp.float32)
    bf = jnp.zeros((NCLASS_OUT,), dtype=jnp.float32)
    return {"x": x, "edge_index": edge_index, "W1": W1, "b1": b1, "W2": W2, "b2": b2, "Wf": Wf, "bf": bf}


def reference(x, edge_index, W1, b1, W2, b2, Wf, bf):
    src, dst = edge_index[0], edge_index[1]
    h = gcn_conv(x, src, dst, W1, b1, N_NODES)
    h = jax.nn.softplus(h)  # transition (dropout is identity at inference)
    h = gcn_conv(h, src, dst, W2, b2, N_NODES)
    logits = h @ Wf + bf
    return jax.nn.softmax(logits, axis=1)

if __name__ == "__main__":
    import jax
    _d = setup_inputs()
    print(jax.jit(kernel)(*tuple(_d.values())))

</pallas_src>

<mosaic_0001>
#map = affine_map<(d0, d1) -> (0, 0)>
#map1 = affine_map<(d0, d1) -> (0)>
module attributes {stable_mosaic.version = 14 : i64} {
  func.func @k(%arg0: i32, %arg1: i32, %arg2: memref<2560x128xi32, #tpu.memory_space<hbm>>, %arg3: memref<10240xf32, #tpu.memory_space<hbm>>, %arg4: memref<2x10240xf32, #tpu.memory_space<hbm>>, %arg5: memref<80x128xi32, #tpu.memory_space<vmem>>, %arg6: memref<128xf32, #tpu.memory_space<vmem>>, %arg7: memref<10240xf32, #tpu.memory_space<vmem_shared>>) attributes {dimension_semantics = [#tpu.dimension_semantics<core_parallel>, #tpu.dimension_semantics<subcore_parallel>], iteration_bounds = array<i64: 2, 16>, scalar_prefetch = 0 : i64, scratch_operands = 3 : i64, tpu.core_type = #tpu.core_type<sc_vector_subcore>, window_params = [{transform_indices = #map}, {transform_indices = #map1}, {transform_indices = #map}]} {
    %mul3A = arith.constant 16 : i32
    %mul3A_0 = arith.muli %arg0, %mul3A : i32
    %add3A = arith.addi %mul3A_0, %arg1 : i32
    %mul3A_1 = arith.constant 80 : i32
    %mul3A_2 = arith.muli %add3A, %mul3A_1 : i32
    "tpu.region"() ({
      %run_scoped3A = tpu.sem_alloc : memref<!tpu.dma_semaphore, #tpu.memory_space<semaphore_mem>>
      %dma_start3A = arith.constant 0 : i32
      %dma_start3A_62 = tpu.memref_slice %arg2[%mul3A_2, %dma_start3A] : memref<2560x128xi32, #tpu.memory_space<hbm>> -> memref<80x128xi32, #tpu.memory_space<hbm>>
      %dma_start3A_63 = arith.constant 0 : i32
      %dma_start3A_64 = tpu.memref_slice %arg2[%mul3A_2, %dma_start3A_63] : memref<2560x128xi32, #tpu.memory_space<hbm>> -> memref<80x128xi32, #tpu.memory_space<hbm>>
      tpu.enqueue_dma source(%dma_start3A_64 : memref<80x128xi32, #tpu.memory_space<hbm>>) target(%arg5 : memref<80x128xi32, #tpu.memory_space<vmem>>) target_semaphore(%run_scoped3A : memref<!tpu.dma_semaphore, #tpu.memory_space<semaphore_mem>>)
      %dma_wait3A = arith.constant 0 : i32
      %dma_wait3A_65 = tpu.memref_slice %arg2[%mul3A_2, %dma_wait3A] : memref<2560x128xi32, #tpu.memory_space<hbm>> -> memref<80x128xi32, #tpu.memory_space<hbm>>
      %dma_wait3A_66 = arith.constant 0 : i32
      %dma_wait3A_67 = tpu.memref_slice %arg2[%mul3A_2, %dma_wait3A_66] : memref<2560x128xi32, #tpu.memory_space<hbm>> -> memref<80x128xi32, #tpu.memory_space<hbm>>
      tpu.wait_dma2 semaphore(%run_scoped3A : memref<!tpu.dma_semaphore, #tpu.memory_space<semaphore_mem>>) src(%dma_wait3A_67 : memref<80x128xi32, #tpu.memory_space<hbm>>) dst(%arg5 : memref<80x128xi32, #tpu.memory_space<vmem>>)
      tpu.yield
    }) : () -> ()
    %broadcast_in_dim3A = arith.constant 1.000000e+00 : f32
    %broadcast_in_dim3A_3 = vector.broadcast %broadcast_in_dim3A : f32 to vector<16xf32>
    %swap3A = arith.constant 0 : index
    %swap3A_4 = tpu.vector_load %arg6[%swap3A] {strides = array<i32>} : memref<128xf32, #tpu.memory_space<vmem>>, vector<16xf32>,
    %swap3A_5 = vector.shape_cast %swap3A_4 : vector<16xf32> to vector<16xf32>
    %swap3A_6 = vector.shape_cast %broadcast_in_dim3A_3 : vector<16xf32> to vector<16xf32>
    tpu.vector_store %arg6[%swap3A], %swap3A_6 {strides = array<i32>} : memref<128xf32, #tpu.memory_space<vmem>>, vector<16xf32>,
    %broadcast_in_dim3A_7 = arith.constant 1.000000e+00 : f32
    %broadcast_in_dim3A_8 = vector.broadcast %broadcast_in_dim3A_7 : f32 to vector<16xf32>
    %swap3A_9 = arith.constant 16 : index
    %swap3A_10 = tpu.vector_load %arg6[%swap3A_9] {strides = array<i32>} : memref<128xf32, #tpu.memory_space<vmem>>, vector<16xf32>,
    %swap3A_11 = vector.shape_cast %swap3A_10 : vector<16xf32> to vector<16xf32>
    %swap3A_12 = vector.shape_cast %broadcast_in_dim3A_8 : vector<16xf32> to vector<16xf32>
    tpu.vector_store %arg6[%swap3A_9], %swap3A_12 {strides = array<i32>} : memref<128xf32, #tpu.memory_space<vmem>>, vector<16xf32>,
    %broadcast_in_dim3A_13 = arith.constant 1.000000e+00 : f32
    %broadcast_in_dim3A_14 = vector.broadcast %broadcast_in_dim3A_13 : f32 to vector<16xf32>
    %swap3A_15 = arith.constant 32 : index
    %swap3A_16 = tpu.vector_load %arg6[%swap3A_15] {strides = array<i32>} : memref<128xf32, #tpu.memory_space<vmem>>, vector<16xf32>,
    %swap3A_17 = vector.shape_cast %swap3A_16 : vector<16xf32> to vector<16xf32>
    %swap3A_18 = vector.shape_cast %broadcast_in_dim3A_14 : vector<16xf32> to vector<16xf32>
    tpu.vector_store %arg6[%swap3A_15], %swap3A_18 {strides = array<i32>} : memref<128xf32, #tpu.memory_space<vmem>>, vector<16xf32>,
    %broadcast_in_dim3A_19 = arith.constant 1.000000e+00 : f32
    %broadcast_in_dim3A_20 = vector.broadcast %broadcast_in_dim3A_19 : f32 to vector<16xf32>
    %swap3A_21 = arith.constant 48 : index
    %swap3A_22 = tpu.vector_load %arg6[%swap3A_21] {strides = array<i32>} : memref<128xf32, #tpu.memory_space<vmem>>, vector<16xf32>,
    %swap3A_23 = vector.shape_cast %swap3A_22 : vector<16xf32> to vector<16xf32>
    %swap3A_24 = vector.shape_cast %broadcast_in_dim3A_20 : vector<16xf32> to vector<16xf32>
    tpu.vector_store %arg6[%swap3A_21], %swap3A_24 {strides = array<i32>} : memref<128xf32, #tpu.memory_space<vmem>>, vector<16xf32>,
    %broadcast_in_dim3A_25 = arith.constant 1.000000e+00 : f32
    %broadcast_in_dim3A_26 = vector.broadcast %broadcast_in_dim3A_25 : f32 to vector<16xf32>
    %swap3A_27 = arith.constant 64 : index
    %swap3A_28 = tpu.vector_load %arg6[%swap3A_27] {strides = array<i32>} : memref<128xf32, #tpu.memory_space<vmem>>, vector<16xf32>,
    %swap3A_29 = vector.shape_cast %swap3A_28 : vector<16xf32> to vector<16xf32>
    %swap3A_30 = vector.shape_cast %broadcast_in_dim3A_26 : vector<16xf32> to vector<16xf32>
    tpu.vector_store %arg6[%swap3A_27], %swap3A_30 {strides = array<i32>} : memref<128xf32, #tpu.memory_space<vmem>>, vector<16xf32>,
    %broadcast_in_dim3A_31 = arith.constant 1.000000e+00 : f32
    %broadcast_in_dim3A_32 = vector.broadcast %broadcast_in_dim3A_31 : f32 to vector<16xf32>
    %swap3A_33 = arith.constant 80 : index
    %swap3A_34 = tpu.vector_load %arg6[%swap3A_33] {strides = array<i32>} : memref<128xf32, #tpu.memory_space<vmem>>, vector<16xf32>,
    %swap3A_35 = vector.shape_cast %swap3A_34 : vector<16xf32> to vector<16xf32>
    %swap3A_36 = vector.shape_cast %broadcast_in_dim3A_32 : vector<16xf32> to vector<16xf32>
    tpu.vector_store %arg6[%swap3A_33], %swap3A_36 {strides = array<i32>} : memref<128xf32, #tpu.memory_space<vmem>>, vector<16xf32>,
    %broadcast_in_dim3A_37 = arith.constant 1.000000e+00 : f32
    %broadcast_in_dim3A_38 = vector.broadcast %broadcast_in_dim3A_37 : f32 to vector<16xf32>
    %swap3A_39 = arith.constant 96 : index
    %swap3A_40 = tpu.vector_load %arg6[%swap3A_39] {strides = array<i32>} : memref<128xf32, #tpu.memory_space<vmem>>, vector<16xf32>,
    %swap3A_41 = vector.shape_cast %swap3A_40 : vector<16xf32> to vector<16xf32>
    %swap3A_42 = vector.shape_cast %broadcast_in_dim3A_38 : vector<16xf32> to vector<16xf32>
    tpu.vector_store %arg6[%swap3A_39], %swap3A_42 {strides = array<i32>} : memref<128xf32, #tpu.memory_space<vmem>>, vector<16xf32>,
    %broadcast_in_dim3A_43 = arith.constant 1.000000e+00 : f32
    %broadcast_in_dim3A_44 = vector.broadcast %broadcast_in_dim3A_43 : f32 to vector<16xf32>
    %swap3A_45 = arith.constant 112 : index
    %swap3A_46 = tpu.vector_load %arg6[%swap3A_45] {strides = array<i32>} : memref<128xf32, #tpu.memory_space<vmem>>, vector<16xf32>,
    %swap3A_47 = vector.shape_cast %swap3A_46 : vector<16xf32> to vector<16xf32>
    %swap3A_48 = vector.shape_cast %broadcast_in_dim3A_44 : vector<16xf32> to vector<16xf32>
    tpu.vector_store %arg6[%swap3A_45], %swap3A_48 {strides = array<i32>} : memref<128xf32, #tpu.memory_space<vmem>>, vector<16xf32>,
    %mul3A_49 = arith.constant 640 : i32
    %mul3A_50 = arith.muli %arg1, %mul3A_49 : i32
    %mul3A_51 = arith.constant 640 : i32
    %mul3A_52 = arith.muli %arg1, %mul3A_51 : i32
    "tpu.region"() ({
      %run_scoped3A = tpu.sem_alloc : memref<!tpu.dma_semaphore, #tpu.memory_space<semaphore_mem>>
      %dma_start3A = tpu.memref_slice %arg7[%mul3A_52] : memref<10240xf32, #tpu.memory_space<vmem_shared>> -> memref<640xf32, #tpu.memory_space<vmem_shared>>
      %dma_start3A_62 = tpu.memref_slice %arg3[%mul3A_50] : memref<10240xf32, #tpu.memory_space<hbm>> -> memref<640xf32, #tpu.memory_space<hbm>>
      tpu.enqueue_dma source(%dma_start3A_62 : memref<640xf32, #tpu.memory_space<hbm>>) target(%dma_start3A : memref<640xf32, #tpu.memory_space<vmem_shared>>) target_semaphore(%run_scoped3A : memref<!tpu.dma_semaphore, #tpu.memory_space<semaphore_mem>>)
      %dma_wait3A = tpu.memref_slice %arg7[%mul3A_52] : memref<10240xf32, #tpu.memory_space<vmem_shared>> -> memref<640xf32, #tpu.memory_space<vmem_shared>>
      %dma_wait3A_63 = tpu.memref_slice %arg3[%mul3A_50] : memref<10240xf32, #tpu.memory_space<hbm>> -> memref<640xf32, #tpu.memory_space<hbm>>
      tpu.wait_dma2 semaphore(%run_scoped3A : memref<!tpu.dma_semaphore, #tpu.memory_space<semaphore_mem>>) src(%dma_wait3A_63 : memref<640xf32, #tpu.memory_space<hbm>>) dst(%dma_wait3A : memref<640xf32, #tpu.memory_space<vmem_shared>>)
      tpu.yield
    }) : () -> ()
    %barrier3A = arith.constant 0 : index
    tpu.barrier barrier_id(%barrier3A)
    %scan3A = arith.constant 0 : i32
    %scan3A_53 = arith.constant 80 : i32
    %scan3A_54 = arith.addi %scan3A, %scan3A_53 : i32
    %scan3A_55 = arith.constant 1 : i32
    scf.for %scan3A_62 = %scan3A to %scan3A_54 step %scan3A_55  : i32 {
      %mul3A_63 = arith.constant 1 : i32
      %mul3A_64 = arith.muli %scan3A_62, %mul3A_63 : i32
      %add3A_65 = arith.constant 0 : i32
      %add3A_66 = arith.addi %add3A_65, %mul3A_64 : i32
      "tpu.region"() ({
        %run_scoped3A = tpu.sem_alloc : memref<!tpu.dma_semaphore, #tpu.memory_space<semaphore_mem>>
        %dma_start3A = arith.constant 0 : i32
        %dma_start3A_67 = tpu.memref_slice %arg5[%add3A_66, %dma_start3A] : memref<80x128xi32, #tpu.memory_space<vmem>> -> memref<1x128xi32, #tpu.memory_space<vmem>>
        %dma_start3A_68 = tpu.memref_squeeze %dma_start3A_67 : memref<1x128xi32, #tpu.memory_space<vmem>> -> memref<128xi32, #tpu.memory_space<vmem>>
        %dma_start3A_69 = arith.constant 0 : i32
        %dma_start3A_70 = tpu.memref_slice %arg7[%dma_start3A_69] : memref<10240xf32, #tpu.memory_space<vmem_shared>> -> memref<10240xf32, #tpu.memory_space<vmem_shared>>
        tpu.enqueue_indirect_dma source(%arg6 : memref<128xf32, #tpu.memory_space<vmem>>) target(%dma_start3A_70 : memref<10240xf32, #tpu.memory_space<vmem_shared>>) offsets(%dma_start3A_68 : memref<128xi32, #tpu.memory_space<vmem>>) semaphore(%run_scoped3A : memref<!tpu.dma_semaphore, #tpu.memory_space<semaphore_mem>>) {add = true}
        %dma_wait3A = arith.constant 0 : i32
        %dma_wait3A_71 = tpu.memref_slice %arg5[%add3A_66, %dma_wait3A] : memref<80x128xi32, #tpu.memory_space<vmem>> -> memref<1x128xi32, #tpu.memory_space<vmem>>
        %dma_wait3A_72 = tpu.memref_squeeze %dma_wait3A_71 : memref<1x128xi32, #tpu.memory_space<vmem>> -> memref<128xi32, #tpu.memory_space<vmem>>
        %dma_wait3A_73 = arith.constant 0 : i32
        %dma_wait3A_74 = tpu.memref_slice %arg7[%dma_wait3A_73] : memref<10240xf32, #tpu.memory_space<vmem_shared>> -> memref<10240xf32, #tpu.memory_space<vmem_shared>>
        tpu.wait_indirect_dma semaphore(%run_scoped3A : memref<!tpu.dma_semaphore, #tpu.memory_space<semaphore_mem>>) src(%arg6 : memref<128xf32, #tpu.memory_space<vmem>>) dst(%dma_wait3A_74 : memref<10240xf32, #tpu.memory_space<vmem_shared>>)
        tpu.yield
      }) : () -> ()
    }
    %scan3A_56 = arith.constant 80 : i32
    %barrier3A_57 = arith.constant 0 : index
    tpu.barrier barrier_id(%barrier3A_57)
    %mul3A_58 = arith.constant 640 : i32
    %mul3A_59 = arith.muli %arg1, %mul3A_58 : i32
    %mul3A_60 = arith.constant 640 : i32
    %mul3A_61 = arith.muli %arg1, %mul3A_60 : i32
    "tpu.region"() ({
      %run_scoped3A = tpu.sem_alloc : memref<!tpu.dma_semaphore, #tpu.memory_space<semaphore_mem>>
      %dma_start3A = tpu.memref_slice %arg4[%arg0, %mul3A_61] : memref<2x10240xf32, #tpu.memory_space<hbm>> -> memref<1x640xf32, #tpu.memory_space<hbm>>
      %dma_start3A_62 = tpu.memref_squeeze %dma_start3A : memref<1x640xf32, #tpu.memory_space<hbm>> -> memref<640xf32, #tpu.memory_space<hbm>>
      %dma_start3A_63 = tpu.memref_slice %arg7[%mul3A_59] : memref<10240xf32, #tpu.memory_space<vmem_shared>> -> memref<640xf32, #tpu.memory_space<vmem_shared>>
      tpu.enqueue_dma source(%dma_start3A_63 : memref<640xf32, #tpu.memory_space<vmem_shared>>) target(%dma_start3A_62 : memref<640xf32, #tpu.memory_space<hbm>>) target_semaphore(%run_scoped3A : memref<!tpu.dma_semaphore, #tpu.memory_space<semaphore_mem>>)
      %dma_wait3A = tpu.memref_slice %arg4[%arg0, %mul3A_61] : memref<2x10240xf32, #tpu.memory_space<hbm>> -> memref<1x640xf32, #tpu.memory_space<hbm>>
      %dma_wait3A_64 = tpu.memref_squeeze %dma_wait3A : memref<1x640xf32, #tpu.memory_space<hbm>> -> memref<640xf32, #tpu.memory_space<hbm>>
      %dma_wait3A_65 = tpu.memref_slice %arg7[%mul3A_59] : memref<10240xf32, #tpu.memory_space<vmem_shared>> -> memref<640xf32, #tpu.memory_space<vmem_shared>>
      tpu.wait_dma2 semaphore(%run_scoped3A : memref<!tpu.dma_semaphore, #tpu.memory_space<semaphore_mem>>) src(%dma_wait3A_65 : memref<640xf32, #tpu.memory_space<vmem_shared>>) dst(%dma_wait3A_64 : memref<640xf32, #tpu.memory_space<hbm>>)
      tpu.yield
    }) : () -> ()
    return
  }
}

#map = affine_map<(d0, d1) -> (0, 0)>
#map1 = affine_map<(d0, d1) -> (0, 0, 0)>
module attributes {stable_mosaic.version = 14 : i64} {
  func.func @k(%arg0: i32, %arg1: i32, %arg2: memref<10240x128xf32, #tpu.memory_space<hbm>>, %arg3: memref<2560x128xi32, #tpu.memory_space<hbm>>, %arg4: memref<2560x128xi32, #tpu.memory_space<hbm>>, %arg5: memref<10240x128xf32, #tpu.memory_space<hbm>>, %arg6: memref<2x10240x128xf32, #tpu.memory_space<hbm>>, %arg7: memref<16x128xi32, #tpu.memory_space<vmem>>, %arg8: memref<16x128xi32, #tpu.memory_space<vmem>>, %arg9: memref<2x128x128xf32, #tpu.memory_space<vmem>>, %arg10: memref<10240x128xf32, #tpu.memory_space<vmem_shared>>, %arg11: memref<!tpu.dma_semaphore, #tpu.memory_space<semaphore_mem>>, %arg12: memref<!tpu.dma_semaphore, #tpu.memory_space<semaphore_mem>>, %arg13: memref<!tpu.dma_semaphore, #tpu.memory_space<semaphore_mem>>, %arg14: memref<!tpu.dma_semaphore, #tpu.memory_space<semaphore_mem>>) attributes {dimension_semantics = [#tpu.dimension_semantics<core_parallel>, #tpu.dimension_semantics<subcore_parallel>], iteration_bounds = array<i64: 2, 16>, scalar_prefetch = 0 : i64, scratch_operands = 8 : i64, tpu.core_type = #tpu.core_type<sc_vector_subcore>, window_params = [{transform_indices = #map}, {transform_indices = #map}, {transform_indices = #map}, {transform_indices = #map}, {transform_indices = #map1}]} {
    %mul3A = arith.constant 16 : i32
    %mul3A_0 = arith.muli %arg0, %mul3A : i32
    %add3A = arith.addi %mul3A_0, %arg1 : i32
    %mul3A_1 = arith.constant 640 : i32
    %mul3A_2 = arith.muli %arg1, %mul3A_1 : i32
    %mul3A_3 = arith.constant 640 : i32
    %mul3A_4 = arith.muli %arg1, %mul3A_3 : i32
    "tpu.region"() ({
      %run_scoped3A = tpu.sem_alloc : memref<!tpu.dma_semaphore, #tpu.memory_space<semaphore_mem>>
      %dma_start3A = arith.constant 0 : i32
      %dma_start3A_37 = tpu.memref_slice %arg10[%mul3A_4, %dma_start3A] : memref<10240x128xf32, #tpu.memory_space<vmem_shared>> -> memref<640x128xf32, #tpu.memory_space<vmem_shared>>
      %dma_start3A_38 = arith.constant 0 : i32
      %dma_start3A_39 = tpu.memref_slice %arg5[%mul3A_2, %dma_start3A_38] : memref<10240x128xf32, #tpu.memory_space<hbm>> -> memref<640x128xf32, #tpu.memory_space<hbm>>
      tpu.enqueue_dma source(%dma_start3A_39 : memref<640x128xf32, #tpu.memory_space<hbm>>) target(%dma_start3A_37 : memref<640x128xf32, #tpu.memory_space<vmem_shared>>) target_semaphore(%run_scoped3A : memref<!tpu.dma_semaphore, #tpu.memory_space<semaphore_mem>>)
      %dma_wait3A_40 = arith.constant 0 : i32
      %dma_wait3A_41 = tpu.memref_slice %arg10[%mul3A_4, %dma_wait3A_40] : memref<10240x128xf32, #tpu.memory_space<vmem_shared>> -> memref<640x128xf32, #tpu.memory_space<vmem_shared>>
      %dma_wait3A_42 = arith.constant 0 : i32
      %dma_wait3A_43 = tpu.memref_slice %arg5[%mul3A_2, %dma_wait3A_42] : memref<10240x128xf32, #tpu.memory_space<hbm>> -> memref<640x128xf32, #tpu.memory_space<hbm>>
      tpu.wait_dma2 semaphore(%run_scoped3A : memref<!tpu.dma_semaphore, #tpu.memory_space<semaphore_mem>>) src(%dma_wait3A_43 : memref<640x128xf32, #tpu.memory_space<hbm>>) dst(%dma_wait3A_41 : memref<640x128xf32, #tpu.memory_space<vmem_shared>>)
      tpu.yield
    }) : () -> ()
    %barrier3A = arith.constant 0 : index
    tpu.barrier barrier_id(%barrier3A)
    %scan3A = arith.constant 0 : i32
    %scan3A_5 = arith.constant 5 : i32
    %scan3A_6 = arith.addi %scan3A, %scan3A_5 : i32
    %scan3A_7 = arith.constant 1 : i32
    scf.for %scan3A_37 = %scan3A to %scan3A_6 step %scan3A_7  : i32 {
      %mul3A_38 = arith.constant 1 : i32
      %mul3A_39 = arith.muli %scan3A_37, %mul3A_38 : i32
      %add3A_40 = arith.constant 0 : i32
      %add3A_41 = arith.addi %add3A_40, %mul3A_39 : i32
      %gt3A = arith.constant 0 : i32
      %gt3A_42 = arith.cmpi sgt, %add3A_41, %gt3A : i32
      %convert_element_type3A = arith.extui %gt3A_42 : i1 to i32
      %cond3A = arith.constant 0 : i32
      %cond3A_43 = arith.cmpi ne, %convert_element_type3A, %cond3A : i32
      scf.if %cond3A_43 {
        %dma_wait3A_54 = arith.constant 0 : i32
        %dma_wait3A_55 = arith.constant 0 : i32
        %dma_wait3A_56 = arith.constant 0 : i32
        %dma_wait3A_57 = arith.constant 0 : i32
        %dma_wait3A_58 = tpu.memref_slice %arg9[%dma_wait3A_54, %dma_wait3A_56, %dma_wait3A_57] : memref<2x128x128xf32, #tpu.memory_space<vmem>> -> memref<1x128x128xf32, #tpu.memory_space<vmem>>
        %dma_wait3A_59 = tpu.memref_squeeze %dma_wait3A_58 : memref<1x128x128xf32, #tpu.memory_space<vmem>> -> memref<128x128xf32, #tpu.memory_space<vmem>>
        %dma_wait3A_60 = arith.constant 0 : i32
        %dma_wait3A_61 = tpu.memref_slice %arg8[%dma_wait3A_55, %dma_wait3A_60] : memref<16x128xi32, #tpu.memory_space<vmem>> -> memref<1x128xi32, #tpu.memory_space<vmem>>
        %dma_wait3A_62 = tpu.memref_squeeze %dma_wait3A_61 : memref<1x128xi32, #tpu.memory_space<vmem>> -> memref<128xi32, #tpu.memory_space<vmem>>
        %dma_wait3A_63 = arith.constant 0 : i32
        %dma_wait3A_64 = arith.constant 0 : i32
        %dma_wait3A_65 = tpu.memref_slice %arg10[%dma_wait3A_63, %dma_wait3A_64] : memref<10240x128xf32, #tpu.memory_space<vmem_shared>> -> memref<10240x128xf32, #tpu.memory_space<vmem_shared>>
        tpu.wait_indirect_dma semaphore(%arg13 : memref<!tpu.dma_semaphore, #tpu.memory_space<semaphore_mem>>) src(%dma_wait3A_59 : memref<128x128xf32, #tpu.memory_space<vmem>>) dst(%dma_wait3A_65 : memref<10240x128xf32, #tpu.memory_space<vmem_shared>>)
        %dma_wait3A_66 = arith.constant 1 : i32
        %dma_wait3A_67 = arith.constant 1 : i32
        %dma_wait3A_68 = arith.constant 0 : i32
        %dma_wait3A_69 = arith.constant 0 : i32
        %dma_wait3A_70 = tpu.memref_slice %arg9[%dma_wait3A_66, %dma_wait3A_68, %dma_wait3A_69] : memref<2x128x128xf32, #tpu.memory_space<vmem>> -> memref<1x128x128xf32, #tpu.memory_space<vmem>>
        %dma_wait3A_71 = tpu.memref_squeeze %dma_wait3A_70 : memref<1x128x128xf32, #tpu.memory_space<vmem>> -> memref<128x128xf32, #tpu.memory_space<vmem>>
        %dma_wait3A_72 = arith.constant 0 : i32
        %dma_wait3A_73 = tpu.memref_slice %arg8[%dma_wait3A_67, %dma_wait3A_72] : memref<16x128xi32, #tpu.memory_space<vmem>> -> memref<1x128xi32, #tpu.memory_space<vmem>>
        %dma_wait3A_74 = tpu.memref_squeeze %dma_wait3A_73 : memref<1x128xi32, #tpu.memory_space<vmem>> -> memref<128xi32, #tpu.memory_space<vmem>>
        %dma_wait3A_75 = arith.constant 0 : i32
        %dma_wait3A_76 = arith.constant 0 : i32
        %dma_wait3A_77 = tpu.memref_slice %arg10[%dma_wait3A_75, %dma_wait3A_76] : memref<10240x128xf32, #tpu.memory_space<vmem_shared>> -> memref<10240x128xf32, #tpu.memory_space<vmem_shared>>
        tpu.wait_indirect_dma semaphore(%arg14 : memref<!tpu.dma_semaphore, #tpu.memory_space<semaphore_mem>>) src(%dma_wait3A_71 : memref<128x128xf32, #tpu.memory_space<vmem>>) dst(%dma_wait3A_77 : memref<10240x128xf32, #tpu.memory_space<vmem_shared>>)
      } else {
      }
      %mul3A_44 = arith.constant 80 : i32
      %mul3A_45 = arith.muli %add3A, %mul3A_44 : i32
      %mul3A_46 = arith.constant 16 : i32
      %mul3A_47 = arith.muli %add3A_41, %mul3A_46 : i32
      %add3A_48 = arith.addi %mul3A_45, %mul3A_47 : i32
      "tpu.region"() ({
        %run_scoped3A = tpu.sem_alloc : memref<!tpu.dma_semaphore, #tpu.memory_space<semaphore_mem>>
        %dma_start3A = arith.constant 0 : i32
        %dma_start3A_54 = tpu.memref_slice %arg3[%add3A_48, %dma_start3A] : memref<2560x128xi32, #tpu.memory_space<hbm>> -> memref<16x128xi32, #tpu.memory_space<hbm>>
        %dma_start3A_55 = arith.constant 0 : i32
        %dma_start3A_56 = tpu.memref_slice %arg3[%add3A_48, %dma_start3A_55] : memref<2560x128xi32, #tpu.memory_space<hbm>> -> memref<16x128xi32, #tpu.memory_space<hbm>>
        tpu.enqueue_dma source(%dma_start3A_56 : memref<16x128xi32, #tpu.memory_space<hbm>>) target(%arg7 : memref<16x128xi32, #tpu.memory_space<vmem>>) target_semaphore(%run_scoped3A : memref<!tpu.dma_semaphore, #tpu.memory_space<semaphore_mem>>)
        %dma_wait3A_57 = arith.constant 0 : i32
        %dma_wait3A_58 = tpu.memref_slice %arg3[%add3A_48, %dma_wait3A_57] : memref<2560x128xi32, #tpu.memory_space<hbm>> -> memref<16x128xi32, #tpu.memory_space<hbm>>
        %dma_wait3A_59 = arith.constant 0 : i32
        %dma_wait3A_60 = tpu.memref_slice %arg3[%add3A_48, %dma_wait3A_59] : memref<2560x128xi32, #tpu.memory_space<hbm>> -> memref<16x128xi32, #tpu.memory_space<hbm>>
        tpu.wait_dma2 semaphore(%run_scoped3A : memref<!tpu.dma_semaphore, #tpu.memory_space<semaphore_mem>>) src(%dma_wait3A_60 : memref<16x128xi32, #tpu.memory_space<hbm>>) dst(%arg7 : memref<16x128xi32, #tpu.memory_space<vmem>>)
        tpu.yield
      }) : () -> ()
      "tpu.region"() ({
        %run_scoped3A = tpu.sem_alloc : memref<!tpu.dma_semaphore, #tpu.memory_space<semaphore_mem>>
        %dma_start3A = arith.constant 0 : i32
        %dma_start3A_54 = tpu.memref_slice %arg4[%add3A_48, %dma_start3A] : memref<2560x128xi32, #tpu.memory_space<hbm>> -> memref<16x128xi32, #tpu.memory_space<hbm>>
        %dma_start3A_55 = arith.constant 0 : i32
        %dma_start3A_56 = tpu.memref_slice %arg4[%add3A_48, %dma_start3A_55] : memref<2560x128xi32, #tpu.memory_space<hbm>> -> memref<16x128xi32, #tpu.memory_space<hbm>>
        tpu.enqueue_dma source(%dma_start3A_56 : memref<16x128xi32, #tpu.memory_space<hbm>>) target(%arg8 : memref<16x128xi32, #tpu.memory_space<vmem>>) target_semaphore(%run_scoped3A : memref<!tpu.dma_semaphore, #tpu.memory_space<semaphore_mem>>)
        %dma_wait3A_57 = arith.constant 0 : i32
        %dma_wait3A_58 = tpu.memref_slice %arg4[%add3A_48, %dma_wait3A_57] : memref<2560x128xi32, #tpu.memory_space<hbm>> -> memref<16x128xi32, #tpu.memory_space<hbm>>
        %dma_wait3A_59 = arith.constant 0 : i32
        %dma_wait3A_60 = tpu.memref_slice %arg4[%add3A_48, %dma_wait3A_59] : memref<2560x128xi32, #tpu.memory_space<hbm>> -> memref<16x128xi32, #tpu.memory_space<hbm>>
        tpu.wait_dma2 semaphore(%run_scoped3A : memref<!tpu.dma_semaphore, #tpu.memory_space<semaphore_mem>>) src(%dma_wait3A_60 : memref<16x128xi32, #tpu.memory_space<hbm>>) dst(%arg8 : memref<16x128xi32, #tpu.memory_space<vmem>>)
        tpu.yield
      }) : () -> ()
      %scan3A_49 = arith.constant 0 : i32
      %scan3A_50 = arith.constant 8 : i32
      %scan3A_51 = arith.addi %scan3A_49, %scan3A_50 : i32
      %scan3A_52 = arith.constant 1 : i32
      scf.for %scan3A_54 = %scan3A_49 to %scan3A_51 step %scan3A_52  : i32 {
        %mul3A_55 = arith.constant 2 : i32
        %mul3A_56 = arith.muli %scan3A_54, %mul3A_55 : i32
        %add3A_57 = arith.constant 0 : i32
        %add3A_58 = arith.addi %add3A_57, %mul3A_56 : i32
        %gt3A_59 = arith.constant 0 : i32
        %gt3A_60 = arith.cmpi sgt, %add3A_58, %gt3A_59 : i32
        %convert_element_type3A_61 = arith.extui %gt3A_60 : i1 to i32
        %cond3A_62 = arith.constant 0 : i32
        %cond3A_63 = arith.cmpi ne, %convert_element_type3A_61, %cond3A_62 : i32
        scf.if %cond3A_63 {
          %dma_wait3A_133 = arith.constant 0 : i32
          %dma_wait3A_134 = arith.constant 0 : i32
          %dma_wait3A_135 = arith.constant 0 : i32
          %dma_wait3A_136 = arith.constant 0 : i32
          %dma_wait3A_137 = tpu.memref_slice %arg9[%dma_wait3A_133, %dma_wait3A_135, %dma_wait3A_136] : memref<2x128x128xf32, #tpu.memory_space<vmem>> -> memref<1x128x128xf32, #tpu.memory_space<vmem>>
          %dma_wait3A_138 = tpu.memref_squeeze %dma_wait3A_137 : memref<1x128x128xf32, #tpu.memory_space<vmem>> -> memref<128x128xf32, #tpu.memory_space<vmem>>
          %dma_wait3A_139 = arith.constant 0 : i32
          %dma_wait3A_140 = tpu.memref_slice %arg8[%dma_wait3A_134, %dma_wait3A_139] : memref<16x128xi32, #tpu.memory_space<vmem>> -> memref<1x128xi32, #tpu.memory_space<vmem>>
          %dma_wait3A_141 = tpu.memref_squeeze %dma_wait3A_140 : memref<1x128xi32, #tpu.memory_space<vmem>> -> memref<128xi32, #tpu.memory_space<vmem>>
          %dma_wait3A_142 = arith.constant 0 : i32
          %dma_wait3A_143 = arith.constant 0 : i32
          %dma_wait3A_144 = tpu.memref_slice %arg10[%dma_wait3A_142, %dma_wait3A_143] : memref<10240x128xf32, #tpu.memory_space<vmem_shared>> -> memref<10240x128xf32, #tpu.memory_space<vmem_shared>>
          tpu.wait_indirect_dma semaphore(%arg13 : memref<!tpu.dma_semaphore, #tpu.memory_space<semaphore_mem>>) src(%dma_wait3A_138 : memref<128x128xf32, #tpu.memory_space<vmem>>) dst(%dma_wait3A_144 : memref<10240x128xf32, #tpu.memory_space<vmem_shared>>)
          %dma_wait3A_145 = arith.constant 1 : i32
          %dma_wait3A_146 = arith.constant 1 : i32
          %dma_wait3A_147 = arith.constant 0 : i32
          %dma_wait3A_148 = arith.constant 0 : i32
          %dma_wait3A_149 = tpu.memref_slice %arg9[%dma_wait3A_145, %dma_wait3A_147, %dma_wait3A_148] : memref<2x128x128xf32, #tpu.memory_space<vmem>> -> memref<1x128x128xf32, #tpu.memory_space<vmem>>
          %dma_wait3A_150 = tpu.memref_squeeze %dma_wait3A_149 : memref<1x128x128xf32, #tpu.memory_space<vmem>> -> memref<128x128xf32, #tpu.memory_space<vmem>>
          %dma_wait3A_151 = arith.constant 0 : i32
          %dma_wait3A_152 = tpu.memref_slice %arg8[%dma_wait3A_146, %dma_wait3A_151] : memref<16x128xi32, #tpu.memory_space<vmem>> -> memref<1x128xi32, #tpu.memory_space<vmem>>
          %dma_wait3A_153 = tpu.memref_squeeze %dma_wait3A_152 : memref<1x128xi32, #tpu.memory_space<vmem>> -> memref<128xi32, #tpu.memory_space<vmem>>
          %dma_wait3A_154 = arith.constant 0 : i32
          %dma_wait3A_155 = arith.constant 0 : i32
          %dma_wait3A_156 = tpu.memref_slice %arg10[%dma_wait3A_154, %dma_wait3A_155] : memref<10240x128xf32, #tpu.memory_space<vmem_shared>> -> memref<10240x128xf32, #tpu.memory_space<vmem_shared>>
          tpu.wait_indirect_dma semaphore(%arg14 : memref<!tpu.dma_semaphore, #tpu.memory_space<semaphore_mem>>) src(%dma_wait3A_150 : memref<128x128xf32, #tpu.memory_space<vmem>>) dst(%dma_wait3A_156 : memref<10240x128xf32, #tpu.memory_space<vmem_shared>>)
        } else {
        }
        %dma_start3A = arith.constant 0 : i32
        %dma_start3A_64 = arith.constant 0 : i32
        %dma_start3A_65 = arith.constant 0 : i32
        %dma_start3A_66 = tpu.memref_slice %arg9[%dma_start3A, %dma_start3A_64, %dma_start3A_65] : memref<2x128x128xf32, #tpu.memory_space<vmem>> -> memref<1x128x128xf32, #tpu.memory_space<vmem>>
        %dma_start3A_67 = tpu.memref_squeeze %dma_start3A_66 : memref<1x128x128xf32, #tpu.memory_space<vmem>> -> memref<128x128xf32, #tpu.memory_space<vmem>>
        %dma_start3A_68 = arith.constant 0 : i32
        %dma_start3A_69 = tpu.memref_slice %arg7[%add3A_58, %dma_start3A_68] : memref<16x128xi32, #tpu.memory_space<vmem>> -> memref<1x128xi32, #tpu.memory_space<vmem>>
        %dma_start3A_70 = tpu.memref_squeeze %dma_start3A_69 : memref<1x128xi32, #tpu.memory_space<vmem>> -> memref<128xi32, #tpu.memory_space<vmem>>
        %dma_start3A_71 = arith.constant 0 : i32
        %dma_start3A_72 = arith.constant 0 : i32
        %dma_start3A_73 = tpu.memref_slice %arg2[%dma_start3A_71, %dma_start3A_72] : memref<10240x128xf32, #tpu.memory_space<hbm>> -> memref<10240x128xf32, #tpu.memory_space<hbm>>
        tpu.enqueue_indirect_dma source(%dma_start3A_73 : memref<10240x128xf32, #tpu.memory_space<hbm>>) target(%dma_start3A_67 : memref<128x128xf32, #tpu.memory_space<vmem>>) offsets(%dma_start3A_70 : memref<128xi32, #tpu.memory_space<vmem>>) semaphore(%arg11 : memref<!tpu.dma_semaphore, #tpu.memory_space<semaphore_mem>>)
        %add3A_74 = arith.constant 1 : i32
        %add3A_75 = arith.addi %add3A_58, %add3A_74 : i32
        %dma_start3A_76 = arith.constant 1 : i32
        %dma_start3A_77 = arith.constant 0 : i32
        %dma_start3A_78 = arith.constant 0 : i32
        %dma_start3A_79 = tpu.memref_slice %arg9[%dma_start3A_76, %dma_start3A_77, %dma_start3A_78] : memref<2x128x128xf32, #tpu.memory_space<vmem>> -> memref<1x128x128xf32, #tpu.memory_space<vmem>>
        %dma_start3A_80 = tpu.memref_squeeze %dma_start3A_79 : memref<1x128x128xf32, #tpu.memory_space<vmem>> -> memref<128x128xf32, #tpu.memory_space<vmem>>
        %dma_start3A_81 = arith.constant 0 : i32
        %dma_start3A_82 = tpu.memref_slice %arg7[%add3A_75, %dma_start3A_81] : memref<16x128xi32, #tpu.memory_space<vmem>> -> memref<1x128xi32, #tpu.memory_space<vmem>>
        %dma_start3A_83 = tpu.memref_squeeze %dma_start3A_82 : memref<1x128xi32, #tpu.memory_space<vmem>> -> memref<128xi32, #tpu.memory_space<vmem>>
        %dma_start3A_84 = arith.constant 0 : i32
        %dma_start3A_85 = arith.constant 0 : i32
        %dma_start3A_86 = tpu.memref_slice %arg2[%dma_start3A_84, %dma_start3A_85] : memref<10240x128xf32, #tpu.memory_space<hbm>> -> memref<10240x128xf32, #tpu.memory_space<hbm>>
        tpu.enqueue_indirect_dma source(%dma_start3A_86 : memref<10240x128xf32, #tpu.memory_space<hbm>>) target(%dma_start3A_80 : memref<128x128xf32, #tpu.memory_space<vmem>>) offsets(%dma_start3A_83 : memref<128xi32, #tpu.memory_space<vmem>>) semaphore(%arg12 : memref<!tpu.dma_semaphore, #tpu.memory_space<semaphore_mem>>)
        %dma_wait3A_87 = arith.constant 0 : i32
        %dma_wait3A_88 = arith.constant 0 : i32
        %dma_wait3A_89 = arith.constant 0 : i32
        %dma_wait3A_90 = tpu.memref_slice %arg9[%dma_wait3A_87, %dma_wait3A_88, %dma_wait3A_89] : memref<2x128x128xf32, #tpu.memory_space<vmem>> -> memref<1x128x128xf32, #tpu.memory_space<vmem>>
        %dma_wait3A_91 = tpu.memref_squeeze %dma_wait3A_90 : memref<1x128x128xf32, #tpu.memory_space<vmem>> -> memref<128x128xf32, #tpu.memory_space<vmem>>
        %dma_wait3A_92 = arith.constant 0 : i32
        %dma_wait3A_93 = tpu.memref_slice %arg7[%add3A_58, %dma_wait3A_92] : memref<16x128xi32, #tpu.memory_space<vmem>> -> memref<1x128xi32, #tpu.memory_space<vmem>>
        %dma_wait3A_94 = tpu.memref_squeeze %dma_wait3A_93 : memref<1x128xi32, #tpu.memory_space<vmem>> -> memref<128xi32, #tpu.memory_space<vmem>>
        %dma_wait3A_95 = arith.constant 0 : i32
        %dma_wait3A_96 = arith.constant 0 : i32
        %dma_wait3A_97 = tpu.memref_slice %arg2[%dma_wait3A_95, %dma_wait3A_96] : memref<10240x128xf32, #tpu.memory_space<hbm>> -> memref<10240x128xf32, #tpu.memory_space<hbm>>
        tpu.wait_indirect_dma semaphore(%arg11 : memref<!tpu.dma_semaphore, #tpu.memory_space<semaphore_mem>>) src(%dma_wait3A_97 : memref<10240x128xf32, #tpu.memory_space<hbm>>) dst(%dma_wait3A_91 : memref<128x128xf32, #tpu.memory_space<vmem>>)
        %dma_start3A_98 = arith.constant 0 : i32
        %dma_start3A_99 = arith.constant 0 : i32
        %dma_start3A_100 = arith.constant 0 : i32
        %dma_start3A_101 = tpu.memref_slice %arg9[%dma_start3A_98, %dma_start3A_99, %dma_start3A_100] : memref<2x128x128xf32, #tpu.memory_space<vmem>> -> memref<1x128x128xf32, #tpu.memory_space<vmem>>
        %dma_start3A_102 = tpu.memref_squeeze %dma_start3A_101 : memref<1x128x128xf32, #tpu.memory_space<vmem>> -> memref<128x128xf32, #tpu.memory_space<vmem>>
        %dma_start3A_103 = arith.constant 0 : i32
        %dma_start3A_104 = tpu.memref_slice %arg8[%add3A_58, %dma_start3A_103] : memref<16x128xi32, #tpu.memory_space<vmem>> -> memref<1x128xi32, #tpu.memory_space<vmem>>
        %dma_start3A_105 = tpu.memref_squeeze %dma_start3A_104 : memref<1x128xi32, #tpu.memory_space<vmem>> -> memref<128xi32, #tpu.memory_space<vmem>>
        %dma_start3A_106 = arith.constant 0 : i32
        %dma_start3A_107 = arith.constant 0 : i32
        %dma_start3A_108 = tpu.memref_slice %arg10[%dma_start3A_106, %dma_start3A_107] : memref<10240x128xf32, #tpu.memory_space<vmem_shared>> -> memref<10240x128xf32, #tpu.memory_space<vmem_shared>>
        tpu.enqueue_indirect_dma source(%dma_start3A_102 : memref<128x128xf32, #tpu.memory_space<vmem>>) target(%dma_start3A_108 : memref<10240x128xf32, #tpu.memory_space<vmem_shared>>) offsets(%dma_start3A_105 : memref<128xi32, #tpu.memory_space<vmem>>) semaphore(%arg13 : memref<!tpu.dma_semaphore, #tpu.memory_space<semaphore_mem>>) {add = true}
        %dma_wait3A_109 = arith.constant 1 : i32
        %dma_wait3A_110 = arith.constant 0 : i32
        %dma_wait3A_111 = arith.constant 0 : i32
        %dma_wait3A_112 = tpu.memref_slice %arg9[%dma_wait3A_109, %dma_wait3A_110, %dma_wait3A_111] : memref<2x128x128xf32, #tpu.memory_space<vmem>> -> memref<1x128x128xf32, #tpu.memory_space<vmem>>
        %dma_wait3A_113 = tpu.memref_squeeze %dma_wait3A_112 : memref<1x128x128xf32, #tpu.memory_space<vmem>> -> memref<128x128xf32, #tpu.memory_space<vmem>>
        %dma_wait3A_114 = arith.constant 0 : i32
        %dma_wait3A_115 = tpu.memref_slice %arg7[%add3A_75, %dma_wait3A_114] : memref<16x128xi32, #tpu.memory_space<vmem>> -> memref<1x128xi32, #tpu.memory_space<vmem>>
        %dma_wait3A_116 = tpu.memref_squeeze %dma_wait3A_115 : memref<1x128xi32, #tpu.memory_space<vmem>> -> memref<128xi32, #tpu.memory_space<vmem>>
        %dma_wait3A_117 = arith.constant 0 : i32
        %dma_wait3A_118 = arith.constant 0 : i32
        %dma_wait3A_119 = tpu.memref_slice %arg2[%dma_wait3A_117, %dma_wait3A_118] : memref<10240x128xf32, #tpu.memory_space<hbm>> -> memref<10240x128xf32, #tpu.memory_space<hbm>>
        tpu.wait_indirect_dma semaphore(%arg12 : memref<!tpu.dma_semaphore, #tpu.memory_space<semaphore_mem>>) src(%dma_wait3A_119 : memref<10240x128xf32, #tpu.memory_space<hbm>>) dst(%dma_wait3A_113 : memref<128x128xf32, #tpu.memory_space<vmem>>)
        %add3A_120 = arith.constant 1 : i32
        %add3A_121 = arith.addi %add3A_58, %add3A_120 : i32
        %dma_start3A_122 = arith.constant 1 : i32
        %dma_start3A_123 = arith.constant 0 : i32
        %dma_start3A_124 = arith.constant 0 : i32
        %dma_start3A_125 = tpu.memref_slice %arg9[%dma_start3A_122, %dma_start3A_123, %dma_start3A_124] : memref<2x128x128xf32, #tpu.memory_space<vmem>> -> memref<1x128x128xf32, #tpu.memory_space<vmem>>
        %dma_start3A_126 = tpu.memref_squeeze %dma_start3A_125 : memref<1x128x128xf32, #tpu.memory_space<vmem>> -> memref<128x128xf32, #tpu.memory_space<vmem>>
        %dma_start3A_127 = arith.constant 0 : i32
        %dma_start3A_128 = tpu.memref_slice %arg8[%add3A_121, %dma_start3A_127] : memref<16x128xi32, #tpu.memory_space<vmem>> -> memref<1x128xi32, #tpu.memory_space<vmem>>
        %dma_start3A_129 = tpu.memref_squeeze %dma_start3A_128 : memref<1x128xi32, #tpu.memory_space<vmem>> -> memref<128xi32, #tpu.memory_space<vmem>>
        %dma_start3A_130 = arith.constant 0 : i32
        %dma_start3A_131 = arith.constant 0 : i32
        %dma_start3A_132 = tpu.memref_slice %arg10[%dma_start3A_130, %dma_start3A_131] : memref<10240x128xf32, #tpu.memory_space<vmem_shared>> -> memref<10240x128xf32, #tpu.memory_space<vmem_shared>>
        tpu.enqueue_indirect_dma source(%dma_start3A_126 : memref<128x128xf32, #tpu.memory_space<vmem>>) target(%dma_start3A_132 : memref<10240x128xf32, #tpu.memory_space<vmem_shared>>) offsets(%dma_start3A_129 : memref<128xi32, #tpu.memory_space<vmem>>) semaphore(%arg14 : memref<!tpu.dma_semaphore, #tpu.memory_space<semaphore_mem>>) {add = true}
      }
      %scan3A_53 = arith.constant 8 : i32
    }
    %scan3A_8 = arith.constant 5 : i32
    %dma_wait3A = arith.constant 0 : i32
    %dma_wait3A_9 = arith.constant 0 : i32
    %dma_wait3A_10 = arith.constant 0 : i32
    %dma_wait3A_11 = arith.constant 0 : i32
    %dma_wait3A_12 = tpu.memref_slice %arg9[%dma_wait3A, %dma_wait3A_10, %dma_wait3A_11] : memref<2x128x128xf32, #tpu.memory_space<vmem>> -> memref<1x128x128xf32, #tpu.memory_space<vmem>>
    %dma_wait3A_13 = tpu.memref_squeeze %dma_wait3A_12 : memref<1x128x128xf32, #tpu.memory_space<vmem>> -> memref<128x128xf32, #tpu.memory_space<vmem>>
    %dma_wait3A_14 = arith.constant 0 : i32
    %dma_wait3A_15 = tpu.memref_slice %arg8[%dma_wait3A_9, %dma_wait3A_14] : memref<16x128xi32, #tpu.memory_space<vmem>> -> memref<1x128xi32, #tpu.memory_space<vmem>>
    %dma_wait3A_16 = tpu.memref_squeeze %dma_wait3A_15 : memref<1x128xi32, #tpu.memory_space<vmem>> -> memref<128xi32, #tpu.memory_space<vmem>>
    %dma_wait3A_17 = arith.constant 0 : i32
    %dma_wait3A_18 = arith.constant 0 : i32
    %dma_wait3A_19 = tpu.memref_slice %arg10[%dma_wait3A_17, %dma_wait3A_18] : memref<10240x128xf32, #tpu.memory_space<vmem_shared>> -> memref<10240x128xf32, #tpu.memory_space<vmem_shared>>
    tpu.wait_indirect_dma semaphore(%arg13 : memref<!tpu.dma_semaphore, #tpu.memory_space<semaphore_mem>>) src(%dma_wait3A_13 : memref<128x128xf32, #tpu.memory_space<vmem>>) dst(%dma_wait3A_19 : memref<10240x128xf32, #tpu.memory_space<vmem_shared>>)
    %dma_wait3A_20 = arith.constant 1 : i32
    %dma_wait3A_21 = arith.constant 1 : i32
    %dma_wait3A_22 = arith.constant 0 : i32
    %dma_wait3A_23 = arith.constant 0 : i32
    %dma_wait3A_24 = tpu.memref_slice %arg9[%dma_wait3A_20, %dma_wait3A_22, %dma_wait3A_23] : memref<2x128x128xf32, #tpu.memory_space<vmem>> -> memref<1x128x128xf32, #tpu.memory_space<vmem>>
    %dma_wait3A_25 = tpu.memref_squeeze %dma_wait3A_24 : memref<1x128x128xf32, #tpu.memory_space<vmem>> -> memref<128x128xf32, #tpu.memory_space<vmem>>
    %dma_wait3A_26 = arith.constant 0 : i32
    %dma_wait3A_27 = tpu.memref_slice %arg8[%dma_wait3A_21, %dma_wait3A_26] : memref<16x128xi32, #tpu.memory_space<vmem>> -> memref<1x128xi32, #tpu.memory_space<vmem>>
    %dma_wait3A_28 = tpu.memref_squeeze %dma_wait3A_27 : memref<1x128xi32, #tpu.memory_space<vmem>> -> memref<128xi32, #tpu.memory_space<vmem>>
    %dma_wait3A_29 = arith.constant 0 : i32
    %dma_wait3A_30 = arith.constant 0 : i32
    %dma_wait3A_31 = tpu.memref_slice %arg10[%dma_wait3A_29, %dma_wait3A_30] : memref<10240x128xf32, #tpu.memory_space<vmem_shared>> -> memref<10240x128xf32, #tpu.memory_space<vmem_shared>>
    tpu.wait_indirect_dma semaphore(%arg14 : memref<!tpu.dma_semaphore, #tpu.memory_space<semaphore_mem>>) src(%dma_wait3A_25 : memref<128x128xf32, #tpu.memory_space<vmem>>) dst(%dma_wait3A_31 : memref<10240x128xf32, #tpu.memory_space<vmem_shared>>)
    %barrier3A_32 = arith.constant 0 : index
    tpu.barrier barrier_id(%barrier3A_32)
    %mul3A_33 = arith.constant 640 : i32
    %mul3A_34 = arith.muli %arg1, %mul3A_33 : i32
    %mul3A_35 = arith.constant 640 : i32
    %mul3A_36 = arith.muli %arg1, %mul3A_35 : i32
    "tpu.region"() ({
      %run_scoped3A = tpu.sem_alloc : memref<!tpu.dma_semaphore, #tpu.memory_space<semaphore_mem>>
      %dma_start3A = arith.constant 0 : i32
      %dma_start3A_37 = tpu.memref_slice %arg6[%arg0, %mul3A_36, %dma_start3A] : memref<2x10240x128xf32, #tpu.memory_space<hbm>> -> memref<1x640x128xf32, #tpu.memory_space<hbm>>
      %dma_start3A_38 = tpu.memref_squeeze %dma_start3A_37 : memref<1x640x128xf32, #tpu.memory_space<hbm>> -> memref<640x128xf32, #tpu.memory_space<hbm>>
      %dma_start3A_39 = arith.constant 0 : i32
      %dma_start3A_40 = tpu.memref_slice %arg10[%mul3A_34, %dma_start3A_39] : memref<10240x128xf32, #tpu.memory_space<vmem_shared>> -> memref<640x128xf32, #tpu.memory_space<vmem_shared>>
      tpu.enqueue_dma source(%dma_start3A_40 : memref<640x128xf32, #tpu.memory_space<vmem_shared>>) target(%dma_start3A_38 : memref<640x128xf32, #tpu.memory_space<hbm>>) target_semaphore(%run_scoped3A : memref<!tpu.dma_semaphore, #tpu.memory_space<semaphore_mem>>)
      %dma_wait3A_41 = arith.constant 0 : i32
      %dma_wait3A_42 = tpu.memref_slice %arg6[%arg0, %mul3A_36, %dma_wait3A_41] : memref<2x10240x128xf32, #tpu.memory_space<hbm>> -> memref<1x640x128xf32, #tpu.memory_space<hbm>>
      %dma_wait3A_43 = tpu.memref_squeeze %dma_wait3A_42 : memref<1x640x128xf32, #tpu.memory_space<hbm>> -> memref<640x128xf32, #tpu.memory_space<hbm>>
      %dma_wait3A_44 = arith.constant 0 : i32
      %dma_wait3A_45 = tpu.memref_slice %arg10[%mul3A_34, %dma_wait3A_44] : memref<10240x128xf32, #tpu.memory_space<vmem_shared>> -> memref<640x128xf32, #tpu.memory_space<vmem_shared>>
      tpu.wait_dma2 semaphore(%run_scoped3A : memref<!tpu.dma_semaphore, #tpu.memory_space<semaphore_mem>>) src(%dma_wait3A_45 : memref<640x128xf32, #tpu.memory_space<vmem_shared>>) dst(%dma_wait3A_43 : memref<640x128xf32, #tpu.memory_space<hbm>>)
      tpu.yield
    }) : () -> ()
    return
  }
}

#map = affine_map<(d0, d1) -> (0, 0)>
#map1 = affine_map<(d0, d1) -> (0, 0, 0)>
module attributes {stable_mosaic.version = 14 : i64} {
  func.func @k(%arg0: i32, %arg1: i32, %arg2: memref<10240x128xf32, #tpu.memory_space<hbm>>, %arg3: memref<2560x128xi32, #tpu.memory_space<hbm>>, %arg4: memref<2560x128xi32, #tpu.memory_space<hbm>>, %arg5: memref<10240x128xf32, #tpu.memory_space<hbm>>, %arg6: memref<2x10240x128xf32, #tpu.memory_space<hbm>>, %arg7: memref<16x128xi32, #tpu.memory_space<vmem>>, %arg8: memref<16x128xi32, #tpu.memory_space<vmem>>, %arg9: memref<2x128x128xf32, #tpu.memory_space<vmem>>, %arg10: memref<10240x128xf32, #tpu.memory_space<vmem_shared>>, %arg11: memref<!tpu.dma_semaphore, #tpu.memory_space<semaphore_mem>>, %arg12: memref<!tpu.dma_semaphore, #tpu.memory_space<semaphore_mem>>, %arg13: memref<!tpu.dma_semaphore, #tpu.memory_space<semaphore_mem>>, %arg14: memref<!tpu.dma_semaphore, #tpu.memory_space<semaphore_mem>>) attributes {dimension_semantics = [#tpu.dimension_semantics<core_parallel>, #tpu.dimension_semantics<subcore_parallel>], iteration_bounds = array<i64: 2, 16>, scalar_prefetch = 0 : i64, scratch_operands = 8 : i64, tpu.core_type = #tpu.core_type<sc_vector_subcore>, window_params = [{transform_indices = #map}, {transform_indices = #map}, {transform_indices = #map}, {transform_indices = #map}, {transform_indices = #map1}]} {
    %mul3A = arith.constant 16 : i32
    %mul3A_0 = arith.muli %arg0, %mul3A : i32
    %add3A = arith.addi %mul3A_0, %arg1 : i32
    %mul3A_1 = arith.constant 640 : i32
    %mul3A_2 = arith.muli %arg1, %mul3A_1 : i32
    %mul3A_3 = arith.constant 640 : i32
    %mul3A_4 = arith.muli %arg1, %mul3A_3 : i32
    "tpu.region"() ({
      %run_scoped3A = tpu.sem_alloc : memref<!tpu.dma_semaphore, #tpu.memory_space<semaphore_mem>>
      %dma_start3A = arith.constant 0 : i32
      %dma_start3A_37 = tpu.memref_slice %arg10[%mul3A_4, %dma_start3A] : memref<10240x128xf32, #tpu.memory_space<vmem_shared>> -> memref<640x128xf32, #tpu.memory_space<vmem_shared>>
      %dma_start3A_38 = arith.constant 0 : i32
      %dma_start3A_39 = tpu.memref_slice %arg5[%mul3A_2, %dma_start3A_38] : memref<10240x128xf32, #tpu.memory_space<hbm>> -> memref<640x128xf32, #tpu.memory_space<hbm>>
      tpu.enqueue_dma source(%dma_start3A_39 : memref<640x128xf32, #tpu.memory_space<hbm>>) target(%dma_start3A_37 : memref<640x128xf32, #tpu.memory_space<vmem_shared>>) target_semaphore(%run_scoped3A : memref<!tpu.dma_semaphore, #tpu.memory_space<semaphore_mem>>)
      %dma_wait3A_40 = arith.constant 0 : i32
      %dma_wait3A_41 = tpu.memref_slice %arg10[%mul3A_4, %dma_wait3A_40] : memref<10240x128xf32, #tpu.memory_space<vmem_shared>> -> memref<640x128xf32, #tpu.memory_space<vmem_shared>>
      %dma_wait3A_42 = arith.constant 0 : i32
      %dma_wait3A_43 = tpu.memref_slice %arg5[%mul3A_2, %dma_wait3A_42] : memref<10240x128xf32, #tpu.memory_space<hbm>> -> memref<640x128xf32, #tpu.memory_space<hbm>>
      tpu.wait_dma2 semaphore(%run_scoped3A : memref<!tpu.dma_semaphore, #tpu.memory_space<semaphore_mem>>) src(%dma_wait3A_43 : memref<640x128xf32, #tpu.memory_space<hbm>>) dst(%dma_wait3A_41 : memref<640x128xf32, #tpu.memory_space<vmem_shared>>)
      tpu.yield
    }) : () -> ()
    %barrier3A = arith.constant 0 : index
    tpu.barrier barrier_id(%barrier3A)
    %scan3A = arith.constant 0 : i32
    %scan3A_5 = arith.constant 5 : i32
    %scan3A_6 = arith.addi %scan3A, %scan3A_5 : i32
    %scan3A_7 = arith.constant 1 : i32
    scf.for %scan3A_37 = %scan3A to %scan3A_6 step %scan3A_7  : i32 {
      %mul3A_38 = arith.constant 1 : i32
      %mul3A_39 = arith.muli %scan3A_37, %mul3A_38 : i32
      %add3A_40 = arith.constant 0 : i32
      %add3A_41 = arith.addi %add3A_40, %mul3A_39 : i32
      %gt3A = arith.constant 0 : i32
      %gt3A_42 = arith.cmpi sgt, %add3A_41, %gt3A : i32
      %convert_element_type3A = arith.extui %gt3A_42 : i1 to i32
      %cond3A = arith.constant 0 : i32
      %cond3A_43 = arith.cmpi ne, %convert_element_type3A, %cond3A : i32
      scf.if %cond3A_43 {
        %dma_wait3A_54 = arith.constant 0 : i32
        %dma_wait3A_55 = arith.constant 0 : i32
        %dma_wait3A_56 = arith.constant 0 : i32
        %dma_wait3A_57 = arith.constant 0 : i32
        %dma_wait3A_58 = tpu.memref_slice %arg9[%dma_wait3A_54, %dma_wait3A_56, %dma_wait3A_57] : memref<2x128x128xf32, #tpu.memory_space<vmem>> -> memref<1x128x128xf32, #tpu.memory_space<vmem>>
        %dma_wait3A_59 = tpu.memref_squeeze %dma_wait3A_58 : memref<1x128x128xf32, #tpu.memory_space<vmem>> -> memref<128x128xf32, #tpu.memory_space<vmem>>
        %dma_wait3A_60 = arith.constant 0 : i32
        %dma_wait3A_61 = tpu.memref_slice %arg8[%dma_wait3A_55, %dma_wait3A_60] : memref<16x128xi32, #tpu.memory_space<vmem>> -> memref<1x128xi32, #tpu.memory_space<vmem>>
        %dma_wait3A_62 = tpu.memref_squeeze %dma_wait3A_61 : memref<1x128xi32, #tpu.memory_space<vmem>> -> memref<128xi32, #tpu.memory_space<vmem>>
        %dma_wait3A_63 = arith.constant 0 : i32
        %dma_wait3A_64 = arith.constant 0 : i32
        %dma_wait3A_65 = tpu.memref_slice %arg10[%dma_wait3A_63, %dma_wait3A_64] : memref<10240x128xf32, #tpu.memory_space<vmem_shared>> -> memref<10240x128xf32, #tpu.memory_space<vmem_shared>>
        tpu.wait_indirect_dma semaphore(%arg13 : memref<!tpu.dma_semaphore, #tpu.memory_space<semaphore_mem>>) src(%dma_wait3A_59 : memref<128x128xf32, #tpu.memory_space<vmem>>) dst(%dma_wait3A_65 : memref<10240x128xf32, #tpu.memory_space<vmem_shared>>)
        %dma_wait3A_66 = arith.constant 1 : i32
        %dma_wait3A_67 = arith.constant 1 : i32
        %dma_wait3A_68 = arith.constant 0 : i32
        %dma_wait3A_69 = arith.constant 0 : i32
        %dma_wait3A_70 = tpu.memref_slice %arg9[%dma_wait3A_66, %dma_wait3A_68, %dma_wait3A_69] : memref<2x128x128xf32, #tpu.memory_space<vmem>> -> memref<1x128x128xf32, #tpu.memory_space<vmem>>
        %dma_wait3A_71 = tpu.memref_squeeze %dma_wait3A_70 : memref<1x128x128xf32, #tpu.memory_space<vmem>> -> memref<128x128xf32, #tpu.memory_space<vmem>>
        %dma_wait3A_72 = arith.constant 0 : i32
        %dma_wait3A_73 = tpu.memref_slice %arg8[%dma_wait3A_67, %dma_wait3A_72] : memref<16x128xi32, #tpu.memory_space<vmem>> -> memref<1x128xi32, #tpu.memory_space<vmem>>
        %dma_wait3A_74 = tpu.memref_squeeze %dma_wait3A_73 : memref<1x128xi32, #tpu.memory_space<vmem>> -> memref<128xi32, #tpu.memory_space<vmem>>
        %dma_wait3A_75 = arith.constant 0 : i32
        %dma_wait3A_76 = arith.constant 0 : i32
        %dma_wait3A_77 = tpu.memref_slice %arg10[%dma_wait3A_75, %dma_wait3A_76] : memref<10240x128xf32, #tpu.memory_space<vmem_shared>> -> memref<10240x128xf32, #tpu.memory_space<vmem_shared>>
        tpu.wait_indirect_dma semaphore(%arg14 : memref<!tpu.dma_semaphore, #tpu.memory_space<semaphore_mem>>) src(%dma_wait3A_71 : memref<128x128xf32, #tpu.memory_space<vmem>>) dst(%dma_wait3A_77 : memref<10240x128xf32, #tpu.memory_space<vmem_shared>>)
      } else {
      }
      %mul3A_44 = arith.constant 80 : i32
      %mul3A_45 = arith.muli %add3A, %mul3A_44 : i32
      %mul3A_46 = arith.constant 16 : i32
      %mul3A_47 = arith.muli %add3A_41, %mul3A_46 : i32
      %add3A_48 = arith.addi %mul3A_45, %mul3A_47 : i32
      "tpu.region"() ({
        %run_scoped3A = tpu.sem_alloc : memref<!tpu.dma_semaphore, #tpu.memory_space<semaphore_mem>>
        %dma_start3A = arith.constant 0 : i32
        %dma_start3A_54 = tpu.memref_slice %arg3[%add3A_48, %dma_start3A] : memref<2560x128xi32, #tpu.memory_space<hbm>> -> memref<16x128xi32, #tpu.memory_space<hbm>>
        %dma_start3A_55 = arith.constant 0 : i32
        %dma_start3A_56 = tpu.memref_slice %arg3[%add3A_48, %dma_start3A_55] : memref<2560x128xi32, #tpu.memory_space<hbm>> -> memref<16x128xi32, #tpu.memory_space<hbm>>
        tpu.enqueue_dma source(%dma_start3A_56 : memref<16x128xi32, #tpu.memory_space<hbm>>) target(%arg7 : memref<16x128xi32, #tpu.memory_space<vmem>>) target_semaphore(%run_scoped3A : memref<!tpu.dma_semaphore, #tpu.memory_space<semaphore_mem>>)
        %dma_wait3A_57 = arith.constant 0 : i32
        %dma_wait3A_58 = tpu.memref_slice %arg3[%add3A_48, %dma_wait3A_57] : memref<2560x128xi32, #tpu.memory_space<hbm>> -> memref<16x128xi32, #tpu.memory_space<hbm>>
        %dma_wait3A_59 = arith.constant 0 : i32
        %dma_wait3A_60 = tpu.memref_slice %arg3[%add3A_48, %dma_wait3A_59] : memref<2560x128xi32, #tpu.memory_space<hbm>> -> memref<16x128xi32, #tpu.memory_space<hbm>>
        tpu.wait_dma2 semaphore(%run_scoped3A : memref<!tpu.dma_semaphore, #tpu.memory_space<semaphore_mem>>) src(%dma_wait3A_60 : memref<16x128xi32, #tpu.memory_space<hbm>>) dst(%arg7 : memref<16x128xi32, #tpu.memory_space<vmem>>)
        tpu.yield
      }) : () -> ()
      "tpu.region"() ({
        %run_scoped3A = tpu.sem_alloc : memref<!tpu.dma_semaphore, #tpu.memory_space<semaphore_mem>>
        %dma_start3A = arith.constant 0 : i32
        %dma_start3A_54 = tpu.memref_slice %arg4[%add3A_48, %dma_start3A] : memref<2560x128xi32, #tpu.memory_space<hbm>> -> memref<16x128xi32, #tpu.memory_space<hbm>>
        %dma_start3A_55 = arith.constant 0 : i32
        %dma_start3A_56 = tpu.memref_slice %arg4[%add3A_48, %dma_start3A_55] : memref<2560x128xi32, #tpu.memory_space<hbm>> -> memref<16x128xi32, #tpu.memory_space<hbm>>
        tpu.enqueue_dma source(%dma_start3A_56 : memref<16x128xi32, #tpu.memory_space<hbm>>) target(%arg8 : memref<16x128xi32, #tpu.memory_space<vmem>>) target_semaphore(%run_scoped3A : memref<!tpu.dma_semaphore, #tpu.memory_space<semaphore_mem>>)
        %dma_wait3A_57 = arith.constant 0 : i32
        %dma_wait3A_58 = tpu.memref_slice %arg4[%add3A_48, %dma_wait3A_57] : memref<2560x128xi32, #tpu.memory_space<hbm>> -> memref<16x128xi32, #tpu.memory_space<hbm>>
        %dma_wait3A_59 = arith.constant 0 : i32
        %dma_wait3A_60 = tpu.memref_slice %arg4[%add3A_48, %dma_wait3A_59] : memref<2560x128xi32, #tpu.memory_space<hbm>> -> memref<16x128xi32, #tpu.memory_space<hbm>>
        tpu.wait_dma2 semaphore(%run_scoped3A : memref<!tpu.dma_semaphore, #tpu.memory_space<semaphore_mem>>) src(%dma_wait3A_60 : memref<16x128xi32, #tpu.memory_space<hbm>>) dst(%arg8 : memref<16x128xi32, #tpu.memory_space<vmem>>)
        tpu.yield
      }) : () -> ()
      %scan3A_49 = arith.constant 0 : i32
      %scan3A_50 = arith.constant 8 : i32
      %scan3A_51 = arith.addi %scan3A_49, %scan3A_50 : i32
      %scan3A_52 = arith.constant 1 : i32
      scf.for %scan3A_54 = %scan3A_49 to %scan3A_51 step %scan3A_52  : i32 {
        %mul3A_55 = arith.constant 2 : i32
        %mul3A_56 = arith.muli %scan3A_54, %mul3A_55 : i32
        %add3A_57 = arith.constant 0 : i32
        %add3A_58 = arith.addi %add3A_57, %mul3A_56 : i32
        %gt3A_59 = arith.constant 0 : i32
        %gt3A_60 = arith.cmpi sgt, %add3A_58, %gt3A_59 : i32
        %convert_element_type3A_61 = arith.extui %gt3A_60 : i1 to i32
        %cond3A_62 = arith.constant 0 : i32
        %cond3A_63 = arith.cmpi ne, %convert_element_type3A_61, %cond3A_62 : i32
        scf.if %cond3A_63 {
          %dma_wait3A_133 = arith.constant 0 : i32
          %dma_wait3A_134 = arith.constant 0 : i32
          %dma_wait3A_135 = arith.constant 0 : i32
          %dma_wait3A_136 = arith.constant 0 : i32
          %dma_wait3A_137 = tpu.memref_slice %arg9[%dma_wait3A_133, %dma_wait3A_135, %dma_wait3A_136] : memref<2x128x128xf32, #tpu.memory_space<vmem>> -> memref<1x128x128xf32, #tpu.memory_space<vmem>>
          %dma_wait3A_138 = tpu.memref_squeeze %dma_wait3A_137 : memref<1x128x128xf32, #tpu.memory_space<vmem>> -> memref<128x128xf32, #tpu.memory_space<vmem>>
          %dma_wait3A_139 = arith.constant 0 : i32
          %dma_wait3A_140 = tpu.memref_slice %arg8[%dma_wait3A_134, %dma_wait3A_139] : memref<16x128xi32, #tpu.memory_space<vmem>> -> memref<1x128xi32, #tpu.memory_space<vmem>>
          %dma_wait3A_141 = tpu.memref_squeeze %dma_wait3A_140 : memref<1x128xi32, #tpu.memory_space<vmem>> -> memref<128xi32, #tpu.memory_space<vmem>>
          %dma_wait3A_142 = arith.constant 0 : i32
          %dma_wait3A_143 = arith.constant 0 : i32
          %dma_wait3A_144 = tpu.memref_slice %arg10[%dma_wait3A_142, %dma_wait3A_143] : memref<10240x128xf32, #tpu.memory_space<vmem_shared>> -> memref<10240x128xf32, #tpu.memory_space<vmem_shared>>
          tpu.wait_indirect_dma semaphore(%arg13 : memref<!tpu.dma_semaphore, #tpu.memory_space<semaphore_mem>>) src(%dma_wait3A_138 : memref<128x128xf32, #tpu.memory_space<vmem>>) dst(%dma_wait3A_144 : memref<10240x128xf32, #tpu.memory_space<vmem_shared>>)
          %dma_wait3A_145 = arith.constant 1 : i32
          %dma_wait3A_146 = arith.constant 1 : i32
          %dma_wait3A_147 = arith.constant 0 : i32
          %dma_wait3A_148 = arith.constant 0 : i32
          %dma_wait3A_149 = tpu.memref_slice %arg9[%dma_wait3A_145, %dma_wait3A_147, %dma_wait3A_148] : memref<2x128x128xf32, #tpu.memory_space<vmem>> -> memref<1x128x128xf32, #tpu.memory_space<vmem>>
          %dma_wait3A_150 = tpu.memref_squeeze %dma_wait3A_149 : memref<1x128x128xf32, #tpu.memory_space<vmem>> -> memref<128x128xf32, #tpu.memory_space<vmem>>
          %dma_wait3A_151 = arith.constant 0 : i32
          %dma_wait3A_152 = tpu.memref_slice %arg8[%dma_wait3A_146, %dma_wait3A_151] : memref<16x128xi32, #tpu.memory_space<vmem>> -> memref<1x128xi32, #tpu.memory_space<vmem>>
          %dma_wait3A_153 = tpu.memref_squeeze %dma_wait3A_152 : memref<1x128xi32, #tpu.memory_space<vmem>> -> memref<128xi32, #tpu.memory_space<vmem>>
          %dma_wait3A_154 = arith.constant 0 : i32
          %dma_wait3A_155 = arith.constant 0 : i32
          %dma_wait3A_156 = tpu.memref_slice %arg10[%dma_wait3A_154, %dma_wait3A_155] : memref<10240x128xf32, #tpu.memory_space<vmem_shared>> -> memref<10240x128xf32, #tpu.memory_space<vmem_shared>>
          tpu.wait_indirect_dma semaphore(%arg14 : memref<!tpu.dma_semaphore, #tpu.memory_space<semaphore_mem>>) src(%dma_wait3A_150 : memref<128x128xf32, #tpu.memory_space<vmem>>) dst(%dma_wait3A_156 : memref<10240x128xf32, #tpu.memory_space<vmem_shared>>)
        } else {
        }
        %dma_start3A = arith.constant 0 : i32
        %dma_start3A_64 = arith.constant 0 : i32
        %dma_start3A_65 = arith.constant 0 : i32
        %dma_start3A_66 = tpu.memref_slice %arg9[%dma_start3A, %dma_start3A_64, %dma_start3A_65] : memref<2x128x128xf32, #tpu.memory_space<vmem>> -> memref<1x128x128xf32, #tpu.memory_space<vmem>>
        %dma_start3A_67 = tpu.memref_squeeze %dma_start3A_66 : memref<1x128x128xf32, #tpu.memory_space<vmem>> -> memref<128x128xf32, #tpu.memory_space<vmem>>
        %dma_start3A_68 = arith.constant 0 : i32
        %dma_start3A_69 = tpu.memref_slice %arg7[%add3A_58, %dma_start3A_68] : memref<16x128xi32, #tpu.memory_space<vmem>> -> memref<1x128xi32, #tpu.memory_space<vmem>>
        %dma_start3A_70 = tpu.memref_squeeze %dma_start3A_69 : memref<1x128xi32, #tpu.memory_space<vmem>> -> memref<128xi32, #tpu.memory_space<vmem>>
        %dma_start3A_71 = arith.constant 0 : i32
        %dma_start3A_72 = arith.constant 0 : i32
        %dma_start3A_73 = tpu.memref_slice %arg2[%dma_start3A_71, %dma_start3A_72] : memref<10240x128xf32, #tpu.memory_space<hbm>> -> memref<10240x128xf32, #tpu.memory_space<hbm>>
        tpu.enqueue_indirect_dma source(%dma_start3A_73 : memref<10240x128xf32, #tpu.memory_space<hbm>>) target(%dma_start3A_67 : memref<128x128xf32, #tpu.memory_space<vmem>>) offsets(%dma_start3A_70 : memref<128xi32, #tpu.memory_space<vmem>>) semaphore(%arg11 : memref<!tpu.dma_semaphore, #tpu.memory_space<semaphore_mem>>)
        %add3A_74 = arith.constant 1 : i32
        %add3A_75 = arith.addi %add3A_58, %add3A_74 : i32
        %dma_start3A_76 = arith.constant 1 : i32
        %dma_start3A_77 = arith.constant 0 : i32
        %dma_start3A_78 = arith.constant 0 : i32
        %dma_start3A_79 = tpu.memref_slice %arg9[%dma_start3A_76, %dma_start3A_77, %dma_start3A_78] : memref<2x128x128xf32, #tpu.memory_space<vmem>> -> memref<1x128x128xf32, #tpu.memory_space<vmem>>
        %dma_start3A_80 = tpu.memref_squeeze %dma_start3A_79 : memref<1x128x128xf32, #tpu.memory_space<vmem>> -> memref<128x128xf32, #tpu.memory_space<vmem>>
        %dma_start3A_81 = arith.constant 0 : i32
        %dma_start3A_82 = tpu.memref_slice %arg7[%add3A_75, %dma_start3A_81] : memref<16x128xi32, #tpu.memory_space<vmem>> -> memref<1x128xi32, #tpu.memory_space<vmem>>
        %dma_start3A_83 = tpu.memref_squeeze %dma_start3A_82 : memref<1x128xi32, #tpu.memory_space<vmem>> -> memref<128xi32, #tpu.memory_space<vmem>>
        %dma_start3A_84 = arith.constant 0 : i32
        %dma_start3A_85 = arith.constant 0 : i32
        %dma_start3A_86 = tpu.memref_slice %arg2[%dma_start3A_84, %dma_start3A_85] : memref<10240x128xf32, #tpu.memory_space<hbm>> -> memref<10240x128xf32, #tpu.memory_space<hbm>>
        tpu.enqueue_indirect_dma source(%dma_start3A_86 : memref<10240x128xf32, #tpu.memory_space<hbm>>) target(%dma_start3A_80 : memref<128x128xf32, #tpu.memory_space<vmem>>) offsets(%dma_start3A_83 : memref<128xi32, #tpu.memory_space<vmem>>) semaphore(%arg12 : memref<!tpu.dma_semaphore, #tpu.memory_space<semaphore_mem>>)
        %dma_wait3A_87 = arith.constant 0 : i32
        %dma_wait3A_88 = arith.constant 0 : i32
        %dma_wait3A_89 = arith.constant 0 : i32
        %dma_wait3A_90 = tpu.memref_slice %arg9[%dma_wait3A_87, %dma_wait3A_88, %dma_wait3A_89] : memref<2x128x128xf32, #tpu.memory_space<vmem>> -> memref<1x128x128xf32, #tpu.memory_space<vmem>>
        %dma_wait3A_91 = tpu.memref_squeeze %dma_wait3A_90 : memref<1x128x128xf32, #tpu.memory_space<vmem>> -> memref<128x128xf32, #tpu.memory_space<vmem>>
        %dma_wait3A_92 = arith.constant 0 : i32
        %dma_wait3A_93 = tpu.memref_slice %arg7[%add3A_58, %dma_wait3A_92] : memref<16x128xi32, #tpu.memory_space<vmem>> -> memref<1x128xi32, #tpu.memory_space<vmem>>
        %dma_wait3A_94 = tpu.memref_squeeze %dma_wait3A_93 : memref<1x128xi32, #tpu.memory_space<vmem>> -> memref<128xi32, #tpu.memory_space<vmem>>
        %dma_wait3A_95 = arith.constant 0 : i32
        %dma_wait3A_96 = arith.constant 0 : i32
        %dma_wait3A_97 = tpu.memref_slice %arg2[%dma_wait3A_95, %dma_wait3A_96] : memref<10240x128xf32, #tpu.memory_space<hbm>> -> memref<10240x128xf32, #tpu.memory_space<hbm>>
        tpu.wait_indirect_dma semaphore(%arg11 : memref<!tpu.dma_semaphore, #tpu.memory_space<semaphore_mem>>) src(%dma_wait3A_97 : memref<10240x128xf32, #tpu.memory_space<hbm>>) dst(%dma_wait3A_91 : memref<128x128xf32, #tpu.memory_space<vmem>>)
        %dma_start3A_98 = arith.constant 0 : i32
        %dma_start3A_99 = arith.constant 0 : i32
        %dma_start3A_100 = arith.constant 0 : i32
        %dma_start3A_101 = tpu.memref_slice %arg9[%dma_start3A_98, %dma_start3A_99, %dma_start3A_100] : memref<2x128x128xf32, #tpu.memory_space<vmem>> -> memref<1x128x128xf32, #tpu.memory_space<vmem>>
        %dma_start3A_102 = tpu.memref_squeeze %dma_start3A_101 : memref<1x128x128xf32, #tpu.memory_space<vmem>> -> memref<128x128xf32, #tpu.memory_space<vmem>>
        %dma_start3A_103 = arith.constant 0 : i32
        %dma_start3A_104 = tpu.memref_slice %arg8[%add3A_58, %dma_start3A_103] : memref<16x128xi32, #tpu.memory_space<vmem>> -> memref<1x128xi32, #tpu.memory_space<vmem>>
        %dma_start3A_105 = tpu.memref_squeeze %dma_start3A_104 : memref<1x128xi32, #tpu.memory_space<vmem>> -> memref<128xi32, #tpu.memory_space<vmem>>
        %dma_start3A_106 = arith.constant 0 : i32
        %dma_start3A_107 = arith.constant 0 : i32
        %dma_start3A_108 = tpu.memref_slice %arg10[%dma_start3A_106, %dma_start3A_107] : memref<10240x128xf32, #tpu.memory_space<vmem_shared>> -> memref<10240x128xf32, #tpu.memory_space<vmem_shared>>
        tpu.enqueue_indirect_dma source(%dma_start3A_102 : memref<128x128xf32, #tpu.memory_space<vmem>>) target(%dma_start3A_108 : memref<10240x128xf32, #tpu.memory_space<vmem_shared>>) offsets(%dma_start3A_105 : memref<128xi32, #tpu.memory_space<vmem>>) semaphore(%arg13 : memref<!tpu.dma_semaphore, #tpu.memory_space<semaphore_mem>>) {add = true}
        %dma_wait3A_109 = arith.constant 1 : i32
        %dma_wait3A_110 = arith.constant 0 : i32
        %dma_wait3A_111 = arith.constant 0 : i32
        %dma_wait3A_112 = tpu.memref_slice %arg9[%dma_wait3A_109, %dma_wait3A_110, %dma_wait3A_111] : memref<2x128x128xf32, #tpu.memory_space<vmem>> -> memref<1x128x128xf32, #tpu.memory_space<vmem>>
        %dma_wait3A_113 = tpu.memref_squeeze %dma_wait3A_112 : memref<1x128x128xf32, #tpu.memory_space<vmem>> -> memref<128x128xf32, #tpu.memory_space<vmem>>
        %dma_wait3A_114 = arith.constant 0 : i32
        %dma_wait3A_115 = tpu.memref_slice %arg7[%add3A_75, %dma_wait3A_114] : memref<16x128xi32, #tpu.memory_space<vmem>> -> memref<1x128xi32, #tpu.memory_space<vmem>>
        %dma_wait3A_116 = tpu.memref_squeeze %dma_wait3A_115 : memref<1x128xi32, #tpu.memory_space<vmem>> -> memref<128xi32, #tpu.memory_space<vmem>>
        %dma_wait3A_117 = arith.constant 0 : i32
        %dma_wait3A_118 = arith.constant 0 : i32
        %dma_wait3A_119 = tpu.memref_slice %arg2[%dma_wait3A_117, %dma_wait3A_118] : memref<10240x128xf32, #tpu.memory_space<hbm>> -> memref<10240x128xf32, #tpu.memory_space<hbm>>
        tpu.wait_indirect_dma semaphore(%arg12 : memref<!tpu.dma_semaphore, #tpu.memory_space<semaphore_mem>>) src(%dma_wait3A_119 : memref<10240x128xf32, #tpu.memory_space<hbm>>) dst(%dma_wait3A_113 : memref<128x128xf32, #tpu.memory_space<vmem>>)
        %add3A_120 = arith.constant 1 : i32
        %add3A_121 = arith.addi %add3A_58, %add3A_120 : i32
        %dma_start3A_122 = arith.constant 1 : i32
        %dma_start3A_123 = arith.constant 0 : i32
        %dma_start3A_124 = arith.constant 0 : i32
        %dma_start3A_125 = tpu.memref_slice %arg9[%dma_start3A_122, %dma_start3A_123, %dma_start3A_124] : memref<2x128x128xf32, #tpu.memory_space<vmem>> -> memref<1x128x128xf32, #tpu.memory_space<vmem>>
        %dma_start3A_126 = tpu.memref_squeeze %dma_start3A_125 : memref<1x128x128xf32, #tpu.memory_space<vmem>> -> memref<128x128xf32, #tpu.memory_space<vmem>>
        %dma_start3A_127 = arith.constant 0 : i32
        %dma_start3A_128 = tpu.memref_slice %arg8[%add3A_121, %dma_start3A_127] : memref<16x128xi32, #tpu.memory_space<vmem>> -> memref<1x128xi32, #tpu.memory_space<vmem>>
        %dma_start3A_129 = tpu.memref_squeeze %dma_start3A_128 : memref<1x128xi32, #tpu.memory_space<vmem>> -> memref<128xi32, #tpu.memory_space<vmem>>
        %dma_start3A_130 = arith.constant 0 : i32
        %dma_start3A_131 = arith.constant 0 : i32
        %dma_start3A_132 = tpu.memref_slice %arg10[%dma_start3A_130, %dma_start3A_131] : memref<10240x128xf32, #tpu.memory_space<vmem_shared>> -> memref<10240x128xf32, #tpu.memory_space<vmem_shared>>
        tpu.enqueue_indirect_dma source(%dma_start3A_126 : memref<128x128xf32, #tpu.memory_space<vmem>>) target(%dma_start3A_132 : memref<10240x128xf32, #tpu.memory_space<vmem_shared>>) offsets(%dma_start3A_129 : memref<128xi32, #tpu.memory_space<vmem>>) semaphore(%arg14 : memref<!tpu.dma_semaphore, #tpu.memory_space<semaphore_mem>>) {add = true}
      }
      %scan3A_53 = arith.constant 8 : i32
    }
    %scan3A_8 = arith.constant 5 : i32
    %dma_wait3A = arith.constant 0 : i32
    %dma_wait3A_9 = arith.constant 0 : i32
    %dma_wait3A_10 = arith.constant 0 : i32
    %dma_wait3A_11 = arith.constant 0 : i32
    %dma_wait3A_12 = tpu.memref_slice %arg9[%dma_wait3A, %dma_wait3A_10, %dma_wait3A_11] : memref<2x128x128xf32, #tpu.memory_space<vmem>> -> memref<1x128x128xf32, #tpu.memory_space<vmem>>
    %dma_wait3A_13 = tpu.memref_squeeze %dma_wait3A_12 : memref<1x128x128xf32, #tpu.memory_space<vmem>> -> memref<128x128xf32, #tpu.memory_space<vmem>>
    %dma_wait3A_14 = arith.constant 0 : i32
    %dma_wait3A_15 = tpu.memref_slice %arg8[%dma_wait3A_9, %dma_wait3A_14] : memref<16x128xi32, #tpu.memory_space<vmem>> -> memref<1x128xi32, #tpu.memory_space<vmem>>
    %dma_wait3A_16 = tpu.memref_squeeze %dma_wait3A_15 : memref<1x128xi32, #tpu.memory_space<vmem>> -> memref<128xi32, #tpu.memory_space<vmem>>
    %dma_wait3A_17 = arith.constant 0 : i32
    %dma_wait3A_18 = arith.constant 0 : i32
    %dma_wait3A_19 = tpu.memref_slice %arg10[%dma_wait3A_17, %dma_wait3A_18] : memref<10240x128xf32, #tpu.memory_space<vmem_shared>> -> memref<10240x128xf32, #tpu.memory_space<vmem_shared>>
    tpu.wait_indirect_dma semaphore(%arg13 : memref<!tpu.dma_semaphore, #tpu.memory_space<semaphore_mem>>) src(%dma_wait3A_13 : memref<128x128xf32, #tpu.memory_space<vmem>>) dst(%dma_wait3A_19 : memref<10240x128xf32, #tpu.memory_space<vmem_shared>>)
    %dma_wait3A_20 = arith.constant 1 : i32
    %dma_wait3A_21 = arith.constant 1 : i32
    %dma_wait3A_22 = arith.constant 0 : i32
    %dma_wait3A_23 = arith.constant 0 : i32
    %dma_wait3A_24 = tpu.memref_slice %arg9[%dma_wait3A_20, %dma_wait3A_22, %dma_wait3A_23] : memref<2x128x128xf32, #tpu.memory_space<vmem>> -> memref<1x128x128xf32, #tpu.memory_space<vmem>>
    %dma_wait3A_25 = tpu.memref_squeeze %dma_wait3A_24 : memref<1x128x128xf32, #tpu.memory_space<vmem>> -> memref<128x128xf32, #tpu.memory_space<vmem>>
    %dma_wait3A_26 = arith.constant 0 : i32
    %dma_wait3A_27 = tpu.memref_slice %arg8[%dma_wait3A_21, %dma_wait3A_26] : memref<16x128xi32, #tpu.memory_space<vmem>> -> memref<1x128xi32, #tpu.memory_space<vmem>>
    %dma_wait3A_28 = tpu.memref_squeeze %dma_wait3A_27 : memref<1x128xi32, #tpu.memory_space<vmem>> -> memref<128xi32, #tpu.memory_space<vmem>>
    %dma_wait3A_29 = arith.constant 0 : i32
    %dma_wait3A_30 = arith.constant 0 : i32
    %dma_wait3A_31 = tpu.memref_slice %arg10[%dma_wait3A_29, %dma_wait3A_30] : memref<10240x128xf32, #tpu.memory_space<vmem_shared>> -> memref<10240x128xf32, #tpu.memory_space<vmem_shared>>
    tpu.wait_indirect_dma semaphore(%arg14 : memref<!tpu.dma_semaphore, #tpu.memory_space<semaphore_mem>>) src(%dma_wait3A_25 : memref<128x128xf32, #tpu.memory_space<vmem>>) dst(%dma_wait3A_31 : memref<10240x128xf32, #tpu.memory_space<vmem_shared>>)
    %barrier3A_32 = arith.constant 0 : index
    tpu.barrier barrier_id(%barrier3A_32)
    %mul3A_33 = arith.constant 640 : i32
    %mul3A_34 = arith.muli %arg1, %mul3A_33 : i32
    %mul3A_35 = arith.constant 640 : i32
    %mul3A_36 = arith.muli %arg1, %mul3A_35 : i32
    "tpu.region"() ({
      %run_scoped3A = tpu.sem_alloc : memref<!tpu.dma_semaphore, #tpu.memory_space<semaphore_mem>>
      %dma_start3A = arith.constant 0 : i32
      %dma_start3A_37 = tpu.memref_slice %arg6[%arg0, %mul3A_36, %dma_start3A] : memref<2x10240x128xf32, #tpu.memory_space<hbm>> -> memref<1x640x128xf32, #tpu.memory_space<hbm>>
      %dma_start3A_38 = tpu.memref_squeeze %dma_start3A_37 : memref<1x640x128xf32, #tpu.memory_space<hbm>> -> memref<640x128xf32, #tpu.memory_space<hbm>>
      %dma_start3A_39 = arith.constant 0 : i32
      %dma_start3A_40 = tpu.memref_slice %arg10[%mul3A_34, %dma_start3A_39] : memref<10240x128xf32, #tpu.memory_space<vmem_shared>> -> memref<640x128xf32, #tpu.memory_space<vmem_shared>>
      tpu.enqueue_dma source(%dma_start3A_40 : memref<640x128xf32, #tpu.memory_space<vmem_shared>>) target(%dma_start3A_38 : memref<640x128xf32, #tpu.memory_space<hbm>>) target_semaphore(%run_scoped3A : memref<!tpu.dma_semaphore, #tpu.memory_space<semaphore_mem>>)
      %dma_wait3A_41 = arith.constant 0 : i32
      %dma_wait3A_42 = tpu.memref_slice %arg6[%arg0, %mul3A_36, %dma_wait3A_41] : memref<2x10240x128xf32, #tpu.memory_space<hbm>> -> memref<1x640x128xf32, #tpu.memory_space<hbm>>
      %dma_wait3A_43 = tpu.memref_squeeze %dma_wait3A_42 : memref<1x640x128xf32, #tpu.memory_space<hbm>> -> memref<640x128xf32, #tpu.memory_space<hbm>>
      %dma_wait3A_44 = arith.constant 0 : i32
      %dma_wait3A_45 = tpu.memref_slice %arg10[%mul3A_34, %dma_wait3A_44] : memref<10240x128xf32, #tpu.memory_space<vmem_shared>> -> memref<640x128xf32, #tpu.memory_space<vmem_shared>>
      tpu.wait_dma2 semaphore(%run_scoped3A : memref<!tpu.dma_semaphore, #tpu.memory_space<semaphore_mem>>) src(%dma_wait3A_45 : memref<640x128xf32, #tpu.memory_space<vmem_shared>>) dst(%dma_wait3A_43 : memref<640x128xf32, #tpu.memory_space<hbm>>)
      tpu.yield
    }) : () -> ()
    return
  }
}

module attributes {stable_mosaic.version = 14 : i64} {
  func.func @_tc_first(%arg0: i32, %arg1: memref<512x128xf32, #tpu.memory_space<vmem>>, %arg2: memref<128x128xf32, #tpu.memory_space<vmem>>, %arg3: memref<512xf32, #tpu.memory_space<vmem>>, %arg4: memref<512xf32, #tpu.memory_space<vmem>>, %arg5: memref<512x128xf32, #tpu.memory_space<vmem>>) attributes {dimension_semantics = [#tpu.dimension_semantics<arbitrary>], iteration_bounds = array<i64: 20>, scalar_prefetch = 0 : i64, scratch_operands = 0 : i64, tpu.core_type = #tpu.core_type<tc>, window_params = [{transform_indices = @transform_0, window_bounds = array<i64: 512, 128>}, {pipeline_mode = #tpu.pipeline_mode<synchronous>, transform_indices = @transform_1, window_bounds = array<i64: 128, 128>}, {transform_indices = @transform_2, window_bounds = array<i64: 512>}, {transform_indices = @transform_3, window_bounds = array<i64: 512>}, {transform_indices = @transform_4, window_bounds = array<i64: 512, 128>}]} {
    %get3A = arith.constant 0 : index
    %get3A_0 = vector.load %arg3[%get3A] : memref<512xf32, #tpu.memory_space<vmem>>, vector<512xf32>
    %get3A_1 = arith.constant 0 : index
    %get3A_2 = vector.load %arg4[%get3A_1] : memref<512xf32, #tpu.memory_space<vmem>>, vector<512xf32>
    %add3A = arith.addf %get3A_0, %get3A_2 : vector<512xf32>
    %add3A_3 = arith.constant 1.000000e+00 : f32
    %add3A_4 = vector.broadcast %add3A_3 : f32 to vector<512xf32>
    %add3A_5 = arith.addf %add3A, %add3A_4 : vector<512xf32>
    %rsqrt3A = math.rsqrt %add3A_5 : vector<512xf32>
    %broadcast_in_dim3A = vector.shape_cast %rsqrt3A : vector<512xf32> to vector<512x1xf32>
    %get3A_6 = arith.constant 0 : index
    %get3A_7 = arith.constant 0 : index
    %get3A_8 = vector.load %arg1[%get3A_6, %get3A_7] : memref<512x128xf32, #tpu.memory_space<vmem>>, vector<512x128xf32>
    %get3A_9 = arith.constant 0 : index
    %get3A_10 = arith.constant 0 : index
    %get3A_11 = vector.load %arg2[%get3A_9, %get3A_10] : memref<128x128xf32, #tpu.memory_space<vmem>>, vector<128x128xf32>
    %dot_general3A = arith.constant dense<0.000000e+00> : vector<512x128xf32>
    %dot_general3A_12 = tpu.matmul %get3A_8, %get3A_11, %dot_general3A {dimension_numbers = #tpu.dot_dimension_numbers<[1], [0], [0], [1], [0, 0, 1, 1], [], []>, transpose_lhs_hint = false} : vector<512x128xf32>, vector<128x128xf32>, vector<512x128xf32> -> vector<512x128xf32>
    %mul3A = vector.broadcast %broadcast_in_dim3A : vector<512x1xf32> to vector<512x128xf32>
    %mul3A_13 = arith.mulf %dot_general3A_12, %mul3A : vector<512x128xf32>
    %swap3A = arith.constant 0 : index
    %swap3A_14 = arith.constant 0 : index
    %swap3A_15 = vector.load %arg5[%swap3A, %swap3A_14] : memref<512x128xf32, #tpu.memory_space<vmem>>, vector<512x128xf32>
    tpu.vector_store %arg5[%swap3A, %swap3A_14], %mul3A_13 {strides = array<i32>} : memref<512x128xf32, #tpu.memory_space<vmem>>, vector<512x128xf32>,
    return
  }
  func.func @transform_0(%arg0: i32) -> (i32, i32) {
    %c0_i32 = arith.constant 0 : i32
    %c0_i32_0 = arith.constant 0 : i32
    return %arg0, %c0_i32 : i32, i32
  }
  func.func @transform_1(%arg0: i32) -> (i32, i32) {
    %c0_i32 = arith.constant 0 : i32
    %c0_i32_0 = arith.constant 0 : i32
    %c0_i32_1 = arith.constant 0 : i32
    return %c0_i32, %c0_i32_0 : i32, i32
  }
  func.func @transform_2(%arg0: i32) -> i32 {
    %c0_i32 = arith.constant 0 : i32
    return %arg0 : i32
  }
  func.func @transform_3(%arg0: i32) -> i32 {
    %c0_i32 = arith.constant 0 : i32
    return %arg0 : i32
  }
  func.func @transform_4(%arg0: i32) -> (i32, i32) {
    %c0_i32 = arith.constant 0 : i32
    %c0_i32_0 = arith.constant 0 : i32
    return %arg0, %c0_i32 : i32, i32
  }
}

module attributes {stable_mosaic.version = 14 : i64} {
  func.func @_tc_mid(%arg0: i32, %arg1: memref<512x128xf32, #tpu.memory_space<vmem>>, %arg2: memref<512x128xf32, #tpu.memory_space<vmem>>, %arg3: memref<512x128xf32, #tpu.memory_space<vmem>>, %arg4: memref<128xf32, #tpu.memory_space<vmem>>, %arg5: memref<128x128xf32, #tpu.memory_space<vmem>>, %arg6: memref<512xf32, #tpu.memory_space<vmem>>, %arg7: memref<512xf32, #tpu.memory_space<vmem>>, %arg8: memref<512x128xf32, #tpu.memory_space<vmem>>) attributes {dimension_semantics = [#tpu.dimension_semantics<arbitrary>], iteration_bounds = array<i64: 20>, scalar_prefetch = 0 : i64, scratch_operands = 0 : i64, tpu.core_type = #tpu.core_type<tc>, window_params = [{transform_indices = @transform_0, window_bounds = array<i64: 512, 128>}, {transform_indices = @transform_1, window_bounds = array<i64: 512, 128>}, {transform_indices = @transform_2, window_bounds = array<i64: 512, 128>}, {pipeline_mode = #tpu.pipeline_mode<synchronous>, transform_indices = @transform_3, window_bounds = array<i64: 128>}, {pipeline_mode = #tpu.pipeline_mode<synchronous>, transform_indices = @transform_4, window_bounds = array<i64: 128, 128>}, {transform_indices = @transform_5, window_bounds = array<i64: 512>}, {transform_indices = @transform_6, window_bounds = array<i64: 512>}, {transform_indices = @transform_7, window_bounds = array<i64: 512, 128>}]} {
    %get3A = arith.constant 0 : index
    %get3A_0 = vector.load %arg6[%get3A] : memref<512xf32, #tpu.memory_space<vmem>>, vector<512xf32>
    %get3A_1 = arith.constant 0 : index
    %get3A_2 = vector.load %arg7[%get3A_1] : memref<512xf32, #tpu.memory_space<vmem>>, vector<512xf32>
    %add3A = arith.addf %get3A_0, %get3A_2 : vector<512xf32>
    %add3A_3 = arith.constant 1.000000e+00 : f32
    %add3A_4 = vector.broadcast %add3A_3 : f32 to vector<512xf32>
    %add3A_5 = arith.addf %add3A, %add3A_4 : vector<512xf32>
    %rsqrt3A = math.rsqrt %add3A_5 : vector<512xf32>
    %broadcast_in_dim3A = vector.shape_cast %rsqrt3A : vector<512xf32> to vector<512x1xf32>
    %get3A_6 = arith.constant 0 : index
    %get3A_7 = arith.constant 0 : index
    %get3A_8 = vector.load %arg1[%get3A_6, %get3A_7] : memref<512x128xf32, #tpu.memory_space<vmem>>, vector<512x128xf32>
    %get3A_9 = arith.constant 0 : index
    %get3A_10 = arith.constant 0 : index
    %get3A_11 = vector.load %arg2[%get3A_9, %get3A_10] : memref<512x128xf32, #tpu.memory_space<vmem>>, vector<512x128xf32>
    %add3A_12 = arith.addf %get3A_8, %get3A_11 : vector<512x128xf32>
    %get3A_13 = arith.constant 0 : index
    %get3A_14 = arith.constant 0 : index
    %get3A_15 = vector.load %arg3[%get3A_13, %get3A_14] : memref<512x128xf32, #tpu.memory_space<vmem>>, vector<512x128xf32>
    %add3A_16 = arith.addf %add3A_12, %get3A_15 : vector<512x128xf32>
    %mul3A = vector.broadcast %broadcast_in_dim3A : vector<512x1xf32> to vector<512x128xf32>
    %mul3A_17 = arith.mulf %add3A_16, %mul3A : vector<512x128xf32>
    %get3A_18 = arith.constant 0 : index
    %get3A_19 = vector.load %arg4[%get3A_18] : memref<128xf32, #tpu.memory_space<vmem>>, vector<128xf32>
    %broadcast_in_dim3A_20 = vector.shape_cast %get3A_19 : vector<128xf32> to vector<1x128xf32>
    %add3A_21 = vector.broadcast %broadcast_in_dim3A_20 : vector<1x128xf32> to vector<512x128xf32>
    %add3A_22 = arith.addf %mul3A_17, %add3A_21 : vector<512x128xf32>
    %max3A = arith.constant 0.000000e+00 : f32
    %max3A_23 = vector.broadcast %max3A : f32 to vector<512x128xf32>
    %max3A_24 = arith.maximumf %add3A_22, %max3A_23 : vector<512x128xf32>
    %abs3A = math.absf %add3A_22 : vector<512x128xf32>
    %neg3A = arith.constant 0.000000e+00 : f32
    %neg3A_25 = vector.broadcast %neg3A : f32 to vector<512x128xf32>
    %neg3A_26 = arith.subf %neg3A_25, %abs3A : vector<512x128xf32>
    %exp3A = math.exp %neg3A_26 : vector<512x128xf32>
    %log1p3A = math.log1p %exp3A : vector<512x128xf32>
    %add3A_27 = arith.addf %max3A_24, %log1p3A : vector<512x128xf32>
    %get3A_28 = arith.constant 0 : index
    %get3A_29 = arith.constant 0 : index
    %get3A_30 = vector.load %arg5[%get3A_28, %get3A_29] : memref<128x128xf32, #tpu.memory_space<vmem>>, vector<128x128xf32>
    %dot_general3A = arith.constant dense<0.000000e+00> : vector<512x128xf32>
    %dot_general3A_31 = tpu.matmul %add3A_27, %get3A_30, %dot_general3A {dimension_numbers = #tpu.dot_dimension_numbers<[1], [0], [0], [1], [0, 0, 1, 1], [], []>, transpose_lhs_hint = false} : vector<512x128xf32>, vector<128x128xf32>, vector<512x128xf32> -> vector<512x128xf32>
    %mul3A_32 = vector.broadcast %broadcast_in_dim3A : vector<512x1xf32> to vector<512x128xf32>
    %mul3A_33 = arith.mulf %dot_general3A_31, %mul3A_32 : vector<512x128xf32>
    %swap3A = arith.constant 0 : index
    %swap3A_34 = arith.constant 0 : index
    %swap3A_35 = vector.load %arg8[%swap3A, %swap3A_34] : memref<512x128xf32, #tpu.memory_space<vmem>>, vector<512x128xf32>
    tpu.vector_store %arg8[%swap3A, %swap3A_34], %mul3A_33 {strides = array<i32>} : memref<512x128xf32, #tpu.memory_space<vmem>>, vector<512x128xf32>,
    return
  }
  func.func @transform_0(%arg0: i32) -> (i32, i32) {
    %c0_i32 = arith.constant 0 : i32
    %c0_i32_0 = arith.constant 0 : i32
    return %arg0, %c0_i32 : i32, i32
  }
  func.func @transform_1(%arg0: i32) -> (i32, i32) {
    %c0_i32 = arith.constant 0 : i32
    %c0_i32_0 = arith.constant 0 : i32
    return %arg0, %c0_i32 : i32, i32
  }
  func.func @transform_2(%arg0: i32) -> (i32, i32) {
    %c0_i32 = arith.constant 0 : i32
    %c0_i32_0 = arith.constant 0 : i32
    return %arg0, %c0_i32 : i32, i32
  }
  func.func @transform_3(%arg0: i32) -> i32 {
    %c0_i32 = arith.constant 0 : i32
    %c0_i32_0 = arith.constant 0 : i32
    return %c0_i32 : i32
  }
  func.func @transform_4(%arg0: i32) -> (i32, i32) {
    %c0_i32 = arith.constant 0 : i32
    %c0_i32_0 = arith.constant 0 : i32
    %c0_i32_1 = arith.constant 0 : i32
    return %c0_i32, %c0_i32_0 : i32, i32
  }
  func.func @transform_5(%arg0: i32) -> i32 {
    %c0_i32 = arith.constant 0 : i32
    return %arg0 : i32
  }
  func.func @transform_6(%arg0: i32) -> i32 {
    %c0_i32 = arith.constant 0 : i32
    return %arg0 : i32
  }
  func.func @transform_7(%arg0: i32) -> (i32, i32) {
    %c0_i32 = arith.constant 0 : i32
    %c0_i32_0 = arith.constant 0 : i32
    return %arg0, %c0_i32 : i32, i32
  }
}

module attributes {stable_mosaic.version = 14 : i64} {
  func.func @_tc_last(%arg0: i32, %arg1: memref<512x128xf32, #tpu.memory_space<vmem>>, %arg2: memref<512x128xf32, #tpu.memory_space<vmem>>, %arg3: memref<512x128xf32, #tpu.memory_space<vmem>>, %arg4: memref<128xf32, #tpu.memory_space<vmem>>, %arg5: memref<128x128xf32, #tpu.memory_space<vmem>>, %arg6: memref<128xf32, #tpu.memory_space<vmem>>, %arg7: memref<512xf32, #tpu.memory_space<vmem>>, %arg8: memref<512xf32, #tpu.memory_space<vmem>>, %arg9: memref<512x128xf32, #tpu.memory_space<vmem>>) attributes {dimension_semantics = [#tpu.dimension_semantics<arbitrary>], iteration_bounds = array<i64: 20>, scalar_prefetch = 0 : i64, scratch_operands = 0 : i64, tpu.core_type = #tpu.core_type<tc>, window_params = [{transform_indices = @transform_0, window_bounds = array<i64: 512, 128>}, {transform_indices = @transform_1, window_bounds = array<i64: 512, 128>}, {transform_indices = @transform_2, window_bounds = array<i64: 512, 128>}, {pipeline_mode = #tpu.pipeline_mode<synchronous>, transform_indices = @transform_3, window_bounds = array<i64: 128>}, {pipeline_mode = #tpu.pipeline_mode<synchronous>, transform_indices = @transform_4, window_bounds = array<i64: 128, 128>}, {pipeline_mode = #tpu.pipeline_mode<synchronous>, transform_indices = @transform_5, window_bounds = array<i64: 128>}, {transform_indices = @transform_6, window_bounds = array<i64: 512>}, {transform_indices = @transform_7, window_bounds = array<i64: 512>}, {transform_indices = @transform_8, window_bounds = array<i64: 512, 128>}]} {
    %get3A = arith.constant 0 : index
    %get3A_0 = vector.load %arg7[%get3A] : memref<512xf32, #tpu.memory_space<vmem>>, vector<512xf32>
    %get3A_1 = arith.constant 0 : index
    %get3A_2 = vector.load %arg8[%get3A_1] : memref<512xf32, #tpu.memory_space<vmem>>, vector<512xf32>
    %add3A = arith.addf %get3A_0, %get3A_2 : vector<512xf32>
    %add3A_3 = arith.constant 1.000000e+00 : f32
    %add3A_4 = vector.broadcast %add3A_3 : f32 to vector<512xf32>
    %add3A_5 = arith.addf %add3A, %add3A_4 : vector<512xf32>
    %rsqrt3A = math.rsqrt %add3A_5 : vector<512xf32>
    %broadcast_in_dim3A = vector.shape_cast %rsqrt3A : vector<512xf32> to vector<512x1xf32>
    %get3A_6 = arith.constant 0 : index
    %get3A_7 = arith.constant 0 : index
    %get3A_8 = vector.load %arg1[%get3A_6, %get3A_7] : memref<512x128xf32, #tpu.memory_space<vmem>>, vector<512x128xf32>
    %get3A_9 = arith.constant 0 : index
    %get3A_10 = arith.constant 0 : index
    %get3A_11 = vector.load %arg2[%get3A_9, %get3A_10] : memref<512x128xf32, #tpu.memory_space<vmem>>, vector<512x128xf32>
    %add3A_12 = arith.addf %get3A_8, %get3A_11 : vector<512x128xf32>
    %get3A_13 = arith.constant 0 : index
    %get3A_14 = arith.constant 0 : index
    %get3A_15 = vector.load %arg3[%get3A_13, %get3A_14] : memref<512x128xf32, #tpu.memory_space<vmem>>, vector<512x128xf32>
    %add3A_16 = arith.addf %add3A_12, %get3A_15 : vector<512x128xf32>
    %mul3A = vector.broadcast %broadcast_in_dim3A : vector<512x1xf32> to vector<512x128xf32>
    %mul3A_17 = arith.mulf %add3A_16, %mul3A : vector<512x128xf32>
    %get3A_18 = arith.constant 0 : index
    %get3A_19 = vector.load %arg4[%get3A_18] : memref<128xf32, #tpu.memory_space<vmem>>, vector<128xf32>
    %broadcast_in_dim3A_20 = vector.shape_cast %get3A_19 : vector<128xf32> to vector<1x128xf32>
    %add3A_21 = vector.broadcast %broadcast_in_dim3A_20 : vector<1x128xf32> to vector<512x128xf32>
    %add3A_22 = arith.addf %mul3A_17, %add3A_21 : vector<512x128xf32>
    %get3A_23 = arith.constant 0 : index
    %get3A_24 = arith.constant 0 : index
    %get3A_25 = vector.load %arg5[%get3A_23, %get3A_24] : memref<128x128xf32, #tpu.memory_space<vmem>>, vector<128x128xf32>
    %dot_general3A = arith.constant dense<0.000000e+00> : vector<512x128xf32>
    %dot_general3A_26 = tpu.matmul %add3A_22, %get3A_25, %dot_general3A {dimension_numbers = #tpu.dot_dimension_numbers<[1], [0], [0], [1], [0, 0, 1, 1], [], []>, transpose_lhs_hint = false} : vector<512x128xf32>, vector<128x128xf32>, vector<512x128xf32> -> vector<512x128xf32>
    %get3A_27 = arith.constant 0 : index
    %get3A_28 = vector.load %arg6[%get3A_27] : memref<128xf32, #tpu.memory_space<vmem>>, vector<128xf32>
    %broadcast_in_dim3A_29 = vector.shape_cast %get3A_28 : vector<128xf32> to vector<1x128xf32>
    %add3A_30 = vector.broadcast %broadcast_in_dim3A_29 : vector<1x128xf32> to vector<512x128xf32>
    %add3A_31 = arith.addf %dot_general3A_26, %add3A_30 : vector<512x128xf32>
    %reduce_max3A = arith.constant dense<0xFF800000> : vector<512xf32>
    %reduce_max3A_32 = vector.multi_reduction <maximumf>, %add3A_31, %reduce_max3A [1] : vector<512x128xf32> to vector<512xf32>
    %broadcast_in_dim3A_33 = vector.shape_cast %reduce_max3A_32 : vector<512xf32> to vector<512x1xf32>
    %sub3A = vector.broadcast %broadcast_in_dim3A_33 : vector<512x1xf32> to vector<512x128xf32>
    %sub3A_34 = arith.subf %add3A_31, %sub3A : vector<512x128xf32>
    %exp3A = math.exp %sub3A_34 : vector<512x128xf32>
    %reduce_sum3A = arith.constant dense<0.000000e+00> : vector<512xf32>
    %reduce_sum3A_35 = vector.multi_reduction <add>, %exp3A, %reduce_sum3A [1] : vector<512x128xf32> to vector<512xf32>
    %broadcast_in_dim3A_36 = vector.shape_cast %reduce_sum3A_35 : vector<512xf32> to vector<512x1xf32>
    %div3A = vector.broadcast %broadcast_in_dim3A_36 : vector<512x1xf32> to vector<512x128xf32>
    %div3A_37 = arith.divf %exp3A, %div3A : vector<512x128xf32>
    %swap3A = arith.constant 0 : index
    %swap3A_38 = arith.constant 0 : index
    %swap3A_39 = vector.load %arg9[%swap3A, %swap3A_38] : memref<512x128xf32, #tpu.memory_space<vmem>>, vector<512x128xf32>
    tpu.vector_store %arg9[%swap3A, %swap3A_38], %div3A_37 {strides = array<i32>} : memref<512x128xf32, #tpu.memory_space<vmem>>, vector<512x128xf32>,
    return
  }
  func.func @transform_0(%arg0: i32) -> (i32, i32) {
    %c0_i32 = arith.constant 0 : i32
    %c0_i32_0 = arith.constant 0 : i32
    return %arg0, %c0_i32 : i32, i32
  }
  func.func @transform_1(%arg0: i32) -> (i32, i32) {
    %c0_i32 = arith.constant 0 : i32
    %c0_i32_0 = arith.constant 0 : i32
    return %arg0, %c0_i32 : i32, i32
  }
  func.func @transform_2(%arg0: i32) -> (i32, i32) {
    %c0_i32 = arith.constant 0 : i32
    %c0_i32_0 = arith.constant 0 : i32
    return %arg0, %c0_i32 : i32, i32
  }
  func.func @transform_3(%arg0: i32) -> i32 {
    %c0_i32 = arith.constant 0 : i32
    %c0_i32_0 = arith.constant 0 : i32
    return %c0_i32 : i32
  }
  func.func @transform_4(%arg0: i32) -> (i32, i32) {
    %c0_i32 = arith.constant 0 : i32
    %c0_i32_0 = arith.constant 0 : i32
    %c0_i32_1 = arith.constant 0 : i32
    return %c0_i32, %c0_i32_0 : i32, i32
  }
  func.func @transform_5(%arg0: i32) -> i32 {
    %c0_i32 = arith.constant 0 : i32
    %c0_i32_0 = arith.constant 0 : i32
    return %c0_i32 : i32
  }
  func.func @transform_6(%arg0: i32) -> i32 {
    %c0_i32 = arith.constant 0 : i32
    return %arg0 : i32
  }
  func.func @transform_7(%arg0: i32) -> i32 {
    %c0_i32 = arith.constant 0 : i32
    return %arg0 : i32
  }
  func.func @transform_8(%arg0: i32) -> (i32, i32) {
    %c0_i32 = arith.constant 0 : i32
    %c0_i32_0 = arith.constant 0 : i32
    return %arg0, %c0_i32 : i32, i32
  }
}

</mosaic_0001>

<sc_bundles>
// kernel: kernel.11.cloned.1.call-start
scs
__scs_entry_jumppad:
0x0: {  	(pc) =	sbr.rel $0x88, $3  }
0x1: {  	(tag) =	ssettag $0x0;
	lr =	simm.s32 $0x1  }
0x2: {  	[smem:$0x3F99] =	sst lr;
	_ =	strace $0xD0000000  }
0x3: {  	_ = 	snop  }
0x4: {  	_ = 	snop  }
0x5: {  	_ = 	snop  }
0x6: {  	_ = 	snop  }
0x7: {  	_ = 	snop  }
__scs_overlays_trampoline_lowered:
0x8: {  	[smem:$0x3FA8] =	sst s0  }
0x9: {  	[smem:$0x3FA9] =	sst s1  }
0xa: {  	[smem:$0x3FAA] =	sst s2  }
0xb: {  	[smem:$0x3FAB] =	sst s3  }
0xc: {  	[smem:$0x3FAC] =	sst s4  }
0xd: {  	[smem:$0x3FAD] =	sst s5  }
0xe: {  	[smem:$0x3FAE] =	sst s6  }
0xf: {  	[smem:$0x3FAF] =	sst s7  }
0x10: {  	[smem:$0x3FB0] =	sst s8  }
0x11: {  	[smem:$0x3FB1] =	sst s9;
	s0 =	simm.s32 @!p0 $0x0  }
0x12: {  	s1 =	sld [smem:$0x3F97];
	s0 =	simm.s32 @p0 $0x1  }
0x13: {  	[smem:$0x3FB2] =	sst s0;
	s0 =	simm.s32 @!p1 $0x0  }
0x14: {  	s2 =	sld [smem:$0x3F96];
	s0 =	simm.s32 @p1 $0x1  }
0x15: {  	[smem:$0x3FB3] =	sst s0;
	s0 =	simm.s32 @!p2 $0x0  }
0x16: {  	s3 =	sld [smem:$0x3FDB];
	s0 =	simm.s32 @p2 $0x1  }
0x17: {  	s4 =	simm.s32 $0x1BF5;
	[smem:$0x3FB5] =	sst s0  }
0x18: {  	s0 =	sld [smem:$0x3F98];
	_ =	swait.ge [sflag:s4], $0x0  }
0x19: {  	s7 =	sld [smem:$0x3F99]  }
0x1a: {  	s8 =	sadd.s32 $0xFFFFE003, lr  }
0x1b: {  	s9 =	sadd.s32 $0xFFFFFEF7, lr;
	s5 =	simm.s32 $0xFFFFFFFF;
	p2 =	slt.u32 s8, $0xFFFFF086  }
0x1c: {  	p1 =	slt.u32 s9, $0xF7A;
	s5 =	simm.s32 @!p2 $0x0  }
0x1d: {  	s5 =	simm.s32 @p1 $0x1;
	p0 =	seq.s32 s7, s2  }
0x1e: {  	s7 =	smul.u32 @!p0 $0xF7A, s2;
	p2 =	seq.s32 @!p0 s5, $0x0  }
0x1f: {  	s9 =	smul.u32 $0xF7A, s1;
	s8 =	simm.s32 @!p0 $0x1BF5;
	p2 =	por !p2, p0  }
0x20: {  	[sflag:s8] =	ssyncset.s32 @!p0 $0xFFFFF086;
	s6 =	sadd.s32 @!p0 s3, s7;
	s7 =	simm.s32 @!p0 $0x108  }
0x21: {  	s3 =	sadd.s32 s3, s9;
	s6 =	sadd.s32 @!p0 $0x88, s6;
	s7 =	simm.s32 @p2 $0x1082  }
0x22: {  	[simem:s7], [sflag:s8] =	dma.local @!p0 [hbm:s6], $0xF7A  }
0x23: {  	s9 =	sor.u32 $0xD0000000, s2;
	s6 =	simm.s32 $0x108;
	_ =	swait.ge @!p0 [sflag:s8], $0x0  }
0x24: {  	s3 =	sadd.s32 $0x88, s3;
	s6 =	simm.s32 @!p1 $0x1082;
	[sflag:s4] =	ssyncset.s32 $0xFFFFF086  }
0x25: {  	[simem:s6], [sflag:s4] =	dma.local [hbm:s3], $0xF7A  }
0x26: {  	[smem:$0x3F99] =	sst s1;
	(tag) =	ssettag s2;
	_ =	strace s9  }
0x27: {  	s1 =	sld [smem:$0x3FA9]  }
0x28: {  	s2 =	sld [smem:$0x3FAA]  }
0x29: {  	s4 =	sld [smem:$0x3FAC]  }
0x2a: {  	p0 =	seq.s32 s5, $0x0;
	s5 =	sld [smem:$0x3FAD]  }
0x2b: {  	s6 =	sld [smem:$0x3FAE]  }
0x2c: {  	s7 =	sld [smem:$0x3FAF]  }
0x2d: {  	s3 =	simm.s32 $0x108;
	s8 =	sld [smem:$0x3FB0]  }
0x2e: {  	s3 =	simm.s32 @!p0 $0x1082;
	s9 =	sld [smem:$0x3FB1]  }
0x2f: {  	lr =	sadd.s32 s0, s3;
	s0 =	sld [smem:$0x3FA8]  }
0x30: {  	s3 =	sld [smem:$0x3FAB]  }
0x31: {  	[smem:$0x3FB4] =	sst s10  }
0x32: {  	s10 =	sld [smem:$0x3FB2];
	_ =	sdelay $0x3  }
0x33: {  	p0 =	seq.s32 s10, $0x1;
	s10 =	sld [smem:$0x3FB4];
	_ =	sdelay $0x3  }
0x34: {  	[smem:$0x3FB4] =	sst s10  }
0x35: {  	s10 =	sld [smem:$0x3FB3];
	_ =	sdelay $0x3  }
0x36: {  	p1 =	seq.s32 s10, $0x1;
	s10 =	sld [smem:$0x3FB4];
	_ =	sdelay $0x3  }
0x37: {  	[smem:$0x3FB4] =	sst s10  }
0x38: {  	s10 =	sld [smem:$0x3FB5]  }
0x39: {  	_ = 	snop;
	(pc) =	sbr.ind lr, $3  }
0x3a: {  	_ = 	snop  }
0x3b: {  	_ = 	snop  }
0x3c: {  	p2 =	seq.s32 s10, $0x1;
	s10 =	sld [smem:$0x3FB4]  }
0x3d: {  	_ =	shalt  }
0x3e: {  	_ =	shalt  }
0x3f: {  	_ =	shalt  }
0x40: {  	_ =	shalt  }
0x41: {  	_ =	shalt  }
0x42: {  	_ =	shalt  }
0x43: {  	_ =	shalt  }
0x44: {  	_ =	shalt  }
0x45: {  	_ =	shalt  }
0x46: {  	_ =	shalt  }
0x47: {  	_ =	shalt  }
0x48: {  	_ =	shalt  }
0x49: {  	_ =	shalt  }
0x4a: {  	_ =	shalt  }
0x4b: {  	_ =	shalt  }
0x4c: {  	_ =	shalt  }
0x4d: {  	_ =	shalt  }
0x4e: {  	_ =	shalt  }
0x4f: {  	_ =	shalt  }
0x50: {  	_ =	shalt  }
0x51: {  	_ =	shalt  }
0x52: {  	_ =	shalt  }
0x53: {  	_ =	shalt  }
0x54: {  	_ =	shalt  }
0x55: {  	_ =	shalt  }
0x56: {  	_ =	shalt  }
0x57: {  	_ =	shalt  }
0x58: {  	_ =	shalt  }
0x59: {  	_ =	shalt  }
0x5a: {  	_ =	shalt  }
0x5b: {  	_ =	shalt  }
0x5c: {  	_ =	shalt  }
0x5d: {  	_ =	shalt  }
0x5e: {  	_ =	shalt  }
0x5f: {  	_ =	shalt  }
0x60: {  	_ =	shalt  }
0x61: {  	_ =	shalt  }
0x62: {  	_ =	shalt  }
0x63: {  	_ =	shalt  }
0x64: {  	_ =	shalt  }
0x65: {  	_ =	shalt  }
0x66: {  	_ =	shalt  }
0x67: {  	_ =	shalt  }
0x68: {  	_ =	shalt  }
0x69: {  	_ =	shalt  }
0x6a: {  	_ =	shalt  }
0x6b: {  	_ =	shalt  }
0x6c: {  	_ =	shalt  }
0x6d: {  	_ =	shalt  }
0x6e: {  	_ =	shalt  }
0x6f: {  	_ =	shalt  }
0x70: {  	_ =	shalt  }
0x71: {  	_ =	shalt  }
0x72: {  	_ =	shalt  }
0x73: {  	_ =	shalt  }
0x74: {  	_ =	shalt  }
0x75: {  	_ =	shalt  }
0x76: {  	_ =	shalt  }
0x77: {  	_ =	shalt  }
0x78: {  	_ =	shalt  }
0x79: {  	_ =	shalt  }
0x7a: {  	_ =	shalt  }
0x7b: {  	_ =	shalt  }
0x7c: {  	_ =	shalt  }
0x7d: {  	_ =	shalt  }
0x7e: {  	_ =	shalt  }
0x7f: {  	_ =	shalt  }
0x80: {  	_ =	shalt  }
0x81: {  	_ =	shalt  }
0x82: {  	_ =	shalt  }
0x83: {  	_ =	shalt  }
0x84: {  	_ =	shalt  }
0x85: {  	_ =	shalt  }
0x86: {  	_ =	shalt  }
0x87: {  	_ =	shalt  }
.Lfunc_end0:
.L_simem_size_0:
called_computation.1_lowered:
.L_overlay_start_0:
0x88: {  	s2 =	sld [smem:$0x3FD9]  }
0x89: {  	s3 =	sld [smem:$0x3FFE];
	_ =	sdelay $0x1  }
0x8a: {  	s1 =	srdreg.scid  }
0x8b: {  	s0 =	sand.u32 $0x1, s1  }
0x8c: {  	s16 =	sshll.u32 s0, $0xA;
	s2 =	sadd.s32 s3, s2  }
0x8d: {  	s2 =	sadd.s32 s2, s16  }
0x8e: {  	[smem:$0x3FC0] =	sst s2  }
0x8f: {  	_ = 	snop  }
0x90: {  	(tm) =	ssettm $0x1  }
0x91: {  	s17 =	sld [smem:$0x3FFB];
	_ =	sdelay $0x3  }
0x92: {  	_ =	strace s17  }
0x93: {  	s2 =	sld [smem:$0x3FFC];
	_ =	sdelay $0x3  }
0x94: {  	_ =	strace s2  }
0x95: {  	s2 =	sld [smem:$0x3FFD];
	_ =	sdelay $0x3  }
0x96: {  	_ =	strace s2  }
0x97: {  	_ =	strace $0x8FFFFFFF  }
0x98: {  	s18 =	sld [smem:$0x3FDB];
	_ =	sdelay $0x1  }
0x99: {  	s19 =	simm.s32 $_scs_section_size  }
0x9a: {  	s4 =	simm.s32 $_size__tile_overlayer_lowered;
	s5 =	simm.s32 $_tile_overlayer_lowered  }
0x9b: {  	s22 =	simm.s32 $0x1BFF;
	s21 =	sshll.u32 s5, $0x1;
	s2 =	sadd.s32 s19, s18  }
0x9c: {  	s6 =	simm.s32 $0x0;
	s20 =	sshll.u32 s4, $0x1;
	s4 =	sadd.s32 s21, s2  }
0x9d: {  	[timem:s6], [sflag:s22] =	dma.local [hbm:s4], s20  }
0x9e: {  	_ =	swait.ge [sflag:s22], s20  }
0x9f: {  	s3 =	ssub.s32 $0x0, s20;
	[sflag:s22] =	ssyncset.done $0x0  }
0xa0: {  	[sflag:s22] =	ssyncadd.s32 s3;
	_ =	sdelay $0x1  }
0xa1: {  	s23 =	simm.s32 $0x1B8B  }
0xa2: {  	_ =	swait.ge [sflag:s23], $0x1  }
0xa3: {  	[sflag:s23] =	ssyncset.done $0x0  }
0xa4: {  	s25 =	simm.s32 $0x1B8E;
	s24 =	sld [smem:$0x3FFE];
	[sflag:s23] =	ssyncadd.s32 $0xFFFFFFFF  }
0xa5: {  	s26 =	simm.s32 $execute0_lowered;
	[smem:$0x3FD2] =	sst s25  }
0xa6: {  	s4 =	sshll.u32 s26, $0x1;
	_ =	strace $0x80000049;
	[dreg:$0x1] =	wrdreg $0xFFFFFFFF  }
0xa7: {  	s28 =	simm.s32 $_size_execute0_lowered;
	s2 =	sadd.s32 s2, s4;
	[dreg:$0x0] =	wrdreg $0x0  }
0xa8: {  	s4 =	sshll.u32 s28, $0x1;
	[dreg:$0x2] =	wrdreg s2  }
0xa9: {  	[dreg:$0x3] =	wrdreg s4  }
0xaa: {  	[dreg:$0x4] =	wrdreg $0xC0  }
0xab: {  	_ =	task [dreg:s6], $0x5FFFF  }
0xac: {  	[dreg:$0x1] =	wrdreg $0xFFFFFFFF  }
0xad: {  	[dreg:$0x0] =	wrdreg $0x60  }
0xae: {  	[dreg:$0x2] =	wrdreg s24  }
0xaf: {  	[dreg:$0x3] =	wrdreg $0x90000  }
0xb0: {  	[dreg:$0x4] =	wrdreg $0x9  }
0xb1: {  	_ =	task.clear_ibuf [dreg:s6], $0x5FFFF;
	_ =	strace $0x90000049  }
0xb2: {  	s29 =	simm.s32 $0x9;
	_ =	strace $0x8000004B  }
0xb3: {  	_ =	swait.ge [sflag:s29], $0x1  }
0xb4: {  	[sflag:s29] =	ssyncadd.s32 $0xFFFFFFFF  }
0xb5: {  	_ =	strace $0x9000004B  }
0xb6: {  	_ =	sfence  }
0xb7: {  	s30 =	sld [smem:$0x0];
	_ =	sdelay $0x2  }
0xb8: {  	s31 =	sshll.u32 s1, $0xD;
	s1 =	sshrl.u32 s1, $0x2  }
0xb9: {  	s3 =	sand.u32 $0x4000, s31;
	s1 =	sadd.s32 s1, s30  }
0xba: {  	s0 =	sor.u32 s3, s0;
	s1 =	sshll.u32 s1, $0x11  }
0xbb: {  	s0 =	sor.u32 s1, s0  }
0xbc: {  	s0 =	sadd.s32 $0x8F2B, s0  }
0xbd: {  	[sflag:s0] =	ssyncadd.remote.s32 $0x1  }
0xbe: {  	_ =	sfence.sel $0xFFFF  }
0xbf: {  	[dreg:$0x0] =	wrdreg $0xFFFFFFFF;
	(pc) =	sbr.abs _section_cstart, $3  }
0xc0: {  	[dreg:$0x1] =	wrdreg $0xFFFFFFFF  }
0xc1: {  	_ =	task.clear_ibuf [dreg:s6], $0x2FFFF;
	_ =	strace $0x9FFFFFFF  }
0xc2: {  	(tm) =	ssettm $0x7FFFFFFF  }
0xc3: {  	_ =	shalt  }
tec
execute0_lowered:
.L_overlay_start_1:
0x0: {  	(tag) =	ssettag $0x1  }
0x1: {  	s0 =	srdreg.scid;
	s1 =	rddreg [dreg:$0x0]  }
0x2: {  	s10 =	stileid.u32;
	s2 =	rddreg [dreg:$0x1]  }
0x3: {  	s3 =	simm.s32 $0x0;
	s26 =	simm.s32 $0x880;
	s11 =	simm.s32 $0x100  }
0x4: {  	s13 =	simm.s32 $0x180;
	s14 =	simm.s32 $0x900;
	s15 =	simm.s32 $0x980  }
0x5: {  	s16 =	simm.s32 $0x200;
	s17 =	simm.s32 $0x280;
	[smem:$0x7FF] =	sst s3  }
0x6: {  	s18 =	simm.s32 $0xA00;
	_ =	strace $0x8000004A;
	[dreg:$0x5] =	wrdreg s26  }
0x7: {  	s19 =	simm.s32 $0xA80;
	s20 =	simm.s32 $0x300;
	[dreg:$0x6] =	wrdreg s11  }
0x8: {  	s28 =	simm.s32 $0xE80;
	s29 =	simm.s32 $0x700;
	[dreg:$0x7] =	wrdreg s13  }
0x9: {  	s30 =	simm.s32 $0x780;
	s5 =	smul.u32 $0x2800, s10;
	[dreg:$0x8] =	wrdreg s14  }
0xa: {  	s31 =	simm.s32 $0xF00;
	s21 =	smul.u32 $0x14000, s10;
	[dreg:$0x9] =	wrdreg s15  }
0xb: {  	s0 =	sand.u32 $0x1, s0;
	s9 =	smul.u32 $0x50000, s10;
	[dreg:$0xa] =	wrdreg s16  }
0xc: {  	s12 =	sshll.u32 s10, $0x6;
	s4 =	smul.u32 $0x28000, s0;
	[dreg:$0xb] =	wrdreg s17  }
0xd: {  	s10 =	simm.s32 $0x5;
	s7 =	smul.u32 $0x140000, s0;
	[dreg:$0xc] =	wrdreg s18  }
0xe: {  	s0 =	ssub.s32 $0x2, s0;
	s11 =	simm.s32 $0x800;
	[dreg:$0xd] =	wrdreg s19  }
0xf: {  	s13 =	simm.s32 $0x1000;
	[dreg:$0xe] =	wrdreg s20;
	s14 =	simm.s32 $0x5000  }
0x10: {  	s15 =	simm.s32 $0x1;
	s16 =	simm.s32 $0x2;
	s17 =	simm.s32 $0x3  }
0x11: {  	s18 =	simm.s32 $0x4;
	s26 =	simm.s32 $0xC00;
	s19 =	simm.s32 $0xC80  }
0x12: {  	s20 =	simm.s32 $0x500;
	s8 =	sshrl.u32 s21, $0x3;
	s22 =	sshrl.u32 s0, $0x1  }
0x13: {  	s24 =	sshrl.u32 s9, $0x2;
	[dreg:$0x14] =	wrdreg s26;
	s26 =	simm.s32 $0xE00  }
0x14: {  	s4 =	sadd.s32 s5, s4;
	s8 =	sadd.s32 s8, s1;
	s5 =	sadd.s32 s21, s7  }
0x15: {  	s0 =	ssub.s32 s0, s22;
	s7 =	sadd.s32 s24, s2;
	s21 =	simm.s32 $0x380  }
0x16: {  	s22 =	simm.s32 $0xB00;
	s24 =	simm.s32 $0x400;
	[dreg:$0xf] =	wrdreg s21  }
0x17: {  	s6 =	sshrl.u32 s4, $0x3;
	s4 =	sadd.s32 $0x17200, s1;
	[dreg:$0x10] =	wrdreg s22  }
0x18: {  	s5 =	sshrl.u32 s5, $0x3;
	s9 =	sadd.s32 $0x3F200, s8;
	[dreg:$0x12] =	wrdreg s24  }
0x19: {  	s0 =	smax.u32 s0, $0x1;
	s7 =	sshrl.u32 s7, $0x3;
	[dreg:$0x15] =	wrdreg s9  }
0x1a: {  	s21 =	simm.s32 $0x580;
	s6 =	sadd.s32 s6, s1;
	[dreg:$0x18] =	wrdreg s0  }
0x1b: {  	s22 =	simm.s32 $0xD00;
	[dreg:$0x19] =	wrdreg s7;
	s23 =	sadd.s32 $0x2C00, s6  }
0x1c: {  	s1 =	sadd.s32 s5, s1;
	s25 =	sadd.s32 $0xD200, s6;
	[dreg:$0x3] =	wrdreg s23  }
0x1d: {  	s24 =	simm.s32 $0x600;
	s1 =	sadd.s32 $0x67200, s1;
	[dreg:$0x4] =	wrdreg s25  }
0x1e: {  	s0 =	simm.s32 $0x0;
	s6 =	sor.u32 $0x1C05, s12;
	[dreg:$0x17] =	wrdreg s1  }
0x1f: {  	s12 =	simm.s32 $0x80;
	s23 =	simm.s32 $0xB80;
	[dreg:$0x16] =	wrdreg s6  }
0x20: {  	s25 =	simm.s32 $0x480;
	s1 =	simm.s32 $0xF80;
	[dreg:$0x11] =	wrdreg s23  }
0x21: {  	[dreg:$0x13] =	wrdreg s25;
	s23 =	simm.s32 $0xD80;
	s25 =	simm.s32 $0x680  }
.LBB2_1:
0x22: {  	s5 =	rddreg [dreg:$0x15]  }
0x23: {  	[spmem:s7], [sflag:s6] =	dma.local [hbm:s5], $0x2800  }
0x24: {  	_ =	swait.ge [sflag:s10], $0x2800  }
0x25: {  	[sflag:s10] =	ssyncset.done $0x0  }
0x26: {  	p0 =	por $0x1, $0x1;
	[sflag:s10] =	ssyncadd.s32 $0xFFFFD800  }
0x27: {  	s5 =	simm.s32 @!p0 $0x3;
	[bflag:$0x0] =	sbarrier.arrive $0xFFFF  }
0x28: {  	_ =	swait.ge @!p0 [sflag:s5], $0x4000  }
0x29: {  	[sflag:s5] =	ssyncset.done @!p0 $0x0  }
0x2a: {  	[sflag:s5] =	ssyncadd.s32 @!p0 $0xFFFFC000;
	s5 =	simm.s32 @!p0 $0x4  }
0x2b: {  	_ =	swait.ge @!p0 [sflag:s5], $0x4000  }
0x2c: {  	s6 =	rddreg [dreg:$0x4];
	[sflag:s5] =	ssyncset.done @!p0 $0x0  }
0x2d: {  	[sflag:s5] =	ssyncadd.s32 @!p0 $0xFFFFC000;
	s8 =	sadd.s32 $0x0, s6  }
0x2e: {  	[tilespmem:s3], [sflag:$0x5] =	stream.linear.gather [hbm4b:s8+s3], $0x800, $0x38;
	[tilespmem:$0x1D000] =	vst v63  }
0x2f: {  	_ =	swait.ge [sflag:s10], $0x800  }
0x30: {  	s9 =	rddreg [dreg:$0x3];
	[sflag:s10] =	ssyncset.done $0x0  }
0x31: {  	[sflag:s10] =	ssyncadd.s32 $0xFFFFF800;
	s5 =	sadd.s32 $0x0, s9  }
0x32: {  	[tilespmem:s11], [sflag:$0x5] =	stream.linear.gather [hbm4b:s5+s3], $0x800, $0x38;
	[tilespmem:$0x1D000] =	vst v63  }
0x33: {  	_ =	swait.ge [sflag:s10], $0x800  }
0x34: {  	[sflag:s10] =	ssyncset.done $0x0  }
0x35: {  	[sflag:s10] =	ssyncadd.s32 $0xFFFFF800  }
0x36: {  	[tilespmem:s13], [sflag:$0x1] =	stream.indirect.gather [hbm4b:s4+s12], $0x80, s3, s12, $0xb8;
	[tilespmem:$0x1D000] =	vst v63  }
0x37: {  	_ = 	snop  }
0x38: {  	[tilespmem:s14], [sflag:$0x2] =	stream.indirect.gather [hbm4b:s4+s12], $0x80, s12, s12, $0xb8;
	[tilespmem:$0x1D000] =	vst v63  }
0x39: {  	_ =	swait.ge [sflag:s15], $0x4000  }
0x3a: {  	[sflag:s15] =	ssyncset.done $0x0  }
0x3b: {  	[sflag:s15] =	ssyncadd.s32 $0xFFFFC000  }
0x3c: {  	[spmem:s2] =	stream.indirect.scatter.add.f32 [tilespmem:s13], [sflag:$0x3], $0x80, s11, s12, $0xb8;
	[tilespmem:$0x1D000] =	vst v63  }
0x3d: {  	_ =	swait.ge [sflag:s16], $0x4000  }
0x3e: {  	[sflag:s16] =	ssyncset.done $0x0  }
0x3f: {  	s6 =	rddreg [dreg:$0x5];
	[sflag:s16] =	ssyncadd.s32 $0xFFFFC000  }
0x40: {  	[spmem:s2] =	stream.indirect.scatter.add.f32 [tilespmem:s14], [sflag:$0x4], $0x80, s6, s12, $0xb8;
	[tilespmem:$0x1D000] =	vst v63  }
0x41: {  	_ =	swait.ge [sflag:s17], $0x4000  }
0x42: {  	[sflag:s17] =	ssyncset.done $0x0  }
0x43: {  	[sflag:s17] =	ssyncadd.s32 $0xFFFFC000  }
0x44: {  	_ =	swait.ge [sflag:s18], $0x4000  }
0x45: {  	[sflag:s18] =	ssyncset.done $0x0  }
0x46: {  	s7 =	rddreg [dreg:$0x6];
	[sflag:s18] =	ssyncadd.s32 $0xFFFFC000  }
0x47: {  	[tilespmem:s13], [sflag:$0x1] =	stream.indirect.gather [hbm4b:s4+s12], $0x80, s7, s12, $0xb8;
	[tilespmem:$0x1D000] =	vst v63  }
0x48: {  	s8 =	rddreg [dreg:$0x7]  }
0x49: {  	[tilespmem:s14], [sflag:$0x2] =	stream.indirect.gather [hbm4b:s4+s12], $0x80, s8, s12, $0xb8;
	[tilespmem:$0x1D000] =	vst v63  }
0x4a: {  	_ =	swait.ge [sflag:s15], $0x4000  }
0x4b: {  	[sflag:s15] =	ssyncset.done $0x0  }
0x4c: {  	s9 =	rddreg [dreg:$0x8];
	[sflag:s15] =	ssyncadd.s32 $0xFFFFC000  }
0x4d: {  	[spmem:s2] =	stream.indirect.scatter.add.f32 [tilespmem:s13], [sflag:$0x3], $0x80, s9, s12, $0xb8;
	[tilespmem:$0x1D000] =	vst v63  }
0x4e: {  	_ =	swait.ge [sflag:s16], $0x4000  }
0x4f: {  	[sflag:s16] =	ssyncset.done $0x0  }
0x50: {  	s6 =	rddreg [dreg:$0x9];
	[sflag:s16] =	ssyncadd.s32 $0xFFFFC000  }
0x51: {  	[spmem:s2] =	stream.indirect.scatter.add.f32 [tilespmem:s14], [sflag:$0x4], $0x80, s6, s12, $0xb8;
	[tilespmem:$0x1D000] =	vst v63  }
0x52: {  	_ =	swait.ge [sflag:s17], $0x4000  }
0x53: {  	[sflag:s17] =	ssyncset.done $0x0  }
0x54: {  	[sflag:s17] =	ssyncadd.s32 $0xFFFFC000  }
0x55: {  	_ =	swait.ge [sflag:s18], $0x4000  }
0x56: {  	[sflag:s18] =	ssyncset.done $0x0  }
0x57: {  	s7 =	rddreg [dreg:$0xa];
	[sflag:s18] =	ssyncadd.s32 $0xFFFFC000  }
0x58: {  	[tilespmem:s13], [sflag:$0x1] =	stream.indirect.gather [hbm4b:s4+s12], $0x80, s7, s12, $0xb8;
	[tilespmem:$0x1D000] =	vst v63  }
0x59: {  	s8 =	rddreg [dreg:$0xb]  }
0x5a: {  	[tilespmem:s14], [sflag:$0x2] =	stream.indirect.gather [hbm4b:s4+s12], $0x80, s8, s12, $0xb8;
	[tilespmem:$0x1D000] =	vst v63  }
0x5b: {  	_ =	swait.ge [sflag:s15], $0x4000  }
0x5c: {  	[sflag:s15] =	ssyncset.done $0x0  }
0x5d: {  	s9 =	rddreg [dreg:$0xc];
	[sflag:s15] =	ssyncadd.s32 $0xFFFFC000  }
0x5e: {  	[spmem:s2] =	stream.indirect.scatter.add.f32 [tilespmem:s13], [sflag:$0x3], $0x80, s9, s12, $0xb8;
	[tilespmem:$0x1D000] =	vst v63  }
0x5f: {  	_ =	swait.ge [sflag:s16], $0x4000  }
0x60: {  	[sflag:s16] =	ssyncset.done $0x0  }
0x61: {  	s6 =	rddreg [dreg:$0xd];
	[sflag:s16] =	ssyncadd.s32 $0xFFFFC000  }
0x62: {  	[spmem:s2] =	stream.indirect.scatter.add.f32 [tilespmem:s14], [sflag:$0x4], $0x80, s6, s12, $0xb8;
	[tilespmem:$0x1D000] =	vst v63  }
0x63: {  	_ =	swait.ge [sflag:s17], $0x4000  }
0x64: {  	[sflag:s17] =	ssyncset.done $0x0  }
0x65: {  	[sflag:s17] =	ssyncadd.s32 $0xFFFFC000  }
0x66: {  	_ =	swait.ge [sflag:s18], $0x4000  }
0x67: {  	[sflag:s18] =	ssyncset.done $0x0  }
0x68: {  	s7 =	rddreg [dreg:$0xe];
	[sflag:s18] =	ssyncadd.s32 $0xFFFFC000  }
0x69: {  	[tilespmem:s13], [sflag:$0x1] =	stream.indirect.gather [hbm4b:s4+s12], $0x80, s7, s12, $0xb8;
	[tilespmem:$0x1D000] =	vst v63  }
0x6a: {  	s8 =	rddreg [dreg:$0xf]  }
0x6b: {  	[tilespmem:s14], [sflag:$0x2] =	stream.indirect.gather [hbm4b:s4+s12], $0x80, s8, s12, $0xb8;
	[tilespmem:$0x1D000] =	vst v63  }
0x6c: {  	_ =	swait.ge [sflag:s15], $0x4000  }
0x6d: {  	[sflag:s15] =	ssyncset.done $0x0  }
0x6e: {  	s9 =	rddreg [dreg:$0x10];
	[sflag:s15] =	ssyncadd.s32 $0xFFFFC000  }
0x6f: {  	[spmem:s2] =	stream.indirect.scatter.add.f32 [tilespmem:s13], [sflag:$0x3], $0x80, s9, s12, $0xb8;
	[tilespmem:$0x1D000] =	vst v63  }
0x70: {  	_ =	swait.ge [sflag:s16], $0x4000  }
0x71: {  	[sflag:s16] =	ssyncset.done $0x0  }
0x72: {  	s6 =	rddreg [dreg:$0x11];
	[sflag:s16] =	ssyncadd.s32 $0xFFFFC000  }
0x73: {  	[spmem:s2] =	stream.indirect.scatter.add.f32 [tilespmem:s14], [sflag:$0x4], $0x80, s6, s12, $0xb8;
	[tilespmem:$0x1D000] =	vst v63  }
0x74: {  	_ =	swait.ge [sflag:s17], $0x4000  }
0x75: {  	[sflag:s17] =	ssyncset.done $0x0  }
0x76: {  	[sflag:s17] =	ssyncadd.s32 $0xFFFFC000  }
0x77: {  	_ =	swait.ge [sflag:s18], $0x4000  }
0x78: {  	[sflag:s18] =	ssyncset.done $0x0  }
0x79: {  	s7 =	rddreg [dreg:$0x12];
	[sflag:s18] =	ssyncadd.s32 $0xFFFFC000  }
0x7a: {  	[tilespmem:s13], [sflag:$0x1] =	stream.indirect.gather [hbm4b:s4+s12], $0x80, s7, s12, $0xb8;
	[tilespmem:$0x1D000] =	vst v63  }
0x7b: {  	s8 =	rddreg [dreg:$0x13]  }
0x7c: {  	[tilespmem:s14], [sflag:$0x2] =	stream.indirect.gather [hbm4b:s4+s12], $0x80, s8, s12, $0xb8;
	[tilespmem:$0x1D000] =	vst v63  }
0x7d: {  	_ =	swait.ge [sflag:s15], $0x4000  }
0x7e: {  	[sflag:s15] =	ssyncset.done $0x0  }
0x7f: {  	s9 =	rddreg [dreg:$0x14];
	[sflag:s15] =	ssyncadd.s32 $0xFFFFC000  }
0x80: {  	[spmem:s2] =	stream.indirect.scatter.add.f32 [tilespmem:s13], [sflag:$0x3], $0x80, s9, s12, $0xb8;
	[tilespmem:$0x1D000] =	vst v63  }
0x81: {  	_ =	swait.ge [sflag:s16], $0x4000  }
0x82: {  	[sflag:s16] =	ssyncset.done $0x0  }
0x83: {  	[sflag:s16] =	ssyncadd.s32 $0xFFFFC000  }
0x84: {  	[spmem:s2] =	stream.indirect.scatter.add.f32 [tilespmem:s14], [sflag:$0x4], $0x80, s19, s12, $0xb8;
	[tilespmem:$0x1D000] =	vst v63  }
0x85: {  	_ =	swait.ge [sflag:s17], $0x4000  }
0x86: {  	[sflag:s17] =	ssyncset.done $0x0  }
0x87: {  	[sflag:s17] =	ssyncadd.s32 $0xFFFFC000  }
0x88: {  	_ =	swait.ge [sflag:s18], $0x4000  }
0x89: {  	[sflag:s18] =	ssyncset.done $0x0  }
0x8a: {  	[sflag:s18] =	ssyncadd.s32 $0xFFFFC000  }
0x8b: {  	[tilespmem:s13], [sflag:$0x1] =	stream.indirect.gather [hbm4b:s4+s12], $0x80, s20, s12, $0xb8;
	[tilespmem:$0x1D000] =	vst v63  }
0x8c: {  	_ = 	snop  }
0x8d: {  	[tilespmem:s14], [sflag:$0x2] =	stream.indirect.gather [hbm4b:s4+s12], $0x80, s21, s12, $0xb8;
	[tilespmem:$0x1D000] =	vst v63  }
0x8e: {  	_ =	swait.ge [sflag:s15], $0x4000  }
0x8f: {  	[sflag:s15] =	ssyncset.done $0x0  }
0x90: {  	[sflag:s15] =	ssyncadd.s32 $0xFFFFC000  }
0x91: {  	[spmem:s2] =	stream.indirect.scatter.add.f32 [tilespmem:s13], [sflag:$0x3], $0x80, s22, s12, $0xb8;
	[tilespmem:$0x1D000] =	vst v63  }
0x92: {  	_ =	swait.ge [sflag:s16], $0x4000  }
0x93: {  	[sflag:s16] =	ssyncset.done $0x0  }
0x94: {  	[sflag:s16] =	ssyncadd.s32 $0xFFFFC000  }
0x95: {  	[spmem:s2] =	stream.indirect.scatter.add.f32 [tilespmem:s14], [sflag:$0x4], $0x80, s23, s12, $0xb8;
	[tilespmem:$0x1D000] =	vst v63  }
0x96: {  	_ =	swait.ge [sflag:s17], $0x4000  }
0x97: {  	[sflag:s17] =	ssyncset.done $0x0  }
0x98: {  	[sflag:s17] =	ssyncadd.s32 $0xFFFFC000  }
0x99: {  	_ =	swait.ge [sflag:s18], $0x4000  }
0x9a: {  	[sflag:s18] =	ssyncset.done $0x0  }
0x9b: {  	[sflag:s18] =	ssyncadd.s32 $0xFFFFC000  }
0x9c: {  	[tilespmem:s13], [sflag:$0x1] =	stream.indirect.gather [hbm4b:s4+s12], $0x80, s24, s12, $0xb8;
	[tilespmem:$0x1D000] =	vst v63  }
0x9d: {  	_ = 	snop  }
0x9e: {  	[tilespmem:s14], [sflag:$0x2] =	stream.indirect.gather [hbm4b:s4+s12], $0x80, s25, s12, $0xb8;
	[tilespmem:$0x1D000] =	vst v63  }
0x9f: {  	_ =	swait.ge [sflag:s15], $0x4000  }
0xa0: {  	[sflag:s15] =	ssyncset.done $0x0  }
0xa1: {  	[sflag:s15] =	ssyncadd.s32 $0xFFFFC000  }
0xa2: {  	[spmem:s2] =	stream.indirect.scatter.add.f32 [tilespmem:s13], [sflag:$0x3], $0x80, s26, s12, $0xb8;
	[tilespmem:$0x1D000] =	vst v63  }
0xa3: {  	_ =	swait.ge [sflag:s16], $0x4000  }
0xa4: {  	[sflag:s16] =	ssyncset.done $0x0  }
0xa5: {  	[sflag:s16] =	ssyncadd.s32 $0xFFFFC000  }
0xa6: {  	[spmem:s2] =	stream.indirect.scatter.add.f32 [tilespmem:s14], [sflag:$0x4], $0x80, s28, s12, $0xb8;
	[tilespmem:$0x1D000] =	vst v63  }
0xa7: {  	_ =	swait.ge [sflag:s17], $0x4000  }
0xa8: {  	[sflag:s17] =	ssyncset.done $0x0  }
0xa9: {  	[sflag:s17] =	ssyncadd.s32 $0xFFFFC000  }
0xaa: {  	_ =	swait.ge [sflag:s18], $0x4000  }
0xab: {  	[sflag:s18] =	ssyncset.done $0x0  }
0xac: {  	[sflag:s18] =	ssyncadd.s32 $0xFFFFC000  }
0xad: {  	[tilespmem:s13], [sflag:$0x1] =	stream.indirect.gather [hbm4b:s4+s12], $0x80, s29, s12, $0xb8;
	[tilespmem:$0x1D000] =	vst v63  }
0xae: {  	_ = 	snop  }
0xaf: {  	[tilespmem:s14], [sflag:$0x2] =	stream.indirect.gather [hbm4b:s4+s12], $0x80, s30, s12, $0xb8;
	[tilespmem:$0x1D000] =	vst v63  }
0xb0: {  	_ =	swait.ge [sflag:s15], $0x4000  }
0xb1: {  	[sflag:s15] =	ssyncset.done $0x0  }
0xb2: {  	[sflag:s15] =	ssyncadd.s32 $0xFFFFC000  }
0xb3: {  	[spmem:s2] =	stream.indirect.scatter.add.f32 [tilespmem:s13], [sflag:$0x3], $0x80, s31, s12, $0xb8;
	[tilespmem:$0x1D000] =	vst v63  }
0xb4: {  	p1 =	por $0x0, $0x0;
	_ =	swait.ge [sflag:s16], $0x4000  }
0xb5: {  	s5 =	simm.s32 $0x100;
	s7 =	simm.s32 $0x200;
	[sflag:s16] =	ssyncset.done $0x0  }
.LBB2_2:
0xb6: {  	s8 =	simm.s32 @!p1 $0x3;
	[sflag:s16] =	ssyncadd.s32 $0xFFFFC000  }
0xb7: {  	[spmem:s2] =	stream.indirect.scatter.add.f32 [tilespmem:s14], [sflag:$0x4], $0x80, s1, s12, $0xb8;
	[tilespmem:$0x1D000] =	vst v63  }
0xb8: {  	_ =	swait.ge @!p1 [sflag:s8], $0x4000  }
0xb9: {  	[sflag:s8] =	ssyncset.done @!p1 $0x0  }
0xba: {  	[sflag:s8] =	ssyncadd.s32 @!p1 $0xFFFFC000;
	s8 =	simm.s32 @!p1 $0x4  }
0xbb: {  	_ =	swait.ge @!p1 [sflag:s8], $0x4000  }
0xbc: {  	[sflag:s8] =	ssyncset.done @!p1 $0x0;
	s9 =	rddreg [dreg:$0x4]  }
0xbd: {  	[sflag:s8] =	ssyncadd.s32 @!p1 $0xFFFFC000;
	s9 =	sadd.s32 s5, s9  }
0xbe: {  	[tilespmem:s3], [sflag:$0x5] =	stream.linear.gather [hbm4b:s9+s3], $0x800, $0x38;
	[tilespmem:$0x1D000] =	vst v63  }
0xbf: {  	_ =	swait.ge [sflag:s10], $0x800  }
0xc0: {  	s9 =	rddreg [dreg:$0x3];
	[sflag:s10] =	ssyncset.done $0x0  }
0xc1: {  	[sflag:s10] =	ssyncadd.s32 $0xFFFFF800;
	s8 =	sadd.s32 s5, s9  }
0xc2: {  	[tilespmem:s11], [sflag:$0x5] =	stream.linear.gather [hbm4b:s8+s3], $0x800, $0x38;
	[tilespmem:$0x1D000] =	vst v63  }
0xc3: {  	_ =	swait.ge [sflag:s10], $0x800  }
0xc4: {  	[sflag:s10] =	ssyncset.done $0x0  }
0xc5: {  	[sflag:s10] =	ssyncadd.s32 $0xFFFFF800  }
0xc6: {  	[tilespmem:s13], [sflag:$0x1] =	stream.indirect.gather [hbm4b:s4+s12], $0x80, s3, s12, $0xb8;
	[tilespmem:$0x1D000] =	vst v63  }
0xc7: {  	_ = 	snop  }
0xc8: {  	[tilespmem:s14], [sflag:$0x2] =	stream.indirect.gather [hbm4b:s4+s12], $0x80, s12, s12, $0xb8;
	[tilespmem:$0x1D000] =	vst v63  }
0xc9: {  	_ =	swait.ge [sflag:s15], $0x4000  }
0xca: {  	[sflag:s15] =	ssyncset.done $0x0  }
0xcb: {  	[sflag:s15] =	ssyncadd.s32 $0xFFFFC000  }
0xcc: {  	[spmem:s2] =	stream.indirect.scatter.add.f32 [tilespmem:s13], [sflag:$0x3], $0x80, s11, s12, $0xb8;
	[tilespmem:$0x1D000] =	vst v63  }
0xcd: {  	_ =	swait.ge [sflag:s16], $0x4000  }
0xce: {  	[sflag:s16] =	ssyncset.done $0x0  }
0xcf: {  	s9 =	rddreg [dreg:$0x5];
	[sflag:s16] =	ssyncadd.s32 $0xFFFFC000  }
0xd0: {  	[spmem:s2] =	stream.indirect.scatter.add.f32 [tilespmem:s14], [sflag:$0x4], $0x80, s9, s12, $0xb8;
	[tilespmem:$0x1D000] =	vst v63  }
0xd1: {  	_ =	swait.ge [sflag:s17], $0x4000  }
0xd2: {  	[sflag:s17] =	ssyncset.done $0x0  }
0xd3: {  	[sflag:s17] =	ssyncadd.s32 $0xFFFFC000  }
0xd4: {  	_ =	swait.ge [sflag:s18], $0x4000  }
0xd5: {  	[sflag:s18] =	ssyncset.done $0x0  }
0xd6: {  	s8 =	rddreg [dreg:$0x6];
	[sflag:s18] =	ssyncadd.s32 $0xFFFFC000  }
0xd7: {  	[tilespmem:s13], [sflag:$0x1] =	stream.indirect.gather [hbm4b:s4+s12], $0x80, s8, s12, $0xb8;
	[tilespmem:$0x1D000] =	vst v63  }
0xd8: {  	s9 =	rddreg [dreg:$0x7]  }
0xd9: {  	[tilespmem:s14], [sflag:$0x2] =	stream.indirect.gather [hbm4b:s4+s12], $0x80, s9, s12, $0xb8;
	[tilespmem:$0x1D000] =	vst v63  }
0xda: {  	_ =	swait.ge [sflag:s15], $0x4000  }
0xdb: {  	[sflag:s15] =	ssyncset.done $0x0  }
0xdc: {  	s8 =	rddreg [dreg:$0x8];
	[sflag:s15] =	ssyncadd.s32 $0xFFFFC000  }
0xdd: {  	[spmem:s2] =	stream.indirect.scatter.add.f32 [tilespmem:s13], [sflag:$0x3], $0x80, s8, s12, $0xb8;
	[tilespmem:$0x1D000] =	vst v63  }
0xde: {  	_ =	swait.ge [sflag:s16], $0x4000  }
0xdf: {  	[sflag:s16] =	ssyncset.done $0x0  }
0xe0: {  	s9 =	rddreg [dreg:$0x9];
	[sflag:s16] =	ssyncadd.s32 $0xFFFFC000  }
0xe1: {  	[spmem:s2] =	stream.indirect.scatter.add.f32 [tilespmem:s14], [sflag:$0x4], $0x80, s9, s12, $0xb8;
	[tilespmem:$0x1D000] =	vst v63  }
0xe2: {  	_ =	swait.ge [sflag:s17], $0x4000  }
0xe3: {  	[sflag:s17] =	ssyncset.done $0x0  }
0xe4: {  	[sflag:s17] =	ssyncadd.s32 $0xFFFFC000  }
0xe5: {  	_ =	swait.ge [sflag:s18], $0x4000  }
0xe6: {  	[sflag:s18] =	ssyncset.done $0x0  }
0xe7: {  	s8 =	rddreg [dreg:$0xa];
	[sflag:s18] =	ssyncadd.s32 $0xFFFFC000  }
0xe8: {  	[tilespmem:s13], [sflag:$0x1] =	stream.indirect.gather [hbm4b:s4+s12], $0x80, s8, s12, $0xb8;
	[tilespmem:$0x1D000] =	vst v63  }
0xe9: {  	s9 =	rddreg [dreg:$0xb]  }
0xea: {  	[tilespmem:s14], [sflag:$0x2] =	stream.indirect.gather [hbm4b:s4+s12], $0x80, s9, s12, $0xb8;
	[tilespmem:$0x1D000] =	vst v63  }
0xeb: {  	_ =	swait.ge [sflag:s15], $0x4000  }
0xec: {  	[sflag:s15] =	ssyncset.done $0x0  }
0xed: {  	s8 =	rddreg [dreg:$0xc];
	[sflag:s15] =	ssyncadd.s32 $0xFFFFC000  }
0xee: {  	[spmem:s2] =	stream.indirect.scatter.add.f32 [tilespmem:s13], [sflag:$0x3], $0x80, s8, s12, $0xb8;
	[tilespmem:$0x1D000] =	vst v63  }
0xef: {  	_ =	swait.ge [sflag:s16], $0x4000  }
0xf0: {  	[sflag:s16] =	ssyncset.done $0x0  }
0xf1: {  	s9 =	rddreg [dreg:$0xd];
	[sflag:s16] =	ssyncadd.s32 $0xFFFFC000  }
0xf2: {  	[spmem:s2] =	stream.indirect.scatter.add.f32 [tilespmem:s14], [sflag:$0x4], $0x80, s9, s12, $0xb8;
	[tilespmem:$0x1D000] =	vst v63  }
0xf3: {  	_ =	swait.ge [sflag:s17], $0x4000  }
0xf4: {  	[sflag:s17] =	ssyncset.done $0x0  }
0xf5: {  	[sflag:s17] =	ssyncadd.s32 $0xFFFFC000  }
0xf6: {  	_ =	swait.ge [sflag:s18], $0x4000  }
0xf7: {  	[sflag:s18] =	ssyncset.done $0x0  }
0xf8: {  	s8 =	rddreg [dreg:$0xe];
	[sflag:s18] =	ssyncadd.s32 $0xFFFFC000  }
0xf9: {  	[tilespmem:s13], [sflag:$0x1] =	stream.indirect.gather [hbm4b:s4+s12], $0x80, s8, s12, $0xb8;
	[tilespmem:$0x1D000] =	vst v63  }
0xfa: {  	s9 =	rddreg [dreg:$0xf]  }
0xfb: {  	[tilespmem:s14], [sflag:$0x2] =	stream.indirect.gather [hbm4b:s4+s12], $0x80, s9, s12, $0xb8;
	[tilespmem:$0x1D000] =	vst v63  }
0xfc: {  	_ =	swait.ge [sflag:s15], $0x4000  }
0xfd: {  	[sflag:s15] =	ssyncset.done $0x0  }
0xfe: {  	s8 =	rddreg [dreg:$0x10];
	[sflag:s15] =	ssyncadd.s32 $0xFFFFC000  }
0xff: {  	[spmem:s2] =	stream.indirect.scatter.add.f32 [tilespmem:s13], [sflag:$0x3], $0x80, s8, s12, $0xb8;
	[tilespmem:$0x1D000] =	vst v63  }
0x100: {  	_ =	swait.ge [sflag:s16], $0x4000  }
0x101: {  	[sflag:s16] =	ssyncset.done $0x0  }
0x102: {  	s9 =	rddreg [dreg:$0x11];
	[sflag:s16] =	ssyncadd.s32 $0xFFFFC000  }
0x103: {  	[spmem:s2] =	stream.indirect.scatter.add.f32 [tilespmem:s14], [sflag:$0x4], $0x80, s9, s12, $0xb8;
	[tilespmem:$0x1D000] =	vst v63  }
0x104: {  	_ =	swait.ge [sflag:s17], $0x4000  }
0x105: {  	[sflag:s17] =	ssyncset.done $0x0  }
0x106: {  	[sflag:s17] =	ssyncadd.s32 $0xFFFFC000  }
0x107: {  	_ =	swait.ge [sflag:s18], $0x4000  }
0x108: {  	[sflag:s18] =	ssyncset.done $0x0  }
0x109: {  	s8 =	rddreg [dreg:$0x12];
	[sflag:s18] =	ssyncadd.s32 $0xFFFFC000  }
0x10a: {  	[tilespmem:s13], [sflag:$0x1] =	stream.indirect.gather [hbm4b:s4+s12], $0x80, s8, s12, $0xb8;
	[tilespmem:$0x1D000] =	vst v63  }
0x10b: {  	s9 =	rddreg [dreg:$0x13]  }
0x10c: {  	[tilespmem:s14], [sflag:$0x2] =	stream.indirect.gather [hbm4b:s4+s12], $0x80, s9, s12, $0xb8;
	[tilespmem:$0x1D000] =	vst v63  }
0x10d: {  	_ =	swait.ge [sflag:s15], $0x4000  }
0x10e: {  	[sflag:s15] =	ssyncset.done $0x0  }
0x10f: {  	s9 =	rddreg [dreg:$0x14];
	[sflag:s15] =	ssyncadd.s32 $0xFFFFC000  }
0x110: {  	[spmem:s2] =	stream.indirect.scatter.add.f32 [tilespmem:s13], [sflag:$0x3], $0x80, s9, s12, $0xb8;
	[tilespmem:$0x1D000] =	vst v63  }
0x111: {  	_ =	swait.ge [sflag:s16], $0x4000  }
0x112: {  	[sflag:s16] =	ssyncset.done $0x0  }
0x113: {  	[sflag:s16] =	ssyncadd.s32 $0xFFFFC000  }
0x114: {  	[spmem:s2] =	stream.indirect.scatter.add.f32 [tilespmem:s14], [sflag:$0x4], $0x80, s19, s12, $0xb8;
	[tilespmem:$0x1D000] =	vst v63  }
0x115: {  	_ =	swait.ge [sflag:s17], $0x4000  }
0x116: {  	[sflag:s17] =	ssyncset.done $0x0  }
0x117: {  	[sflag:s17] =	ssyncadd.s32 $0xFFFFC000  }
0x118: {  	_ =	swait.ge [sflag:s18], $0x4000  }
0x119: {  	[sflag:s18] =	ssyncset.done $0x0  }
0x11a: {  	[sflag:s18] =	ssyncadd.s32 $0xFFFFC000  }
0x11b: {  	[tilespmem:s13], [sflag:$0x1] =	stream.indirect.gather [hbm4b:s4+s12], $0x80, s20, s12, $0xb8;
	[tilespmem:$0x1D000] =	vst v63  }
0x11c: {  	_ = 	snop  }
0x11d: {  	[tilespmem:s14], [sflag:$0x2] =	stream.indirect.gather [hbm4b:s4+s12], $0x80, s21, s12, $0xb8;
	[tilespmem:$0x1D000] =	vst v63  }
0x11e: {  	_ =	swait.ge [sflag:s15], $0x4000  }
0x11f: {  	[sflag:s15] =	ssyncset.done $0x0  }
0x120: {  	[sflag:s15] =	ssyncadd.s32 $0xFFFFC000  }
0x121: {  	[spmem:s2] =	stream.indirect.scatter.add.f32 [tilespmem:s13], [sflag:$0x3], $0x80, s22, s12, $0xb8;
	[tilespmem:$0x1D000] =	vst v63  }
0x122: {  	_ =	swait.ge [sflag:s16], $0x4000  }
0x123: {  	[sflag:s16] =	ssyncset.done $0x0  }
0x124: {  	[sflag:s16] =	ssyncadd.s32 $0xFFFFC000  }
0x125: {  	[spmem:s2] =	stream.indirect.scatter.add.f32 [tilespmem:s14], [sflag:$0x4], $0x80, s23, s12, $0xb8;
	[tilespmem:$0x1D000] =	vst v63  }
0x126: {  	_ =	swait.ge [sflag:s17], $0x4000  }
0x127: {  	[sflag:s17] =	ssyncset.done $0x0  }
0x128: {  	[sflag:s17] =	ssyncadd.s32 $0xFFFFC000  }
0x129: {  	_ =	swait.ge [sflag:s18], $0x4000  }
0x12a: {  	[sflag:s18] =	ssyncset.done $0x0  }
0x12b: {  	[sflag:s18] =	ssyncadd.s32 $0xFFFFC000  }
0x12c: {  	[tilespmem:s13], [sflag:$0x1] =	stream.indirect.gather [hbm4b:s4+s12], $0x80, s24, s12, $0xb8;
	[tilespmem:$0x1D000] =	vst v63  }
0x12d: {  	_ = 	snop  }
0x12e: {  	[tilespmem:s14], [sflag:$0x2] =	stream.indirect.gather [hbm4b:s4+s12], $0x80, s25, s12, $0xb8;
	[tilespmem:$0x1D000] =	vst v63  }
0x12f: {  	_ =	swait.ge [sflag:s15], $0x4000  }
0x130: {  	[sflag:s15] =	ssyncset.done $0x0  }
0x131: {  	[sflag:s15] =	ssyncadd.s32 $0xFFFFC000  }
0x132: {  	[spmem:s2] =	stream.indirect.scatter.add.f32 [tilespmem:s13], [sflag:$0x3], $0x80, s26, s12, $0xb8;
	[tilespmem:$0x1D000] =	vst v63  }
0x133: {  	_ =	swait.ge [sflag:s16], $0x4000  }
0x134: {  	[sflag:s16] =	ssyncset.done $0x0  }
0x135: {  	[sflag:s16] =	ssyncadd.s32 $0xFFFFC000  }
0x136: {  	[spmem:s2] =	stream.indirect.scatter.add.f32 [tilespmem:s14], [sflag:$0x4], $0x80, s28, s12, $0xb8;
	[tilespmem:$0x1D000] =	vst v63  }
0x137: {  	_ =	swait.ge [sflag:s17], $0x4000  }
0x138: {  	[sflag:s17] =	ssyncset.done $0x0  }
0x139: {  	[sflag:s17] =	ssyncadd.s32 $0xFFFFC000  }
0x13a: {  	_ =	swait.ge [sflag:s18], $0x4000  }
0x13b: {  	[sflag:s18] =	ssyncset.done $0x0  }
0x13c: {  	[sflag:s18] =	ssyncadd.s32 $0xFFFFC000  }
0x13d: {  	[tilespmem:s13], [sflag:$0x1] =	stream.indirect.gather [hbm4b:s4+s12], $0x80, s29, s12, $0xb8;
	[tilespmem:$0x1D000] =	vst v63  }
0x13e: {  	s6 =	smov.u32 s7;
	s7 =	sadd.s32 $0x100, s7  }
0x13f: {  	[tilespmem:s14], [sflag:$0x2] =	stream.indirect.gather [hbm4b:s4+s12], $0x80, s30, s12, $0xb8;
	[tilespmem:$0x1D000] =	vst v63  }
0x140: {  	p0 =	sne.s32 s7, $0x500;
	_ =	swait.ge [sflag:s15], $0x4000  }
.Ltmp0:
0x141: {  	[sflag:s15] =	ssyncset.done $0x0;
	(pc) =	sbr.rel @p0 .LBB2_2-.Ltmp0, $4  }
0x142: {  	[sflag:s15] =	ssyncadd.s32 $0xFFFFC000  }
0x143: {  	[spmem:s2] =	stream.indirect.scatter.add.f32 [tilespmem:s13], [sflag:$0x3], $0x80, s31, s12, $0xb8;
	[tilespmem:$0x1D000] =	vst v63  }
0x144: {  	s5 =	smov.u32 s6;
	_ =	swait.ge [sflag:s16], $0x4000  }
0x145: {  	p1 =	seq.s32 s5, $0x0;
	[sflag:s16] =	ssyncset.done $0x0  }
0x146: {  	s6 =	simm.s32 @!p1 $0x3;
	[sflag:s16] =	ssyncadd.s32 $0xFFFFC000  }
0x147: {  	[spmem:s2] =	stream.indirect.scatter.add.f32 [tilespmem:s14], [sflag:$0x4], $0x80, s1, s12, $0xb8;
	[tilespmem:$0x1D000] =	vst v63  }
0x148: {  	_ =	swait.ge @!p1 [sflag:s6], $0x4000  }
0x149: {  	[sflag:s6] =	ssyncset.done @!p1 $0x0  }
0x14a: {  	[sflag:s6] =	ssyncadd.s32 @!p1 $0xFFFFC000;
	s6 =	simm.s32 @!p1 $0x4  }
0x14b: {  	_ =	swait.ge @!p1 [sflag:s6], $0x4000  }
0x14c: {  	s7 =	rddreg [dreg:$0x4];
	[sflag:s6] =	ssyncset.done @!p1 $0x0  }
0x14d: {  	[sflag:s6] =	ssyncadd.s32 @!p1 $0xFFFFC000;
	s8 =	sadd.s32 s5, s7  }
0x14e: {  	[tilespmem:s3], [sflag:$0x5] =	stream.linear.gather [hbm4b:s8+s3], $0x800, $0x38;
	[tilespmem:$0x1D000] =	vst v63  }
0x14f: {  	_ =	swait.ge [sflag:s10], $0x800  }
0x150: {  	s9 =	rddreg [dreg:$0x3];
	[sflag:s10] =	ssyncset.done $0x0  }
0x151: {  	[sflag:s10] =	ssyncadd.s32 $0xFFFFF800;
	s6 =	sadd.s32 s5, s9  }
0x152: {  	[tilespmem:s11], [sflag:$0x5] =	stream.linear.gather [hbm4b:s6+s3], $0x800, $0x38;
	[tilespmem:$0x1D000] =	vst v63  }
0x153: {  	_ =	swait.ge [sflag:s10], $0x800  }
0x154: {  	[sflag:s10] =	ssyncset.done $0x0  }
0x155: {  	[sflag:s10] =	ssyncadd.s32 $0xFFFFF800  }
0x156: {  	[tilespmem:s13], [sflag:$0x1] =	stream.indirect.gather [hbm4b:s4+s12], $0x80, s3, s12, $0xb8;
	[tilespmem:$0x1D000] =	vst v63  }
0x157: {  	_ = 	snop  }
0x158: {  	[tilespmem:s14], [sflag:$0x2] =	stream.indirect.gather [hbm4b:s4+s12], $0x80, s12, s12, $0xb8;
	[tilespmem:$0x1D000] =	vst v63  }
0x159: {  	_ =	swait.ge [sflag:s15], $0x4000  }
0x15a: {  	[sflag:s15] =	ssyncset.done $0x0  }
0x15b: {  	[sflag:s15] =	ssyncadd.s32 $0xFFFFC000  }
0x15c: {  	[spmem:s2] =	stream.indirect.scatter.add.f32 [tilespmem:s13], [sflag:$0x3], $0x80, s11, s12, $0xb8;
	[tilespmem:$0x1D000] =	vst v63  }
0x15d: {  	_ =	swait.ge [sflag:s16], $0x4000  }
0x15e: {  	[sflag:s16] =	ssyncset.done $0x0  }
0x15f: {  	s7 =	rddreg [dreg:$0x5];
	[sflag:s16] =	ssyncadd.s32 $0xFFFFC000  }
0x160: {  	[spmem:s2] =	stream.indirect.scatter.add.f32 [tilespmem:s14], [sflag:$0x4], $0x80, s7, s12, $0xb8;
	[tilespmem:$0x1D000] =	vst v63  }
0x161: {  	_ =	swait.ge [sflag:s17], $0x4000  }
0x162: {  	[sflag:s17] =	ssyncset.done $0x0  }
0x163: {  	[sflag:s17] =	ssyncadd.s32 $0xFFFFC000  }
0x164: {  	_ =	swait.ge [sflag:s18], $0x4000  }
0x165: {  	[sflag:s18] =	ssyncset.done $0x0  }
0x166: {  	s8 =	rddreg [dreg:$0x6];
	[sflag:s18] =	ssyncadd.s32 $0xFFFFC000  }
0x167: {  	[tilespmem:s13], [sflag:$0x1] =	stream.indirect.gather [hbm4b:s4+s12], $0x80, s8, s12, $0xb8;
	[tilespmem:$0x1D000] =	vst v63  }
0x168: {  	s9 =	rddreg [dreg:$0x7]  }
0x169: {  	[tilespmem:s14], [sflag:$0x2] =	stream.indirect.gather [hbm4b:s4+s12], $0x80, s9, s12, $0xb8;
	[tilespmem:$0x1D000] =	vst v63  }
0x16a: {  	_ =	swait.ge [sflag:s15], $0x4000  }
0x16b: {  	[sflag:s15] =	ssyncset.done $0x0  }
0x16c: {  	s6 =	rddreg [dreg:$0x8];
	[sflag:s15] =	ssyncadd.s32 $0xFFFFC000  }
0x16d: {  	[spmem:s2] =	stream.indirect.scatter.add.f32 [tilespmem:s13], [sflag:$0x3], $0x80, s6, s12, $0xb8;
	[tilespmem:$0x1D000] =	vst v63  }
0x16e: {  	_ =	swait.ge [sflag:s16], $0x4000  }
0x16f: {  	[sflag:s16] =	ssyncset.done $0x0  }
0x170: {  	s7 =	rddreg [dreg:$0x9];
	[sflag:s16] =	ssyncadd.s32 $0xFFFFC000  }
0x171: {  	[spmem:s2] =	stream.indirect.scatter.add.f32 [tilespmem:s14], [sflag:$0x4], $0x80, s7, s12, $0xb8;
	[tilespmem:$0x1D000] =	vst v63  }
0x172: {  	_ =	swait.ge [sflag:s17], $0x4000  }
0x173: {  	[sflag:s17] =	ssyncset.done $0x0  }
0x174: {  	[sflag:s17] =	ssyncadd.s32 $0xFFFFC000  }
0x175: {  	_ =	swait.ge [sflag:s18], $0x4000  }
0x176: {  	[sflag:s18] =	ssyncset.done $0x0  }
0x177: {  	s8 =	rddreg [dreg:$0xa];
	[sflag:s18] =	ssyncadd.s32 $0xFFFFC000  }
0x178: {  	[tilespmem:s13], [sflag:$0x1] =	stream.indirect.gather [hbm4b:s4+s12], $0x80, s8, s12, $0xb8;
	[tilespmem:$0x1D000] =	vst v63  }
0x179: {  	s9 =	rddreg [dreg:$0xb]  }
0x17a: {  	[tilespmem:s14], [sflag:$0x2] =	stream.indirect.gather [hbm4b:s4+s12], $0x80, s9, s12, $0xb8;
	[tilespmem:$0x1D000] =	vst v63  }
0x17b: {  	_ =	swait.ge [sflag:s15], $0x4000  }
0x17c: {  	[sflag:s15] =	ssyncset.done $0x0  }
0x17d: {  	s6 =	rddreg [dreg:$0xc];
	[sflag:s15] =	ssyncadd.s32 $0xFFFFC000  }
0x17e: {  	[spmem:s2] =	stream.indirect.scatter.add.f32 [tilespmem:s13], [sflag:$0x3], $0x80, s6, s12, $0xb8;
	[tilespmem:$0x1D000] =	vst v63  }
0x17f: {  	_ =	swait.ge [sflag:s16], $0x4000  }
0x180: {  	[sflag:s16] =	ssyncset.done $0x0  }
0x181: {  	s7 =	rddreg [dreg:$0xd];
	[sflag:s16] =	ssyncadd.s32 $0xFFFFC000  }
0x182: {  	[spmem:s2] =	stream.indirect.scatter.add.f32 [tilespmem:s14], [sflag:$0x4], $0x80, s7, s12, $0xb8;
	[tilespmem:$0x1D000] =	vst v63  }
0x183: {  	_ =	swait.ge [sflag:s17], $0x4000  }
0x184: {  	[sflag:s17] =	ssyncset.done $0x0  }
0x185: {  	[sflag:s17] =	ssyncadd.s32 $0xFFFFC000  }
0x186: {  	_ =	swait.ge [sflag:s18], $0x4000  }
0x187: {  	[sflag:s18] =	ssyncset.done $0x0  }
0x188: {  	s8 =	rddreg [dreg:$0xe];
	[sflag:s18] =	ssyncadd.s32 $0xFFFFC000  }
0x189: {  	[tilespmem:s13], [sflag:$0x1] =	stream.indirect.gather [hbm4b:s4+s12], $0x80, s8, s12, $0xb8;
	[tilespmem:$0x1D000] =	vst v63  }
0x18a: {  	s9 =	rddreg [dreg:$0xf]  }
0x18b: {  	[tilespmem:s14], [sflag:$0x2] =	stream.indirect.gather [hbm4b:s4+s12], $0x80, s9, s12, $0xb8;
	[tilespmem:$0x1D000] =	vst v63  }
0x18c: {  	_ =	swait.ge [sflag:s15], $0x4000  }
0x18d: {  	[sflag:s15] =	ssyncset.done $0x0  }
0x18e: {  	s6 =	rddreg [dreg:$0x10];
	[sflag:s15] =	ssyncadd.s32 $0xFFFFC000  }
0x18f: {  	[spmem:s2] =	stream.indirect.scatter.add.f32 [tilespmem:s13], [sflag:$0x3], $0x80, s6, s12, $0xb8;
	[tilespmem:$0x1D000] =	vst v63  }
0x190: {  	_ =	swait.ge [sflag:s16], $0x4000  }
0x191: {  	[sflag:s16] =	ssyncset.done $0x0  }
0x192: {  	s7 =	rddreg [dreg:$0x11];
	[sflag:s16] =	ssyncadd.s32 $0xFFFFC000  }
0x193: {  	[spmem:s2] =	stream.indirect.scatter.add.f32 [tilespmem:s14], [sflag:$0x4], $0x80, s7, s12, $0xb8;
	[tilespmem:$0x1D000] =	vst v63  }
0x194: {  	_ =	swait.ge [sflag:s17], $0x4000  }
0x195: {  	[sflag:s17] =	ssyncset.done $0x0  }
0x196: {  	[sflag:s17] =	ssyncadd.s32 $0xFFFFC000  }
0x197: {  	_ =	swait.ge [sflag:s18], $0x4000  }
0x198: {  	[sflag:s18] =	ssyncset.done $0x0  }
0x199: {  	s8 =	rddreg [dreg:$0x12];
	[sflag:s18] =	ssyncadd.s32 $0xFFFFC000  }
0x19a: {  	[tilespmem:s13], [sflag:$0x1] =	stream.indirect.gather [hbm4b:s4+s12], $0x80, s8, s12, $0xb8;
	[tilespmem:$0x1D000] =	vst v63  }
0x19b: {  	s9 =	rddreg [dreg:$0x13]  }
0x19c: {  	[tilespmem:s14], [sflag:$0x2] =	stream.indirect.gather [hbm4b:s4+s12], $0x80, s9, s12, $0xb8;
	[tilespmem:$0x1D000] =	vst v63  }
0x19d: {  	_ =	swait.ge [sflag:s15], $0x4000  }
0x19e: {  	[sflag:s15] =	ssyncset.done $0x0  }
0x19f: {  	s7 =	rddreg [dreg:$0x14];
	[sflag:s15] =	ssyncadd.s32 $0xFFFFC000  }
0x1a0: {  	[spmem:s2] =	stream.indirect.scatter.add.f32 [tilespmem:s13], [sflag:$0x3], $0x80, s7, s12, $0xb8;
	[tilespmem:$0x1D000] =	vst v63  }
0x1a1: {  	_ =	swait.ge [sflag:s16], $0x4000  }
0x1a2: {  	[sflag:s16] =	ssyncset.done $0x0  }
0x1a3: {  	[sflag:s16] =	ssyncadd.s32 $0xFFFFC000  }
0x1a4: {  	[spmem:s2] =	stream.indirect.scatter.add.f32 [tilespmem:s14], [sflag:$0x4], $0x80, s19, s12, $0xb8;
	[tilespmem:$0x1D000] =	vst v63  }
0x1a5: {  	_ =	swait.ge [sflag:s17], $0x4000  }
0x1a6: {  	[sflag:s17] =	ssyncset.done $0x0  }
0x1a7: {  	[sflag:s17] =	ssyncadd.s32 $0xFFFFC000  }
0x1a8: {  	_ =	swait.ge [sflag:s18], $0x4000  }
0x1a9: {  	[sflag:s18] =	ssyncset.done $0x0  }
0x1aa: {  	[sflag:s18] =	ssyncadd.s32 $0xFFFFC000  }
0x1ab: {  	[tilespmem:s13], [sflag:$0x1] =	stream.indirect.gather [hbm4b:s4+s12], $0x80, s20, s12, $0xb8;
	[tilespmem:$0x1D000] =	vst v63  }
0x1ac: {  	_ = 	snop  }
0x1ad: {  	[tilespmem:s14], [sflag:$0x2] =	stream.indirect.gather [hbm4b:s4+s12], $0x80, s21, s12, $0xb8;
	[tilespmem:$0x1D000] =	vst v63  }
0x1ae: {  	_ =	swait.ge [sflag:s15], $0x4000  }
0x1af: {  	[sflag:s15] =	ssyncset.done $0x0  }
0x1b0: {  	[sflag:s15] =	ssyncadd.s32 $0xFFFFC000  }
0x1b1: {  	[spmem:s2] =	stream.indirect.scatter.add.f32 [tilespmem:s13], [sflag:$0x3], $0x80, s22, s12, $0xb8;
	[tilespmem:$0x1D000] =	vst v63  }
0x1b2: {  	_ =	swait.ge [sflag:s16], $0x4000  }
0x1b3: {  	[sflag:s16] =	ssyncset.done $0x0  }
0x1b4: {  	[sflag:s16] =	ssyncadd.s32 $0xFFFFC000  }
0x1b5: {  	[spmem:s2] =	stream.indirect.scatter.add.f32 [tilespmem:s14], [sflag:$0x4], $0x80, s23, s12, $0xb8;
	[tilespmem:$0x1D000] =	vst v63  }
0x1b6: {  	_ =	swait.ge [sflag:s17], $0x4000  }
0x1b7: {  	[sflag:s17] =	ssyncset.done $0x0  }
0x1b8: {  	[sflag:s17] =	ssyncadd.s32 $0xFFFFC000  }
0x1b9: {  	_ =	swait.ge [sflag:s18], $0x4000  }
0x1ba: {  	[sflag:s18] =	ssyncset.done $0x0  }
0x1bb: {  	[sflag:s18] =	ssyncadd.s32 $0xFFFFC000  }
0x1bc: {  	[tilespmem:s13], [sflag:$0x1] =	stream.indirect.gather [hbm4b:s4+s12], $0x80, s24, s12, $0xb8;
	[tilespmem:$0x1D000] =	vst v63  }
0x1bd: {  	_ = 	snop  }
0x1be: {  	[tilespmem:s14], [sflag:$0x2] =	stream.indirect.gather [hbm4b:s4+s12], $0x80, s25, s12, $0xb8;
	[tilespmem:$0x1D000] =	vst v63  }
0x1bf: {  	_ =	swait.ge [sflag:s15], $0x4000  }
0x1c0: {  	[sflag:s15] =	ssyncset.done $0x0  }
0x1c1: {  	[sflag:s15] =	ssyncadd.s32 $0xFFFFC000  }
0x1c2: {  	[spmem:s2] =	stream.indirect.scatter.add.f32 [tilespmem:s13], [sflag:$0x3], $0x80, s26, s12, $0xb8;
	[tilespmem:$0x1D000] =	vst v63  }
0x1c3: {  	_ =	swait.ge [sflag:s16], $0x4000  }
0x1c4: {  	[sflag:s16] =	ssyncset.done $0x0  }
0x1c5: {  	[sflag:s16] =	ssyncadd.s32 $0xFFFFC000  }
0x1c6: {  	[spmem:s2] =	stream.indirect.scatter.add.f32 [tilespmem:s14], [sflag:$0x4], $0x80, s28, s12, $0xb8;
	[tilespmem:$0x1D000] =	vst v63  }
0x1c7: {  	_ =	swait.ge [sflag:s17], $0x4000  }
0x1c8: {  	[sflag:s17] =	ssyncset.done $0x0  }
0x1c9: {  	[sflag:s17] =	ssyncadd.s32 $0xFFFFC000  }
0x1ca: {  	_ =	swait.ge [sflag:s18], $0x4000  }
0x1cb: {  	[sflag:s18] =	ssyncset.done $0x0  }
0x1cc: {  	[sflag:s18] =	ssyncadd.s32 $0xFFFFC000  }
0x1cd: {  	[tilespmem:s13], [sflag:$0x1] =	stream.indirect.gather [hbm4b:s4+s12], $0x80, s29, s12, $0xb8;
	[tilespmem:$0x1D000] =	vst v63  }
0x1ce: {  	_ = 	snop  }
0x1cf: {  	[tilespmem:s14], [sflag:$0x2] =	stream.indirect.gather [hbm4b:s4+s12], $0x80, s30, s12, $0xb8;
	[tilespmem:$0x1D000] =	vst v63  }
0x1d0: {  	_ =	swait.ge [sflag:s15], $0x4000  }
0x1d1: {  	[sflag:s15] =	ssyncset.done $0x0  }
0x1d2: {  	[sflag:s15] =	ssyncadd.s32 $0xFFFFC000  }
0x1d3: {  	[spmem:s2] =	stream.indirect.scatter.add.f32 [tilespmem:s13], [sflag:$0x3], $0x80, s31, s12, $0xb8;
	[tilespmem:$0x1D000] =	vst v63  }
0x1d4: {  	_ =	swait.ge [sflag:s16], $0x4000  }
0x1d5: {  	[sflag:s16] =	ssyncset.done $0x0  }
0x1d6: {  	[sflag:s16] =	ssyncadd.s32 $0xFFFFC000  }
0x1d7: {  	[spmem:s2] =	stream.indirect.scatter.add.f32 [tilespmem:s14], [sflag:$0x4], $0x80, s1, s12, $0xb8;
	[tilespmem:$0x1D000] =	vst v63  }
0x1d8: {  	_ =	swait.ge [sflag:s17], $0x4000  }
0x1d9: {  	[sflag:s17] =	ssyncset.done $0x0  }
0x1da: {  	[sflag:s17] =	ssyncadd.s32 $0xFFFFC000  }
0x1db: {  	_ =	swait.ge [sflag:s18], $0x4000  }
0x1dc: {  	[sflag:s18] =	ssyncset.done $0x0  }
0x1dd: {  	[sflag:s18] =	ssyncadd.s32 $0xFFFFC000  }
0x1de: {  	[bflag:$0x0] =	sbarrier.arrive $0xFFFF  }
0x1df: {  	s6 =	rddreg [dreg:$0x16]  }
0x1e0: {  	s8 =	rddreg [dreg:$0x17]  }
0x1e1: {  	s7 =	rddreg [dreg:$0x19]  }
0x1e2: {  	[hbm:s8], [sflag:s6] =	dma.local [spmem:s7], $0x2800  }
0x1e3: {  	_ =	swait.ge [sflag:s10], $0x2800  }
0x1e4: {  	s0 =	sadd.s32 $0x1, s0;
	s9 =	rddreg [dreg:$0x18]  }
0x1e5: {  	p0 =	sne.s32 s0, s9  }
.Ltmp1:
0x1e6: {  	_ = 	snop;
	(pc) =	sbr.rel @p0 .LBB2_1-.Ltmp1, $3  }
0x1e7: {  	_ =	sdelay $0x1  }
0x1e8: {  	[sflag:s10] =	ssyncset.done $0x0  }
0x1e9: {  	[sflag:s10] =	ssyncadd.s32 $0xFFFFD800  }
0x1ea: {  	_ =	sfence.sel $0x180000  }
0x1eb: {  	[bflag:$0x0] =	sbarrier.arrive $0xFFFF  }
0x1ec: {  	_ =	strace $0x9000004A  }
0x1ed: {  	s0 =	stileid.u32;
	[bflag:$0x2] =	sbarrier.arrive $0xFFFF  }
0x1ee: {  	p0 =	sne.s32 s0, $0x0;
	s0 =	rddreg [dreg:$0x2]  }
0x1ef: {  	s0 =	sadd.s32 @!p0 $0x100000, s0  }
0x1f0: {  	[sflag:s0] =	ssyncadd.tile.s32 @!p0 $0x1;
	_ =	shalt  }
.Lfunc_end2:
_tile_overlayer_lowered:
.L_overlay_start_2:
0x1f1: {  	(tag) =	ssettag $0x2  }
0x1f2: {  	s0 =	rddreg [dreg:$0x0];
	s2 =	stileid.u32  }
0x1f3: {  	s1 =	rddreg [dreg:$0x1];
	p0 =	sne.s32 s2, $0x0  }
0x1f4: {  	s3 =	rddreg [dreg:$0x2];
	[bflag:$0x3] =	sbarrier.arrive $0xFFFF;
	s2 =	simm.s32 @!p0 $0x1C05  }
0x1f5: {  	[timem:s3], [sflag:s2] =	dma.local @!p0 [hbm:s0], s1  }
0x1f6: {  	s0 =	simm.s32 @!p0 $0x5  }
0x1f7: {  	_ =	swait.ge @!p0 [sflag:s0], s1  }
0x1f8: {  	s1 =	ssub.s32 @!p0 $0x0, s1;
	[sflag:s0] =	ssyncset.done @!p0 $0x0  }
0x1f9: {  	[sflag:s0] =	ssyncadd.s32 @!p0 s1  }
0x1fa: {  	[bflag:$0x3] =	sbarrier.arrive $0xFFFF  }
0x1fb: {  	_ =	shalt  }

// kernel: kernel.14.cloned.1.call-start
scs
__scs_entry_jumppad:
0x0: {  	(pc) =	sbr.rel $0x88, $3  }
0x1: {  	(tag) =	ssettag $0x0;
	lr =	simm.s32 $0x1  }
0x2: {  	[smem:$0x3F99] =	sst lr;
	_ =	strace $0xD0000000  }
0x3: {  	_ = 	snop  }
0x4: {  	_ = 	snop  }
0x5: {  	_ = 	snop  }
0x6: {  	_ = 	snop  }
0x7: {  	_ = 	snop  }
__scs_overlays_trampoline_lowered:
0x8: {  	[smem:$0x3FA8] =	sst s0  }
0x9: {  	[smem:$0x3FA9] =	sst s1  }
0xa: {  	[smem:$0x3FAA] =	sst s2  }
0xb: {  	[smem:$0x3FAB] =	sst s3  }
0xc: {  	[smem:$0x3FAC] =	sst s4  }
0xd: {  	[smem:$0x3FAD] =	sst s5  }
0xe: {  	[smem:$0x3FAE] =	sst s6  }
0xf: {  	[smem:$0x3FAF] =	sst s7  }
0x10: {  	[smem:$0x3FB0] =	sst s8  }
0x11: {  	[smem:$0x3FB1] =	sst s9;
	s0 =	simm.s32 @!p0 $0x0  }
0x12: {  	s1 =	sld [smem:$0x3F97];
	s0 =	simm.s32 @p0 $0x1  }
0x13: {  	[smem:$0x3FB2] =	sst s0;
	s0 =	simm.s32 @!p1 $0x0  }
0x14: {  	s2 =	sld [smem:$0x3F96];
	s0 =	simm.s32 @p1 $0x1  }
0x15: {  	[smem:$0x3FB3] =	sst s0;
	s0 =	simm.s32 @!p2 $0x0  }
0x16: {  	s3 =	sld [smem:$0x3FDB];
	s0 =	simm.s32 @p2 $0x1  }
0x17: {  	s4 =	simm.s32 $0x1BF5;
	[smem:$0x3FB5] =	sst s0  }
0x18: {  	s0 =	sld [smem:$0x3F98];
	_ =	swait.ge [sflag:s4], $0x0  }
0x19: {  	s7 =	sld [smem:$0x3F99]  }
0x1a: {  	s8 =	sadd.s32 $0xFFFFE003, lr  }
0x1b: {  	s9 =	sadd.s32 $0xFFFFFEF7, lr;
	s5 =	simm.s32 $0xFFFFFFFF;
	p2 =	slt.u32 s8, $0xFFFFF086  }
0x1c: {  	p1 =	slt.u32 s9, $0xF7A;
	s5 =	simm.s32 @!p2 $0x0  }
0x1d: {  	s5 =	simm.s32 @p1 $0x1;
	p0 =	seq.s32 s7, s2  }
0x1e: {  	s7 =	smul.u32 @!p0 $0xF7A, s2;
	p2 =	seq.s32 @!p0 s5, $0x0  }
0x1f: {  	s9 =	smul.u32 $0xF7A, s1;
	s8 =	simm.s32 @!p0 $0x1BF5;
	p2 =	por !p2, p0  }
0x20: {  	[sflag:s8] =	ssyncset.s32 @!p0 $0xFFFFF086;
	s6 =	sadd.s32 @!p0 s3, s7;
	s7 =	simm.s32 @!p0 $0x108  }
0x21: {  	s3 =	sadd.s32 s3, s9;
	s6 =	sadd.s32 @!p0 $0x88, s6;
	s7 =	simm.s32 @p2 $0x1082  }
0x22: {  	[simem:s7], [sflag:s8] =	dma.local @!p0 [hbm:s6], $0xF7A  }
0x23: {  	s9 =	sor.u32 $0xD0000000, s2;
	s6 =	simm.s32 $0x108;
	_ =	swait.ge @!p0 [sflag:s8], $0x0  }
0x24: {  	s3 =	sadd.s32 $0x88, s3;
	s6 =	simm.s32 @!p1 $0x1082;
	[sflag:s4] =	ssyncset.s32 $0xFFFFF086  }
0x25: {  	[simem:s6], [sflag:s4] =	dma.local [hbm:s3], $0xF7A  }
0x26: {  	[smem:$0x3F99] =	sst s1;
	(tag) =	ssettag s2;
	_ =	strace s9  }
0x27: {  	s1 =	sld [smem:$0x3FA9]  }
0x28: {  	s2 =	sld [smem:$0x3FAA]  }
0x29: {  	s4 =	sld [smem:$0x3FAC]  }
0x2a: {  	p0 =	seq.s32 s5, $0x0;
	s5 =	sld [smem:$0x3FAD]  }
0x2b: {  	s6 =	sld [smem:$0x3FAE]  }
0x2c: {  	s7 =	sld [smem:$0x3FAF]  }
0x2d: {  	s3 =	simm.s32 $0x108;
	s8 =	sld [smem:$0x3FB0]  }
0x2e: {  	s3 =	simm.s32 @!p0 $0x1082;
	s9 =	sld [smem:$0x3FB1]  }
0x2f: {  	lr =	sadd.s32 s0, s3;
	s0 =	sld [smem:$0x3FA8]  }
0x30: {  	s3 =	sld [smem:$0x3FAB]  }
0x31: {  	[smem:$0x3FB4] =	sst s10  }
0x32: {  	s10 =	sld [smem:$0x3FB2];
	_ =	sdelay $0x3  }
0x33: {  	p0 =	seq.s32 s10, $0x1;
	s10 =	sld [smem:$0x3FB4];
	_ =	sdelay $0x3  }
0x34: {  	[smem:$0x3FB4] =	sst s10  }
0x35: {  	s10 =	sld [smem:$0x3FB3];
	_ =	sdelay $0x3  }
0x36: {  	p1 =	seq.s32 s10, $0x1;
	s10 =	sld [smem:$0x3FB4];
	_ =	sdelay $0x3  }
0x37: {  	[smem:$0x3FB4] =	sst s10  }
0x38: {  	s10 =	sld [smem:$0x3FB5]  }
0x39: {  	_ = 	snop;
	(pc) =	sbr.ind lr, $3  }
0x3a: {  	_ = 	snop  }
0x3b: {  	_ = 	snop  }
0x3c: {  	p2 =	seq.s32 s10, $0x1;
	s10 =	sld [smem:$0x3FB4]  }
0x3d: {  	_ =	shalt  }
0x3e: {  	_ =	shalt  }
0x3f: {  	_ =	shalt  }
0x40: {  	_ =	shalt  }
0x41: {  	_ =	shalt  }
0x42: {  	_ =	shalt  }
0x43: {  	_ =	shalt  }
0x44: {  	_ =	shalt  }
0x45: {  	_ =	shalt  }
0x46: {  	_ =	shalt  }
0x47: {  	_ =	shalt  }
0x48: {  	_ =	shalt  }
0x49: {  	_ =	shalt  }
0x4a: {  	_ =	shalt  }
0x4b: {  	_ =	shalt  }
0x4c: {  	_ =	shalt  }
0x4d: {  	_ =	shalt  }
0x4e: {  	_ =	shalt  }
0x4f: {  	_ =	shalt  }
0x50: {  	_ =	shalt  }
0x51: {  	_ =	shalt  }
0x52: {  	_ =	shalt  }
0x53: {  	_ =	shalt  }
0x54: {  	_ =	shalt  }
0x55: {  	_ =	shalt  }
0x56: {  	_ =	shalt  }
0x57: {  	_ =	shalt  }
0x58: {  	_ =	shalt  }
0x59: {  	_ =	shalt  }
0x5a: {  	_ =	shalt  }
0x5b: {  	_ =	shalt  }
0x5c: {  	_ =	shalt  }
0x5d: {  	_ =	shalt  }
0x5e: {  	_ =	shalt  }
0x5f: {  	_ =	shalt  }
0x60: {  	_ =	shalt  }
0x61: {  	_ =	shalt  }
0x62: {  	_ =	shalt  }
0x63: {  	_ =	shalt  }
0x64: {  	_ =	shalt  }
0x65: {  	_ =	shalt  }
0x66: {  	_ =	shalt  }
0x67: {  	_ =	shalt  }
0x68: {  	_ =	shalt  }
0x69: {  	_ =	shalt  }
0x6a: {  	_ =	shalt  }
0x6b: {  	_ =	shalt  }
0x6c: {  	_ =	shalt  }
0x6d: {  	_ =	shalt  }
0x6e: {  	_ =	shalt  }
0x6f: {  	_ =	shalt  }
0x70: {  	_ =	shalt  }
0x71: {  	_ =	shalt  }
0x72: {  	_ =	shalt  }
0x73: {  	_ =	shalt  }
0x74: {  	_ =	shalt  }
0x75: {  	_ =	shalt  }
0x76: {  	_ =	shalt  }
0x77: {  	_ =	shalt  }
0x78: {  	_ =	shalt  }
0x79: {  	_ =	shalt  }
0x7a: {  	_ =	shalt  }
0x7b: {  	_ =	shalt  }
0x7c: {  	_ =	shalt  }
0x7d: {  	_ =	shalt  }
0x7e: {  	_ =	shalt  }
0x7f: {  	_ =	shalt  }
0x80: {  	_ =	shalt  }
0x81: {  	_ =	shalt  }
0x82: {  	_ =	shalt  }
0x83: {  	_ =	shalt  }
0x84: {  	_ =	shalt  }
0x85: {  	_ =	shalt  }
0x86: {  	_ =	shalt  }
0x87: {  	_ =	shalt  }
.Lfunc_end0:
.L_simem_size_0:
called_computation.2_lowered:
.L_overlay_start_0:
0x88: {  	s2 =	sld [smem:$0x3FD9]  }
0x89: {  	s3 =	sld [smem:$0x3FFE];
	_ =	sdelay $0x1  }
0x8a: {  	s1 =	srdreg.scid  }
0x8b: {  	s0 =	sand.u32 $0x1, s1  }
0x8c: {  	s16 =	sshll.u32 s0, $0xA;
	s2 =	sadd.s32 s3, s2  }
0x8d: {  	s2 =	sadd.s32 s2, s16  }
0x8e: {  	[smem:$0x3FC0] =	sst s2  }
0x8f: {  	_ = 	snop  }
0x90: {  	(tm) =	ssettm $0x1  }
0x91: {  	s17 =	sld [smem:$0x3FFB];
	_ =	sdelay $0x3  }
0x92: {  	_ =	strace s17  }
0x93: {  	s2 =	sld [smem:$0x3FFC];
	_ =	sdelay $0x3  }
0x94: {  	_ =	strace s2  }
0x95: {  	s2 =	sld [smem:$0x3FFD];
	_ =	sdelay $0x3  }
0x96: {  	_ =	strace s2  }
0x97: {  	_ =	strace $0x8FFFFFFF  }
0x98: {  	s18 =	sld [smem:$0x3FDB];
	_ =	sdelay $0x1  }
0x99: {  	s19 =	simm.s32 $_scs_section_size  }
0x9a: {  	s4 =	simm.s32 $_size__tile_overlayer_lowered;
	s5 =	simm.s32 $_tile_overlayer_lowered  }
0x9b: {  	s22 =	simm.s32 $0x1BFF;
	s21 =	sshll.u32 s5, $0x1;
	s2 =	sadd.s32 s19, s18  }
0x9c: {  	s6 =	simm.s32 $0x0;
	s20 =	sshll.u32 s4, $0x1;
	s4 =	sadd.s32 s21, s2  }
0x9d: {  	[timem:s6], [sflag:s22] =	dma.local [hbm:s4], s20  }
0x9e: {  	_ =	swait.ge [sflag:s22], s20  }
0x9f: {  	s3 =	ssub.s32 $0x0, s20;
	[sflag:s22] =	ssyncset.done $0x0  }
0xa0: {  	[sflag:s22] =	ssyncadd.s32 s3;
	_ =	sdelay $0x1  }
0xa1: {  	s23 =	simm.s32 $0x1B8B  }
0xa2: {  	_ =	swait.ge [sflag:s23], $0x1  }
0xa3: {  	[sflag:s23] =	ssyncset.done $0x0  }
0xa4: {  	s25 =	simm.s32 $0x1B8E;
	s24 =	sld [smem:$0x3FFE];
	[sflag:s23] =	ssyncadd.s32 $0xFFFFFFFF  }
0xa5: {  	s26 =	simm.s32 $execute0_lowered;
	[smem:$0x3FD2] =	sst s25  }
0xa6: {  	s4 =	sshll.u32 s26, $0x1;
	_ =	strace $0x8000004C;
	[dreg:$0x1] =	wrdreg $0xFFFFFFFF  }
0xa7: {  	s28 =	simm.s32 $_size_execute0_lowered;
	s2 =	sadd.s32 s2, s4;
	[dreg:$0x0] =	wrdreg $0x0  }
0xa8: {  	s4 =	sshll.u32 s28, $0x1;
	[dreg:$0x2] =	wrdreg s2  }
0xa9: {  	[dreg:$0x3] =	wrdreg s4  }
0xaa: {  	[dreg:$0x4] =	wrdreg $0xC0  }
0xab: {  	_ =	task [dreg:s6], $0x5FFFF  }
0xac: {  	[dreg:$0x1] =	wrdreg $0xFFFFFFFF  }
0xad: {  	[dreg:$0x0] =	wrdreg $0x60  }
0xae: {  	[dreg:$0x2] =	wrdreg s24  }
0xaf: {  	[dreg:$0x3] =	wrdreg $0x90000  }
0xb0: {  	[dreg:$0x4] =	wrdreg $0x9  }
0xb1: {  	_ =	task.clear_ibuf [dreg:s6], $0x5FFFF;
	_ =	strace $0x9000004C  }
0xb2: {  	s29 =	simm.s32 $0x9;
	_ =	strace $0x8000004E  }
0xb3: {  	_ =	swait.ge [sflag:s29], $0x1  }
0xb4: {  	[sflag:s29] =	ssyncadd.s32 $0xFFFFFFFF  }
0xb5: {  	_ =	strace $0x9000004E  }
0xb6: {  	_ =	sfence  }
0xb7: {  	s30 =	sld [smem:$0x0];
	_ =	sdelay $0x2  }
0xb8: {  	s31 =	sshll.u32 s1, $0xD;
	s1 =	sshrl.u32 s1, $0x2  }
0xb9: {  	s3 =	sand.u32 $0x4000, s31;
	s1 =	sadd.s32 s1, s30  }
0xba: {  	s0 =	sor.u32 s3, s0;
	s1 =	sshll.u32 s1, $0x11  }
0xbb: {  	s0 =	sor.u32 s1, s0  }
0xbc: {  	s0 =	sadd.s32 $0x8F2B, s0  }
0xbd: {  	[sflag:s0] =	ssyncadd.remote.s32 $0x1  }
0xbe: {  	_ =	sfence.sel $0xFFFF  }
0xbf: {  	[dreg:$0x0] =	wrdreg $0xFFFFFFFF;
	(pc) =	sbr.abs _section_cstart, $3  }
0xc0: {  	[dreg:$0x1] =	wrdreg $0xFFFFFFFF  }
0xc1: {  	_ =	task.clear_ibuf [dreg:s6], $0x2FFFF;
	_ =	strace $0x9FFFFFFF  }
0xc2: {  	(tm) =	ssettm $0x7FFFFFFF  }
0xc3: {  	_ =	shalt  }
tec
execute0_lowered:
.L_overlay_start_1:
0x0: {  	(tag) =	ssettag $0x1  }
0x1: {  	s0 =	srdreg.scid;
	s1 =	rddreg [dreg:$0x0]  }
0x2: {  	s10 =	stileid.u32;
	s2 =	rddreg [dreg:$0x1]  }
0x3: {  	s3 =	simm.s32 $0x0;
	s26 =	simm.s32 $0x880;
	s11 =	simm.s32 $0x100  }
0x4: {  	s13 =	simm.s32 $0x180;
	s14 =	simm.s32 $0x900;
	s15 =	simm.s32 $0x980  }
0x5: {  	s16 =	simm.s32 $0x200;
	s17 =	simm.s32 $0x280;
	[smem:$0x7FF] =	sst s3  }
0x6: {  	s18 =	simm.s32 $0xA00;
	_ =	strace $0x8000004D;
	[dreg:$0x5] =	wrdreg s26  }
0x7: {  	s19 =	simm.s32 $0xA80;
	s20 =	simm.s32 $0x300;
	[dreg:$0x6] =	wrdreg s11  }
0x8: {  	s28 =	simm.s32 $0xE80;
	s29 =	simm.s32 $0x700;
	[dreg:$0x7] =	wrdreg s13  }
0x9: {  	s30 =	simm.s32 $0x780;
	s5 =	smul.u32 $0x2800, s10;
	[dreg:$0x8] =	wrdreg s14  }
0xa: {  	s31 =	simm.s32 $0xF00;
	s21 =	smul.u32 $0x14000, s10;
	[dreg:$0x9] =	wrdreg s15  }
0xb: {  	s0 =	sand.u32 $0x1, s0;
	s9 =	smul.u32 $0x50000, s10;
	[dreg:$0xa] =	wrdreg s16  }
0xc: {  	s12 =	sshll.u32 s10, $0x6;
	s4 =	smul.u32 $0x28000, s0;
	[dreg:$0xb] =	wrdreg s17  }
0xd: {  	s10 =	simm.s32 $0x5;
	s7 =	smul.u32 $0x140000, s0;
	[dreg:$0xc] =	wrdreg s18  }
0xe: {  	s0 =	ssub.s32 $0x2, s0;
	s11 =	simm.s32 $0x800;
	[dreg:$0xd] =	wrdreg s19  }
0xf: {  	s13 =	simm.s32 $0x1000;
	[dreg:$0xe] =	wrdreg s20;
	s14 =	simm.s32 $0x5000  }
0x10: {  	s15 =	simm.s32 $0x1;
	s16 =	simm.s32 $0x2;
	s17 =	simm.s32 $0x3  }
0x11: {  	s18 =	simm.s32 $0x4;
	s26 =	simm.s32 $0xC00;
	s19 =	simm.s32 $0xC80  }
0x12: {  	s20 =	simm.s32 $0x500;
	s8 =	sshrl.u32 s21, $0x3;
	s22 =	sshrl.u32 s0, $0x1  }
0x13: {  	s24 =	sshrl.u32 s9, $0x2;
	[dreg:$0x14] =	wrdreg s26;
	s26 =	simm.s32 $0xE00  }
0x14: {  	s4 =	sadd.s32 s5, s4;
	s8 =	sadd.s32 s8, s1;
	s5 =	sadd.s32 s21, s7  }
0x15: {  	s0 =	ssub.s32 s0, s22;
	s7 =	sadd.s32 s24, s2;
	s21 =	simm.s32 $0x380  }
0x16: {  	s22 =	simm.s32 $0xB00;
	s24 =	simm.s32 $0x400;
	[dreg:$0xf] =	wrdreg s21  }
0x17: {  	s6 =	sshrl.u32 s4, $0x3;
	s4 =	sadd.s32 $0x17200, s1;
	[dreg:$0x10] =	wrdreg s22  }
0x18: {  	s5 =	sshrl.u32 s5, $0x3;
	s9 =	sadd.s32 $0x3F200, s8;
	[dreg:$0x12] =	wrdreg s24  }
0x19: {  	s0 =	smax.u32 s0, $0x1;
	s7 =	sshrl.u32 s7, $0x3;
	[dreg:$0x15] =	wrdreg s9  }
0x1a: {  	s21 =	simm.s32 $0x580;
	s6 =	sadd.s32 s6, s1;
	[dreg:$0x18] =	wrdreg s0  }
0x1b: {  	s22 =	simm.s32 $0xD00;
	[dreg:$0x19] =	wrdreg s7;
	s23 =	sadd.s32 $0x2C00, s6  }
0x1c: {  	s1 =	sadd.s32 s5, s1;
	s25 =	sadd.s32 $0xD200, s6;
	[dreg:$0x3] =	wrdreg s23  }
0x1d: {  	s24 =	simm.s32 $0x600;
	s1 =	sadd.s32 $0x67200, s1;
	[dreg:$0x4] =	wrdreg s25  }
0x1e: {  	s0 =	simm.s32 $0x0;
	s6 =	sor.u32 $0x1C05, s12;
	[dreg:$0x17] =	wrdreg s1  }
0x1f: {  	s12 =	simm.s32 $0x80;
	s23 =	simm.s32 $0xB80;
	[dreg:$0x16] =	wrdreg s6  }
0x20: {  	s25 =	simm.s32 $0x480;
	s1 =	simm.s32 $0xF80;
	[dreg:$0x11] =	wrdreg s23  }
0x21: {  	[dreg:$0x13] =	wrdreg s25;
	s23 =	simm.s32 $0xD80;
	s25 =	simm.s32 $0x680  }
.LBB2_1:
0x22: {  	s5 =	rddreg [dreg:$0x15]  }
0x23: {  	[spmem:s7], [sflag:s6] =	dma.local [hbm:s5], $0x2800  }
0x24: {  	_ =	swait.ge [sflag:s10], $0x2800  }
0x25: {  	[sflag:s10] =	ssyncset.done $0x0  }
0x26: {  	p0 =	por $0x1, $0x1;
	[sflag:s10] =	ssyncadd.s32 $0xFFFFD800  }
0x27: {  	s5 =	simm.s32 @!p0 $0x3;
	[bflag:$0x0] =	sbarrier.arrive $0xFFFF  }
0x28: {  	_ =	swait.ge @!p0 [sflag:s5], $0x4000  }
0x29: {  	[sflag:s5] =	ssyncset.done @!p0 $0x0  }
0x2a: {  	[sflag:s5] =	ssyncadd.s32 @!p0 $0xFFFFC000;
	s5 =	simm.s32 @!p0 $0x4  }
0x2b: {  	_ =	swait.ge @!p0 [sflag:s5], $0x4000  }
0x2c: {  	s6 =	rddreg [dreg:$0x4];
	[sflag:s5] =	ssyncset.done @!p0 $0x0  }
0x2d: {  	[sflag:s5] =	ssyncadd.s32 @!p0 $0xFFFFC000;
	s8 =	sadd.s32 $0x0, s6  }
0x2e: {  	[tilespmem:s3], [sflag:$0x5] =	stream.linear.gather [hbm4b:s8+s3], $0x800, $0x38;
	[tilespmem:$0x1D000] =	vst v63  }
0x2f: {  	_ =	swait.ge [sflag:s10], $0x800  }
0x30: {  	s9 =	rddreg [dreg:$0x3];
	[sflag:s10] =	ssyncset.done $0x0  }
0x31: {  	[sflag:s10] =	ssyncadd.s32 $0xFFFFF800;
	s5 =	sadd.s32 $0x0, s9  }
0x32: {  	[tilespmem:s11], [sflag:$0x5] =	stream.linear.gather [hbm4b:s5+s3], $0x800, $0x38;
	[tilespmem:$0x1D000] =	vst v63  }
0x33: {  	_ =	swait.ge [sflag:s10], $0x800  }
0x34: {  	[sflag:s10] =	ssyncset.done $0x0  }
0x35: {  	[sflag:s10] =	ssyncadd.s32 $0xFFFFF800  }
0x36: {  	[tilespmem:s13], [sflag:$0x1] =	stream.indirect.gather [hbm4b:s4+s12], $0x80, s3, s12, $0xb8;
	[tilespmem:$0x1D000] =	vst v63  }
0x37: {  	_ = 	snop  }
0x38: {  	[tilespmem:s14], [sflag:$0x2] =	stream.indirect.gather [hbm4b:s4+s12], $0x80, s12, s12, $0xb8;
	[tilespmem:$0x1D000] =	vst v63  }
0x39: {  	_ =	swait.ge [sflag:s15], $0x4000  }
0x3a: {  	[sflag:s15] =	ssyncset.done $0x0  }
0x3b: {  	[sflag:s15] =	ssyncadd.s32 $0xFFFFC000  }
0x3c: {  	[spmem:s2] =	stream.indirect.scatter.add.f32 [tilespmem:s13], [sflag:$0x3], $0x80, s11, s12, $0xb8;
	[tilespmem:$0x1D000] =	vst v63  }
0x3d: {  	_ =	swait.ge [sflag:s16], $0x4000  }
0x3e: {  	[sflag:s16] =	ssyncset.done $0x0  }
0x3f: {  	s6 =	rddreg [dreg:$0x5];
	[sflag:s16] =	ssyncadd.s32 $0xFFFFC000  }
0x40: {  	[spmem:s2] =	stream.indirect.scatter.add.f32 [tilespmem:s14], [sflag:$0x4], $0x80, s6, s12, $0xb8;
	[tilespmem:$0x1D000] =	vst v63  }
0x41: {  	_ =	swait.ge [sflag:s17], $0x4000  }
0x42: {  	[sflag:s17] =	ssyncset.done $0x0  }
0x43: {  	[sflag:s17] =	ssyncadd.s32 $0xFFFFC000  }
0x44: {  	_ =	swait.ge [sflag:s18], $0x4000  }
0x45: {  	[sflag:s18] =	ssyncset.done $0x0  }
0x46: {  	s7 =	rddreg [dreg:$0x6];
	[sflag:s18] =	ssyncadd.s32 $0xFFFFC000  }
0x47: {  	[tilespmem:s13], [sflag:$0x1] =	stream.indirect.gather [hbm4b:s4+s12], $0x80, s7, s12, $0xb8;
	[tilespmem:$0x1D000] =	vst v63  }
0x48: {  	s8 =	rddreg [dreg:$0x7]  }
0x49: {  	[tilespmem:s14], [sflag:$0x2] =	stream.indirect.gather [hbm4b:s4+s12], $0x80, s8, s12, $0xb8;
	[tilespmem:$0x1D000] =	vst v63  }
0x4a: {  	_ =	swait.ge [sflag:s15], $0x4000  }
0x4b: {  	[sflag:s15] =	ssyncset.done $0x0  }
0x4c: {  	s9 =	rddreg [dreg:$0x8];
	[sflag:s15] =	ssyncadd.s32 $0xFFFFC000  }
0x4d: {  	[spmem:s2] =	stream.indirect.scatter.add.f32 [tilespmem:s13], [sflag:$0x3], $0x80, s9, s12, $0xb8;
	[tilespmem:$0x1D000] =	vst v63  }
0x4e: {  	_ =	swait.ge [sflag:s16], $0x4000  }
0x4f: {  	[sflag:s16] =	ssyncset.done $0x0  }
0x50: {  	s6 =	rddreg [dreg:$0x9];
	[sflag:s16] =	ssyncadd.s32 $0xFFFFC000  }
0x51: {  	[spmem:s2] =	stream.indirect.scatter.add.f32 [tilespmem:s14], [sflag:$0x4], $0x80, s6, s12, $0xb8;
	[tilespmem:$0x1D000] =	vst v63  }
0x52: {  	_ =	swait.ge [sflag:s17], $0x4000  }
0x53: {  	[sflag:s17] =	ssyncset.done $0x0  }
0x54: {  	[sflag:s17] =	ssyncadd.s32 $0xFFFFC000  }
0x55: {  	_ =	swait.ge [sflag:s18], $0x4000  }
0x56: {  	[sflag:s18] =	ssyncset.done $0x0  }
0x57: {  	s7 =	rddreg [dreg:$0xa];
	[sflag:s18] =	ssyncadd.s32 $0xFFFFC000  }
0x58: {  	[tilespmem:s13], [sflag:$0x1] =	stream.indirect.gather [hbm4b:s4+s12], $0x80, s7, s12, $0xb8;
	[tilespmem:$0x1D000] =	vst v63  }
0x59: {  	s8 =	rddreg [dreg:$0xb]  }
0x5a: {  	[tilespmem:s14], [sflag:$0x2] =	stream.indirect.gather [hbm4b:s4+s12], $0x80, s8, s12, $0xb8;
	[tilespmem:$0x1D000] =	vst v63  }
0x5b: {  	_ =	swait.ge [sflag:s15], $0x4000  }
0x5c: {  	[sflag:s15] =	ssyncset.done $0x0  }
0x5d: {  	s9 =	rddreg [dreg:$0xc];
	[sflag:s15] =	ssyncadd.s32 $0xFFFFC000  }
0x5e: {  	[spmem:s2] =	stream.indirect.scatter.add.f32 [tilespmem:s13], [sflag:$0x3], $0x80, s9, s12, $0xb8;
	[tilespmem:$0x1D000] =	vst v63  }
0x5f: {  	_ =	swait.ge [sflag:s16], $0x4000  }
0x60: {  	[sflag:s16] =	ssyncset.done $0x0  }
0x61: {  	s6 =	rddreg [dreg:$0xd];
	[sflag:s16] =	ssyncadd.s32 $0xFFFFC000  }
0x62: {  	[spmem:s2] =	stream.indirect.scatter.add.f32 [tilespmem:s14], [sflag:$0x4], $0x80, s6, s12, $0xb8;
	[tilespmem:$0x1D000] =	vst v63  }
0x63: {  	_ =	swait.ge [sflag:s17], $0x4000  }
0x64: {  	[sflag:s17] =	ssyncset.done $0x0  }
0x65: {  	[sflag:s17] =	ssyncadd.s32 $0xFFFFC000  }
0x66: {  	_ =	swait.ge [sflag:s18], $0x4000  }
0x67: {  	[sflag:s18] =	ssyncset.done $0x0  }
0x68: {  	s7 =	rddreg [dreg:$0xe];
	[sflag:s18] =	ssyncadd.s32 $0xFFFFC000  }
0x69: {  	[tilespmem:s13], [sflag:$0x1] =	stream.indirect.gather [hbm4b:s4+s12], $0x80, s7, s12, $0xb8;
	[tilespmem:$0x1D000] =	vst v63  }
0x6a: {  	s8 =	rddreg [dreg:$0xf]  }
0x6b: {  	[tilespmem:s14], [sflag:$0x2] =	stream.indirect.gather [hbm4b:s4+s12], $0x80, s8, s12, $0xb8;
	[tilespmem:$0x1D000] =	vst v63  }
0x6c: {  	_ =	swait.ge [sflag:s15], $0x4000  }
0x6d: {  	[sflag:s15] =	ssyncset.done $0x0  }
0x6e: {  	s9 =	rddreg [dreg:$0x10];
	[sflag:s15] =	ssyncadd.s32 $0xFFFFC000  }
0x6f: {  	[spmem:s2] =	stream.indirect.scatter.add.f32 [tilespmem:s13], [sflag:$0x3], $0x80, s9, s12, $0xb8;
	[tilespmem:$0x1D000] =	vst v63  }
0x70: {  	_ =	swait.ge [sflag:s16], $0x4000  }
0x71: {  	[sflag:s16] =	ssyncset.done $0x0  }
0x72: {  	s6 =	rddreg [dreg:$0x11];
	[sflag:s16] =	ssyncadd.s32 $0xFFFFC000  }
0x73: {  	[spmem:s2] =	stream.indirect.scatter.add.f32 [tilespmem:s14], [sflag:$0x4], $0x80, s6, s12, $0xb8;
	[tilespmem:$0x1D000] =	vst v63  }
0x74: {  	_ =	swait.ge [sflag:s17], $0x4000  }
0x75: {  	[sflag:s17] =	ssyncset.done $0x0  }
0x76: {  	[sflag:s17] =	ssyncadd.s32 $0xFFFFC000  }
0x77: {  	_ =	swait.ge [sflag:s18], $0x4000  }
0x78: {  	[sflag:s18] =	ssyncset.done $0x0  }
0x79: {  	s7 =	rddreg [dreg:$0x12];
	[sflag:s18] =	ssyncadd.s32 $0xFFFFC000  }
0x7a: {  	[tilespmem:s13], [sflag:$0x1] =	stream.indirect.gather [hbm4b:s4+s12], $0x80, s7, s12, $0xb8;
	[tilespmem:$0x1D000] =	vst v63  }
0x7b: {  	s8 =	rddreg [dreg:$0x13]  }
0x7c: {  	[tilespmem:s14], [sflag:$0x2] =	stream.indirect.gather [hbm4b:s4+s12], $0x80, s8, s12, $0xb8;
	[tilespmem:$0x1D000] =	vst v63  }
0x7d: {  	_ =	swait.ge [sflag:s15], $0x4000  }
0x7e: {  	[sflag:s15] =	ssyncset.done $0x0  }
0x7f: {  	s9 =	rddreg [dreg:$0x14];
	[sflag:s15] =	ssyncadd.s32 $0xFFFFC000  }
0x80: {  	[spmem:s2] =	stream.indirect.scatter.add.f32 [tilespmem:s13], [sflag:$0x3], $0x80, s9, s12, $0xb8;
	[tilespmem:$0x1D000] =	vst v63  }
0x81: {  	_ =	swait.ge [sflag:s16], $0x4000  }
0x82: {  	[sflag:s16] =	ssyncset.done $0x0  }
0x83: {  	[sflag:s16] =	ssyncadd.s32 $0xFFFFC000  }
0x84: {  	[spmem:s2] =	stream.indirect.scatter.add.f32 [tilespmem:s14], [sflag:$0x4], $0x80, s19, s12, $0xb8;
	[tilespmem:$0x1D000] =	vst v63  }
0x85: {  	_ =	swait.ge [sflag:s17], $0x4000  }
0x86: {  	[sflag:s17] =	ssyncset.done $0x0  }
0x87: {  	[sflag:s17] =	ssyncadd.s32 $0xFFFFC000  }
0x88: {  	_ =	swait.ge [sflag:s18], $0x4000  }
0x89: {  	[sflag:s18] =	ssyncset.done $0x0  }
0x8a: {  	[sflag:s18] =	ssyncadd.s32 $0xFFFFC000  }
0x8b: {  	[tilespmem:s13], [sflag:$0x1] =	stream.indirect.gather [hbm4b:s4+s12], $0x80, s20, s12, $0xb8;
	[tilespmem:$0x1D000] =	vst v63  }
0x8c: {  	_ = 	snop  }
0x8d: {  	[tilespmem:s14], [sflag:$0x2] =	stream.indirect.gather [hbm4b:s4+s12], $0x80, s21, s12, $0xb8;
	[tilespmem:$0x1D000] =	vst v63  }
0x8e: {  	_ =	swait.ge [sflag:s15], $0x4000  }
0x8f: {  	[sflag:s15] =	ssyncset.done $0x0  }
0x90: {  	[sflag:s15] =	ssyncadd.s32 $0xFFFFC000  }
0x91: {  	[spmem:s2] =	stream.indirect.scatter.add.f32 [tilespmem:s13], [sflag:$0x3], $0x80, s22, s12, $0xb8;
	[tilespmem:$0x1D000] =	vst v63  }
0x92: {  	_ =	swait.ge [sflag:s16], $0x4000  }
0x93: {  	[sflag:s16] =	ssyncset.done $0x0  }
0x94: {  	[sflag:s16] =	ssyncadd.s32 $0xFFFFC000  }
0x95: {  	[spmem:s2] =	stream.indirect.scatter.add.f32 [tilespmem:s14], [sflag:$0x4], $0x80, s23, s12, $0xb8;
	[tilespmem:$0x1D000] =	vst v63  }
0x96: {  	_ =	swait.ge [sflag:s17], $0x4000  }
0x97: {  	[sflag:s17] =	ssyncset.done $0x0  }
0x98: {  	[sflag:s17] =	ssyncadd.s32 $0xFFFFC000  }
0x99: {  	_ =	swait.ge [sflag:s18], $0x4000  }
0x9a: {  	[sflag:s18] =	ssyncset.done $0x0  }
0x9b: {  	[sflag:s18] =	ssyncadd.s32 $0xFFFFC000  }
0x9c: {  	[tilespmem:s13], [sflag:$0x1] =	stream.indirect.gather [hbm4b:s4+s12], $0x80, s24, s12, $0xb8;
	[tilespmem:$0x1D000] =	vst v63  }
0x9d: {  	_ = 	snop  }
0x9e: {  	[tilespmem:s14], [sflag:$0x2] =	stream.indirect.gather [hbm4b:s4+s12], $0x80, s25, s12, $0xb8;
	[tilespmem:$0x1D000] =	vst v63  }
0x9f: {  	_ =	swait.ge [sflag:s15], $0x4000  }
0xa0: {  	[sflag:s15] =	ssyncset.done $0x0  }
0xa1: {  	[sflag:s15] =	ssyncadd.s32 $0xFFFFC000  }
0xa2: {  	[spmem:s2] =	stream.indirect.scatter.add.f32 [tilespmem:s13], [sflag:$0x3], $0x80, s26, s12, $0xb8;
	[tilespmem:$0x1D000] =	vst v63  }
0xa3: {  	_ =	swait.ge [sflag:s16], $0x4000  }
0xa4: {  	[sflag:s16] =	ssyncset.done $0x0  }
0xa5: {  	[sflag:s16] =	ssyncadd.s32 $0xFFFFC000  }
0xa6: {  	[spmem:s2] =	stream.indirect.scatter.add.f32 [tilespmem:s14], [sflag:$0x4], $0x80, s28, s12, $0xb8;
	[tilespmem:$0x1D000] =	vst v63  }
0xa7: {  	_ =	swait.ge [sflag:s17], $0x4000  }
0xa8: {  	[sflag:s17] =	ssyncset.done $0x0  }
0xa9: {  	[sflag:s17] =	ssyncadd.s32 $0xFFFFC000  }
0xaa: {  	_ =	swait.ge [sflag:s18], $0x4000  }
0xab: {  	[sflag:s18] =	ssyncset.done $0x0  }
0xac: {  	[sflag:s18] =	ssyncadd.s32 $0xFFFFC000  }
0xad: {  	[tilespmem:s13], [sflag:$0x1] =	stream.indirect.gather [hbm4b:s4+s12], $0x80, s29, s12, $0xb8;
	[tilespmem:$0x1D000] =	vst v63  }
0xae: {  	_ = 	snop  }
0xaf: {  	[tilespmem:s14], [sflag:$0x2] =	stream.indirect.gather [hbm4b:s4+s12], $0x80, s30, s12, $0xb8;
	[tilespmem:$0x1D000] =	vst v63  }
0xb0: {  	_ =	swait.ge [sflag:s15], $0x4000  }
0xb1: {  	[sflag:s15] =	ssyncset.done $0x0  }
0xb2: {  	[sflag:s15] =	ssyncadd.s32 $0xFFFFC000  }
0xb3: {  	[spmem:s2] =	stream.indirect.scatter.add.f32 [tilespmem:s13], [sflag:$0x3], $0x80, s31, s12, $0xb8;
	[tilespmem:$0x1D000] =	vst v63  }
0xb4: {  	p1 =	por $0x0, $0x0;
	_ =	swait.ge [sflag:s16], $0x4000  }
0xb5: {  	s5 =	simm.s32 $0x100;
	s7 =	simm.s32 $0x200;
	[sflag:s16] =	ssyncset.done $0x0  }
.LBB2_2:
0xb6: {  	s8 =	simm.s32 @!p1 $0x3;
	[sflag:s16] =	ssyncadd.s32 $0xFFFFC000  }
0xb7: {  	[spmem:s2] =	stream.indirect.scatter.add.f32 [tilespmem:s14], [sflag:$0x4], $0x80, s1, s12, $0xb8;
	[tilespmem:$0x1D000] =	vst v63  }
0xb8: {  	_ =	swait.ge @!p1 [sflag:s8], $0x4000  }
0xb9: {  	[sflag:s8] =	ssyncset.done @!p1 $0x0  }
0xba: {  	[sflag:s8] =	ssyncadd.s32 @!p1 $0xFFFFC000;
	s8 =	simm.s32 @!p1 $0x4  }
0xbb: {  	_ =	swait.ge @!p1 [sflag:s8], $0x4000  }
0xbc: {  	[sflag:s8] =	ssyncset.done @!p1 $0x0;
	s9 =	rddreg [dreg:$0x4]  }
0xbd: {  	[sflag:s8] =	ssyncadd.s32 @!p1 $0xFFFFC000;
	s9 =	sadd.s32 s5, s9  }
0xbe: {  	[tilespmem:s3], [sflag:$0x5] =	stream.linear.gather [hbm4b:s9+s3], $0x800, $0x38;
	[tilespmem:$0x1D000] =	vst v63  }
0xbf: {  	_ =	swait.ge [sflag:s10], $0x800  }
0xc0: {  	s9 =	rddreg [dreg:$0x3];
	[sflag:s10] =	ssyncset.done $0x0  }
0xc1: {  	[sflag:s10] =	ssyncadd.s32 $0xFFFFF800;
	s8 =	sadd.s32 s5, s9  }
0xc2: {  	[tilespmem:s11], [sflag:$0x5] =	stream.linear.gather [hbm4b:s8+s3], $0x800, $0x38;
	[tilespmem:$0x1D000] =	vst v63  }
0xc3: {  	_ =	swait.ge [sflag:s10], $0x800  }
0xc4: {  	[sflag:s10] =	ssyncset.done $0x0  }
0xc5: {  	[sflag:s10] =	ssyncadd.s32 $0xFFFFF800  }
0xc6: {  	[tilespmem:s13], [sflag:$0x1] =	stream.indirect.gather [hbm4b:s4+s12], $0x80, s3, s12, $0xb8;
	[tilespmem:$0x1D000] =	vst v63  }
0xc7: {  	_ = 	snop  }
0xc8: {  	[tilespmem:s14], [sflag:$0x2] =	stream.indirect.gather [hbm4b:s4+s12], $0x80, s12, s12, $0xb8;
	[tilespmem:$0x1D000] =	vst v63  }
0xc9: {  	_ =	swait.ge [sflag:s15], $0x4000  }
0xca: {  	[sflag:s15] =	ssyncset.done $0x0  }
0xcb: {  	[sflag:s15] =	ssyncadd.s32 $0xFFFFC000  }
0xcc: {  	[spmem:s2] =	stream.indirect.scatter.add.f32 [tilespmem:s13], [sflag:$0x3], $0x80, s11, s12, $0xb8;
	[tilespmem:$0x1D000] =	vst v63  }
0xcd: {  	_ =	swait.ge [sflag:s16], $0x4000  }
0xce: {  	[sflag:s16] =	ssyncset.done $0x0  }
0xcf: {  	s9 =	rddreg [dreg:$0x5];
	[sflag:s16] =	ssyncadd.s32 $0xFFFFC000  }
0xd0: {  	[spmem:s2] =	stream.indirect.scatter.add.f32 [tilespmem:s14], [sflag:$0x4], $0x80, s9, s12, $0xb8;
	[tilespmem:$0x1D000] =	vst v63  }
0xd1: {  	_ =	swait.ge [sflag:s17], $0x4000  }
0xd2: {  	[sflag:s17] =	ssyncset.done $0x0  }
0xd3: {  	[sflag:s17] =	ssyncadd.s32 $0xFFFFC000  }
0xd4: {  	_ =	swait.ge [sflag:s18], $0x4000  }
0xd5: {  	[sflag:s18] =	ssyncset.done $0x0  }
0xd6: {  	s8 =	rddreg [dreg:$0x6];
	[sflag:s18] =	ssyncadd.s32 $0xFFFFC000  }
0xd7: {  	[tilespmem:s13], [sflag:$0x1] =	stream.indirect.gather [hbm4b:s4+s12], $0x80, s8, s12, $0xb8;
	[tilespmem:$0x1D000] =	vst v63  }
0xd8: {  	s9 =	rddreg [dreg:$0x7]  }
0xd9: {  	[tilespmem:s14], [sflag:$0x2] =	stream.indirect.gather [hbm4b:s4+s12], $0x80, s9, s12, $0xb8;
	[tilespmem:$0x1D000] =	vst v63  }
0xda: {  	_ =	swait.ge [sflag:s15], $0x4000  }
0xdb: {  	[sflag:s15] =	ssyncset.done $0x0  }
0xdc: {  	s8 =	rddreg [dreg:$0x8];
	[sflag:s15] =	ssyncadd.s32 $0xFFFFC000  }
0xdd: {  	[spmem:s2] =	stream.indirect.scatter.add.f32 [tilespmem:s13], [sflag:$0x3], $0x80, s8, s12, $0xb8;
	[tilespmem:$0x1D000] =	vst v63  }
0xde: {  	_ =	swait.ge [sflag:s16], $0x4000  }
0xdf: {  	[sflag:s16] =	ssyncset.done $0x0  }
0xe0: {  	s9 =	rddreg [dreg:$0x9];
	[sflag:s16] =	ssyncadd.s32 $0xFFFFC000  }
0xe1: {  	[spmem:s2] =	stream.indirect.scatter.add.f32 [tilespmem:s14], [sflag:$0x4], $0x80, s9, s12, $0xb8;
	[tilespmem:$0x1D000] =	vst v63  }
0xe2: {  	_ =	swait.ge [sflag:s17], $0x4000  }
0xe3: {  	[sflag:s17] =	ssyncset.done $0x0  }
0xe4: {  	[sflag:s17] =	ssyncadd.s32 $0xFFFFC000  }
0xe5: {  	_ =	swait.ge [sflag:s18], $0x4000  }
0xe6: {  	[sflag:s18] =	ssyncset.done $0x0  }
0xe7: {  	s8 =	rddreg [dreg:$0xa];
	[sflag:s18] =	ssyncadd.s32 $0xFFFFC000  }
0xe8: {  	[tilespmem:s13], [sflag:$0x1] =	stream.indirect.gather [hbm4b:s4+s12], $0x80, s8, s12, $0xb8;
	[tilespmem:$0x1D000] =	vst v63  }
0xe9: {  	s9 =	rddreg [dreg:$0xb]  }
0xea: {  	[tilespmem:s14], [sflag:$0x2] =	stream.indirect.gather [hbm4b:s4+s12], $0x80, s9, s12, $0xb8;
	[tilespmem:$0x1D000] =	vst v63  }
0xeb: {  	_ =	swait.ge [sflag:s15], $0x4000  }
0xec: {  	[sflag:s15] =	ssyncset.done $0x0  }
0xed: {  	s8 =	rddreg [dreg:$0xc];
	[sflag:s15] =	ssyncadd.s32 $0xFFFFC000  }
0xee: {  	[spmem:s2] =	stream.indirect.scatter.add.f32 [tilespmem:s13], [sflag:$0x3], $0x80, s8, s12, $0xb8;
	[tilespmem:$0x1D000] =	vst v63  }
0xef: {  	_ =	swait.ge [sflag:s16], $0x4000  }
0xf0: {  	[sflag:s16] =	ssyncset.done $0x0  }
0xf1: {  	s9 =	rddreg [dreg:$0xd];
	[sflag:s16] =	ssyncadd.s32 $0xFFFFC000  }
0xf2: {  	[spmem:s2] =	stream.indirect.scatter.add.f32 [tilespmem:s14], [sflag:$0x4], $0x80, s9, s12, $0xb8;
	[tilespmem:$0x1D000] =	vst v63  }
0xf3: {  	_ =	swait.ge [sflag:s17], $0x4000  }
0xf4: {  	[sflag:s17] =	ssyncset.done $0x0  }
0xf5: {  	[sflag:s17] =	ssyncadd.s32 $0xFFFFC000  }
0xf6: {  	_ =	swait.ge [sflag:s18], $0x4000  }
0xf7: {  	[sflag:s18] =	ssyncset.done $0x0  }
0xf8: {  	s8 =	rddreg [dreg:$0xe];
	[sflag:s18] =	ssyncadd.s32 $0xFFFFC000  }
0xf9: {  	[tilespmem:s13], [sflag:$0x1] =	stream.indirect.gather [hbm4b:s4+s12], $0x80, s8, s12, $0xb8;
	[tilespmem:$0x1D000] =	vst v63  }
0xfa: {  	s9 =	rddreg [dreg:$0xf]  }
0xfb: {  	[tilespmem:s14], [sflag:$0x2] =	stream.indirect.gather [hbm4b:s4+s12], $0x80, s9, s12, $0xb8;
	[tilespmem:$0x1D000] =	vst v63  }
0xfc: {  	_ =	swait.ge [sflag:s15], $0x4000  }
0xfd: {  	[sflag:s15] =	ssyncset.done $0x0  }
0xfe: {  	s8 =	rddreg [dreg:$0x10];
	[sflag:s15] =	ssyncadd.s32 $0xFFFFC000  }
0xff: {  	[spmem:s2] =	stream.indirect.scatter.add.f32 [tilespmem:s13], [sflag:$0x3], $0x80, s8, s12, $0xb8;
	[tilespmem:$0x1D000] =	vst v63  }
0x100: {  	_ =	swait.ge [sflag:s16], $0x4000  }
0x101: {  	[sflag:s16] =	ssyncset.done $0x0  }
0x102: {  	s9 =	rddreg [dreg:$0x11];
	[sflag:s16] =	ssyncadd.s32 $0xFFFFC000  }
0x103: {  	[spmem:s2] =	stream.indirect.scatter.add.f32 [tilespmem:s14], [sflag:$0x4], $0x80, s9, s12, $0xb8;
	[tilespmem:$0x1D000] =	vst v63  }
0x104: {  	_ =	swait.ge [sflag:s17], $0x4000  }
0x105: {  	[sflag:s17] =	ssyncset.done $0x0  }
0x106: {  	[sflag:s17] =	ssyncadd.s32 $0xFFFFC000  }
0x107: {  	_ =	swait.ge [sflag:s18], $0x4000  }
0x108: {  	[sflag:s18] =	ssyncset.done $0x0  }
0x109: {  	s8 =	rddreg [dreg:$0x12];
	[sflag:s18] =	ssyncadd.s32 $0xFFFFC000  }
0x10a: {  	[tilespmem:s13], [sflag:$0x1] =	stream.indirect.gather [hbm4b:s4+s12], $0x80, s8, s12, $0xb8;
	[tilespmem:$0x1D000] =	vst v63  }
0x10b: {  	s9 =	rddreg [dreg:$0x13]  }
0x10c: {  	[tilespmem:s14], [sflag:$0x2] =	stream.indirect.gather [hbm4b:s4+s12], $0x80, s9, s12, $0xb8;
	[tilespmem:$0x1D000] =	vst v63  }
0x10d: {  	_ =	swait.ge [sflag:s15], $0x4000  }
0x10e: {  	[sflag:s15] =	ssyncset.done $0x0  }
0x10f: {  	s9 =	rddreg [dreg:$0x14];
	[sflag:s15] =	ssyncadd.s32 $0xFFFFC000  }
0x110: {  	[spmem:s2] =	stream.indirect.scatter.add.f32 [tilespmem:s13], [sflag:$0x3], $0x80, s9, s12, $0xb8;
	[tilespmem:$0x1D000] =	vst v63  }
0x111: {  	_ =	swait.ge [sflag:s16], $0x4000  }
0x112: {  	[sflag:s16] =	ssyncset.done $0x0  }
0x113: {  	[sflag:s16] =	ssyncadd.s32 $0xFFFFC000  }
0x114: {  	[spmem:s2] =	stream.indirect.scatter.add.f32 [tilespmem:s14], [sflag:$0x4], $0x80, s19, s12, $0xb8;
	[tilespmem:$0x1D000] =	vst v63  }
0x115: {  	_ =	swait.ge [sflag:s17], $0x4000  }
0x116: {  	[sflag:s17] =	ssyncset.done $0x0  }
0x117: {  	[sflag:s17] =	ssyncadd.s32 $0xFFFFC000  }
0x118: {  	_ =	swait.ge [sflag:s18], $0x4000  }
0x119: {  	[sflag:s18] =	ssyncset.done $0x0  }
0x11a: {  	[sflag:s18] =	ssyncadd.s32 $0xFFFFC000  }
0x11b: {  	[tilespmem:s13], [sflag:$0x1] =	stream.indirect.gather [hbm4b:s4+s12], $0x80, s20, s12, $0xb8;
	[tilespmem:$0x1D000] =	vst v63  }
0x11c: {  	_ = 	snop  }
0x11d: {  	[tilespmem:s14], [sflag:$0x2] =	stream.indirect.gather [hbm4b:s4+s12], $0x80, s21, s12, $0xb8;
	[tilespmem:$0x1D000] =	vst v63  }
0x11e: {  	_ =	swait.ge [sflag:s15], $0x4000  }
0x11f: {  	[sflag:s15] =	ssyncset.done $0x0  }
0x120: {  	[sflag:s15] =	ssyncadd.s32 $0xFFFFC000  }
0x121: {  	[spmem:s2] =	stream.indirect.scatter.add.f32 [tilespmem:s13], [sflag:$0x3], $0x80, s22, s12, $0xb8;
	[tilespmem:$0x1D000] =	vst v63  }
0x122: {  	_ =	swait.ge [sflag:s16], $0x4000  }
0x123: {  	[sflag:s16] =	ssyncset.done $0x0  }
0x124: {  	[sflag:s16] =	ssyncadd.s32 $0xFFFFC000  }
0x125: {  	[spmem:s2] =	stream.indirect.scatter.add.f32 [tilespmem:s14], [sflag:$0x4], $0x80, s23, s12, $0xb8;
	[tilespmem:$0x1D000] =	vst v63  }
0x126: {  	_ =	swait.ge [sflag:s17], $0x4000  }
0x127: {  	[sflag:s17] =	ssyncset.done $0x0  }
0x128: {  	[sflag:s17] =	ssyncadd.s32 $0xFFFFC000  }
0x129: {  	_ =	swait.ge [sflag:s18], $0x4000  }
0x12a: {  	[sflag:s18] =	ssyncset.done $0x0  }
0x12b: {  	[sflag:s18] =	ssyncadd.s32 $0xFFFFC000  }
0x12c: {  	[tilespmem:s13], [sflag:$0x1] =	stream.indirect.gather [hbm4b:s4+s12], $0x80, s24, s12, $0xb8;
	[tilespmem:$0x1D000] =	vst v63  }
0x12d: {  	_ = 	snop  }
0x12e: {  	[tilespmem:s14], [sflag:$0x2] =	stream.indirect.gather [hbm4b:s4+s12], $0x80, s25, s12, $0xb8;
	[tilespmem:$0x1D000] =	vst v63  }
0x12f: {  	_ =	swait.ge [sflag:s15], $0x4000  }
0x130: {  	[sflag:s15] =	ssyncset.done $0x0  }
0x131: {  	[sflag:s15] =	ssyncadd.s32 $0xFFFFC000  }
0x132: {  	[spmem:s2] =	stream.indirect.scatter.add.f32 [tilespmem:s13], [sflag:$0x3], $0x80, s26, s12, $0xb8;
	[tilespmem:$0x1D000] =	vst v63  }
0x133: {  	_ =	swait.ge [sflag:s16], $0x4000  }
0x134: {  	[sflag:s16] =	ssyncset.done $0x0  }
0x135: {  	[sflag:s16] =	ssyncadd.s32 $0xFFFFC000  }
0x136: {  	[spmem:s2] =	stream.indirect.scatter.add.f32 [tilespmem:s14], [sflag:$0x4], $0x80, s28, s12, $0xb8;
	[tilespmem:$0x1D000] =	vst v63  }
0x137: {  	_ =	swait.ge [sflag:s17], $0x4000  }
0x138: {  	[sflag:s17] =	ssyncset.done $0x0  }
0x139: {  	[sflag:s17] =	ssyncadd.s32 $0xFFFFC000  }
0x13a: {  	_ =	swait.ge [sflag:s18], $0x4000  }
0x13b: {  	[sflag:s18] =	ssyncset.done $0x0  }
0x13c: {  	[sflag:s18] =	ssyncadd.s32 $0xFFFFC000  }
0x13d: {  	[tilespmem:s13], [sflag:$0x1] =	stream.indirect.gather [hbm4b:s4+s12], $0x80, s29, s12, $0xb8;
	[tilespmem:$0x1D000] =	vst v63  }
0x13e: {  	s6 =	smov.u32 s7;
	s7 =	sadd.s32 $0x100, s7  }
0x13f: {  	[tilespmem:s14], [sflag:$0x2] =	stream.indirect.gather [hbm4b:s4+s12], $0x80, s30, s12, $0xb8;
	[tilespmem:$0x1D000] =	vst v63  }
0x140: {  	p0 =	sne.s32 s7, $0x500;
	_ =	swait.ge [sflag:s15], $0x4000  }
.Ltmp0:
0x141: {  	[sflag:s15] =	ssyncset.done $0x0;
	(pc) =	sbr.rel @p0 .LBB2_2-.Ltmp0, $4  }
0x142: {  	[sflag:s15] =	ssyncadd.s32 $0xFFFFC000  }
0x143: {  	[spmem:s2] =	stream.indirect.scatter.add.f32 [tilespmem:s13], [sflag:$0x3], $0x80, s31, s12, $0xb8;
	[tilespmem:$0x1D000] =	vst v63  }
0x144: {  	s5 =	smov.u32 s6;
	_ =	swait.ge [sflag:s16], $0x4000  }
0x145: {  	p1 =	seq.s32 s5, $0x0;
	[sflag:s16] =	ssyncset.done $0x0  }
0x146: {  	s6 =	simm.s32 @!p1 $0x3;
	[sflag:s16] =	ssyncadd.s32 $0xFFFFC000  }
0x147: {  	[spmem:s2] =	stream.indirect.scatter.add.f32 [tilespmem:s14], [sflag:$0x4], $0x80, s1, s12, $0xb8;
	[tilespmem:$0x1D000] =	vst v63  }
0x148: {  	_ =	swait.ge @!p1 [sflag:s6], $0x4000  }
0x149: {  	[sflag:s6] =	ssyncset.done @!p1 $0x0  }
0x14a: {  	[sflag:s6] =	ssyncadd.s32 @!p1 $0xFFFFC000;
	s6 =	simm.s32 @!p1 $0x4  }
0x14b: {  	_ =	swait.ge @!p1 [sflag:s6], $0x4000  }
0x14c: {  	s7 =	rddreg [dreg:$0x4];
	[sflag:s6] =	ssyncset.done @!p1 $0x0  }
0x14d: {  	[sflag:s6] =	ssyncadd.s32 @!p1 $0xFFFFC000;
	s8 =	sadd.s32 s5, s7  }
0x14e: {  	[tilespmem:s3], [sflag:$0x5] =	stream.linear.gather [hbm4b:s8+s3], $0x800, $0x38;
	[tilespmem:$0x1D000] =	vst v63  }
0x14f: {  	_ =	swait.ge [sflag:s10], $0x800  }
0x150: {  	s9 =	rddreg [dreg:$0x3];
	[sflag:s10] =	ssyncset.done $0x0  }
0x151: {  	[sflag:s10] =	ssyncadd.s32 $0xFFFFF800;
	s6 =	sadd.s32 s5, s9  }
0x152: {  	[tilespmem:s11], [sflag:$0x5] =	stream.linear.gather [hbm4b:s6+s3], $0x800, $0x38;
	[tilespmem:$0x1D000] =	vst v63  }
0x153: {  	_ =	swait.ge [sflag:s10], $0x800  }
0x154: {  	[sflag:s10] =	ssyncset.done $0x0  }
0x155: {  	[sflag:s10] =	ssyncadd.s32 $0xFFFFF800  }
0x156: {  	[tilespmem:s13], [sflag:$0x1] =	stream.indirect.gather [hbm4b:s4+s12], $0x80, s3, s12, $0xb8;
	[tilespmem:$0x1D000] =	vst v63  }
0x157: {  	_ = 	snop  }
0x158: {  	[tilespmem:s14], [sflag:$0x2] =	stream.indirect.gather [hbm4b:s4+s12], $0x80, s12, s12, $0xb8;
	[tilespmem:$0x1D000] =	vst v63  }
0x159: {  	_ =	swait.ge [sflag:s15], $0x4000  }
0x15a: {  	[sflag:s15] =	ssyncset.done $0x0  }
0x15b: {  	[sflag:s15] =	ssyncadd.s32 $0xFFFFC000  }
0x15c: {  	[spmem:s2] =	stream.indirect.scatter.add.f32 [tilespmem:s13], [sflag:$0x3], $0x80, s11, s12, $0xb8;
	[tilespmem:$0x1D000] =	vst v63  }
0x15d: {  	_ =	swait.ge [sflag:s16], $0x4000  }
0x15e: {  	[sflag:s16] =	ssyncset.done $0x0  }
0x15f: {  	s7 =	rddreg [dreg:$0x5];
	[sflag:s16] =	ssyncadd.s32 $0xFFFFC000  }
0x160: {  	[spmem:s2] =	stream.indirect.scatter.add.f32 [tilespmem:s14], [sflag:$0x4], $0x80, s7, s12, $0xb8;
	[tilespmem:$0x1D000] =	vst v63  }
0x161: {  	_ =	swait.ge [sflag:s17], $0x4000  }
0x162: {  	[sflag:s17] =	ssyncset.done $0x0  }
0x163: {  	[sflag:s17] =	ssyncadd.s32 $0xFFFFC000  }
0x164: {  	_ =	swait.ge [sflag:s18], $0x4000  }
0x165: {  	[sflag:s18] =	ssyncset.done $0x0  }
0x166: {  	s8 =	rddreg [dreg:$0x6];
	[sflag:s18] =	ssyncadd.s32 $0xFFFFC000  }
0x167: {  	[tilespmem:s13], [sflag:$0x1] =	stream.indirect.gather [hbm4b:s4+s12], $0x80, s8, s12, $0xb8;
	[tilespmem:$0x1D000] =	vst v63  }
0x168: {  	s9 =	rddreg [dreg:$0x7]  }
0x169: {  	[tilespmem:s14], [sflag:$0x2] =	stream.indirect.gather [hbm4b:s4+s12], $0x80, s9, s12, $0xb8;
	[tilespmem:$0x1D000] =	vst v63  }
0x16a: {  	_ =	swait.ge [sflag:s15], $0x4000  }
0x16b: {  	[sflag:s15] =	ssyncset.done $0x0  }
0x16c: {  	s6 =	rddreg [dreg:$0x8];
	[sflag:s15] =	ssyncadd.s32 $0xFFFFC000  }
0x16d: {  	[spmem:s2] =	stream.indirect.scatter.add.f32 [tilespmem:s13], [sflag:$0x3], $0x80, s6, s12, $0xb8;
	[tilespmem:$0x1D000] =	vst v63  }
0x16e: {  	_ =	swait.ge [sflag:s16], $0x4000  }
0x16f: {  	[sflag:s16] =	ssyncset.done $0x0  }
0x170: {  	s7 =	rddreg [dreg:$0x9];
	[sflag:s16] =	ssyncadd.s32 $0xFFFFC000  }
0x171: {  	[spmem:s2] =	stream.indirect.scatter.add.f32 [tilespmem:s14], [sflag:$0x4], $0x80, s7, s12, $0xb8;
	[tilespmem:$0x1D000] =	vst v63  }
0x172: {  	_ =	swait.ge [sflag:s17], $0x4000  }
0x173: {  	[sflag:s17] =	ssyncset.done $0x0  }
0x174: {  	[sflag:s17] =	ssyncadd.s32 $0xFFFFC000  }
0x175: {  	_ =	swait.ge [sflag:s18], $0x4000  }
0x176: {  	[sflag:s18] =	ssyncset.done $0x0  }
0x177: {  	s8 =	rddreg [dreg:$0xa];
	[sflag:s18] =	ssyncadd.s32 $0xFFFFC000  }
0x178: {  	[tilespmem:s13], [sflag:$0x1] =	stream.indirect.gather [hbm4b:s4+s12], $0x80, s8, s12, $0xb8;
	[tilespmem:$0x1D000] =	vst v63  }
0x179: {  	s9 =	rddreg [dreg:$0xb]  }
0x17a: {  	[tilespmem:s14], [sflag:$0x2] =	stream.indirect.gather [hbm4b:s4+s12], $0x80, s9, s12, $0xb8;
	[tilespmem:$0x1D000] =	vst v63  }
0x17b: {  	_ =	swait.ge [sflag:s15], $0x4000  }
0x17c: {  	[sflag:s15] =	ssyncset.done $0x0  }
0x17d: {  	s6 =	rddreg [dreg:$0xc];
	[sflag:s15] =	ssyncadd.s32 $0xFFFFC000  }
0x17e: {  	[spmem:s2] =	stream.indirect.scatter.add.f32 [tilespmem:s13], [sflag:$0x3], $0x80, s6, s12, $0xb8;
	[tilespmem:$0x1D000] =	vst v63  }
0x17f: {  	_ =	swait.ge [sflag:s16], $0x4000  }
0x180: {  	[sflag:s16] =	ssyncset.done $0x0  }
0x181: {  	s7 =	rddreg [dreg:$0xd];
	[sflag:s16] =	ssyncadd.s32 $0xFFFFC000  }
0x182: {  	[spmem:s2] =	stream.indirect.scatter.add.f32 [tilespmem:s14], [sflag:$0x4], $0x80, s7, s12, $0xb8;
	[tilespmem:$0x1D000] =	vst v63  }
0x183: {  	_ =	swait.ge [sflag:s17], $0x4000  }
0x184: {  	[sflag:s17] =	ssyncset.done $0x0  }
0x185: {  	[sflag:s17] =	ssyncadd.s32 $0xFFFFC000  }
0x186: {  	_ =	swait.ge [sflag:s18], $0x4000  }
0x187: {  	[sflag:s18] =	ssyncset.done $0x0  }
0x188: {  	s8 =	rddreg [dreg:$0xe];
	[sflag:s18] =	ssyncadd.s32 $0xFFFFC000  }
0x189: {  	[tilespmem:s13], [sflag:$0x1] =	stream.indirect.gather [hbm4b:s4+s12], $0x80, s8, s12, $0xb8;
	[tilespmem:$0x1D000] =	vst v63  }
0x18a: {  	s9 =	rddreg [dreg:$0xf]  }
0x18b: {  	[tilespmem:s14], [sflag:$0x2] =	stream.indirect.gather [hbm4b:s4+s12], $0x80, s9, s12, $0xb8;
	[tilespmem:$0x1D000] =	vst v63  }
0x18c: {  	_ =	swait.ge [sflag:s15], $0x4000  }
0x18d: {  	[sflag:s15] =	ssyncset.done $0x0  }
0x18e: {  	s6 =	rddreg [dreg:$0x10];
	[sflag:s15] =	ssyncadd.s32 $0xFFFFC000  }
0x18f: {  	[spmem:s2] =	stream.indirect.scatter.add.f32 [tilespmem:s13], [sflag:$0x3], $0x80, s6, s12, $0xb8;
	[tilespmem:$0x1D000] =	vst v63  }
0x190: {  	_ =	swait.ge [sflag:s16], $0x4000  }
0x191: {  	[sflag:s16] =	ssyncset.done $0x0  }
0x192: {  	s7 =	rddreg [dreg:$0x11];
	[sflag:s16] =	ssyncadd.s32 $0xFFFFC000  }
0x193: {  	[spmem:s2] =	stream.indirect.scatter.add.f32 [tilespmem:s14], [sflag:$0x4], $0x80, s7, s12, $0xb8;
	[tilespmem:$0x1D000] =	vst v63  }
0x194: {  	_ =	swait.ge [sflag:s17], $0x4000  }
0x195: {  	[sflag:s17] =	ssyncset.done $0x0  }
0x196: {  	[sflag:s17] =	ssyncadd.s32 $0xFFFFC000  }
0x197: {  	_ =	swait.ge [sflag:s18], $0x4000  }
0x198: {  	[sflag:s18] =	ssyncset.done $0x0  }
0x199: {  	s8 =	rddreg [dreg:$0x12];
	[sflag:s18] =	ssyncadd.s32 $0xFFFFC000  }
0x19a: {  	[tilespmem:s13], [sflag:$0x1] =	stream.indirect.gather [hbm4b:s4+s12], $0x80, s8, s12, $0xb8;
	[tilespmem:$0x1D000] =	vst v63  }
0x19b: {  	s9 =	rddreg [dreg:$0x13]  }
0x19c: {  	[tilespmem:s14], [sflag:$0x2] =	stream.indirect.gather [hbm4b:s4+s12], $0x80, s9, s12, $0xb8;
	[tilespmem:$0x1D000] =	vst v63  }
0x19d: {  	_ =	swait.ge [sflag:s15], $0x4000  }
0x19e: {  	[sflag:s15] =	ssyncset.done $0x0  }
0x19f: {  	s7 =	rddreg [dreg:$0x14];
	[sflag:s15] =	ssyncadd.s32 $0xFFFFC000  }
0x1a0: {  	[spmem:s2] =	stream.indirect.scatter.add.f32 [tilespmem:s13], [sflag:$0x3], $0x80, s7, s12, $0xb8;
	[tilespmem:$0x1D000] =	vst v63  }
0x1a1: {  	_ =	swait.ge [sflag:s16], $0x4000  }
0x1a2: {  	[sflag:s16] =	ssyncset.done $0x0  }
0x1a3: {  	[sflag:s16] =	ssyncadd.s32 $0xFFFFC000  }
0x1a4: {  	[spmem:s2] =	stream.indirect.scatter.add.f32 [tilespmem:s14], [sflag:$0x4], $0x80, s19, s12, $0xb8;
	[tilespmem:$0x1D000] =	vst v63  }
0x1a5: {  	_ =	swait.ge [sflag:s17], $0x4000  }
0x1a6: {  	[sflag:s17] =	ssyncset.done $0x0  }
0x1a7: {  	[sflag:s17] =	ssyncadd.s32 $0xFFFFC000  }
0x1a8: {  	_ =	swait.ge [sflag:s18], $0x4000  }
0x1a9: {  	[sflag:s18] =	ssyncset.done $0x0  }
0x1aa: {  	[sflag:s18] =	ssyncadd.s32 $0xFFFFC000  }
0x1ab: {  	[tilespmem:s13], [sflag:$0x1] =	stream.indirect.gather [hbm4b:s4+s12], $0x80, s20, s12, $0xb8;
	[tilespmem:$0x1D000] =	vst v63  }
0x1ac: {  	_ = 	snop  }
0x1ad: {  	[tilespmem:s14], [sflag:$0x2] =	stream.indirect.gather [hbm4b:s4+s12], $0x80, s21, s12, $0xb8;
	[tilespmem:$0x1D000] =	vst v63  }
0x1ae: {  	_ =	swait.ge [sflag:s15], $0x4000  }
0x1af: {  	[sflag:s15] =	ssyncset.done $0x0  }
0x1b0: {  	[sflag:s15] =	ssyncadd.s32 $0xFFFFC000  }
0x1b1: {  	[spmem:s2] =	stream.indirect.scatter.add.f32 [tilespmem:s13], [sflag:$0x3], $0x80, s22, s12, $0xb8;
	[tilespmem:$0x1D000] =	vst v63  }
0x1b2: {  	_ =	swait.ge [sflag:s16], $0x4000  }
0x1b3: {  	[sflag:s16] =	ssyncset.done $0x0  }
0x1b4: {  	[sflag:s16] =	ssyncadd.s32 $0xFFFFC000  }
0x1b5: {  	[spmem:s2] =	stream.indirect.scatter.add.f32 [tilespmem:s14], [sflag:$0x4], $0x80, s23, s12, $0xb8;
	[tilespmem:$0x1D000] =	vst v63  }
0x1b6: {  	_ =	swait.ge [sflag:s17], $0x4000  }
0x1b7: {  	[sflag:s17] =	ssyncset.done $0x0  }
0x1b8: {  	[sflag:s17] =	ssyncadd.s32 $0xFFFFC000  }
0x1b9: {  	_ =	swait.ge [sflag:s18], $0x4000  }
0x1ba: {  	[sflag:s18] =	ssyncset.done $0x0  }
0x1bb: {  	[sflag:s18] =	ssyncadd.s32 $0xFFFFC000  }
0x1bc: {  	[tilespmem:s13], [sflag:$0x1] =	stream.indirect.gather [hbm4b:s4+s12], $0x80, s24, s12, $0xb8;
	[tilespmem:$0x1D000] =	vst v63  }
0x1bd: {  	_ = 	snop  }
0x1be: {  	[tilespmem:s14], [sflag:$0x2] =	stream.indirect.gather [hbm4b:s4+s12], $0x80, s25, s12, $0xb8;
	[tilespmem:$0x1D000] =	vst v63  }
0x1bf: {  	_ =	swait.ge [sflag:s15], $0x4000  }
0x1c0: {  	[sflag:s15] =	ssyncset.done $0x0  }
0x1c1: {  	[sflag:s15] =	ssyncadd.s32 $0xFFFFC000  }
0x1c2: {  	[spmem:s2] =	stream.indirect.scatter.add.f32 [tilespmem:s13], [sflag:$0x3], $0x80, s26, s12, $0xb8;
	[tilespmem:$0x1D000] =	vst v63  }
0x1c3: {  	_ =	swait.ge [sflag:s16], $0x4000  }
0x1c4: {  	[sflag:s16] =	ssyncset.done $0x0  }
0x1c5: {  	[sflag:s16] =	ssyncadd.s32 $0xFFFFC000  }
0x1c6: {  	[spmem:s2] =	stream.indirect.scatter.add.f32 [tilespmem:s14], [sflag:$0x4], $0x80, s28, s12, $0xb8;
	[tilespmem:$0x1D000] =	vst v63  }
0x1c7: {  	_ =	swait.ge [sflag:s17], $0x4000  }
0x1c8: {  	[sflag:s17] =	ssyncset.done $0x0  }
0x1c9: {  	[sflag:s17] =	ssyncadd.s32 $0xFFFFC000  }
0x1ca: {  	_ =	swait.ge [sflag:s18], $0x4000  }
0x1cb: {  	[sflag:s18] =	ssyncset.done $0x0  }
0x1cc: {  	[sflag:s18] =	ssyncadd.s32 $0xFFFFC000  }
0x1cd: {  	[tilespmem:s13], [sflag:$0x1] =	stream.indirect.gather [hbm4b:s4+s12], $0x80, s29, s12, $0xb8;
	[tilespmem:$0x1D000] =	vst v63  }
0x1ce: {  	_ = 	snop  }
0x1cf: {  	[tilespmem:s14], [sflag:$0x2] =	stream.indirect.gather [hbm4b:s4+s12], $0x80, s30, s12, $0xb8;
	[tilespmem:$0x1D000] =	vst v63  }
0x1d0: {  	_ =	swait.ge [sflag:s15], $0x4000  }
0x1d1: {  	[sflag:s15] =	ssyncset.done $0x0  }
0x1d2: {  	[sflag:s15] =	ssyncadd.s32 $0xFFFFC000  }
0x1d3: {  	[spmem:s2] =	stream.indirect.scatter.add.f32 [tilespmem:s13], [sflag:$0x3], $0x80, s31, s12, $0xb8;
	[tilespmem:$0x1D000] =	vst v63  }
0x1d4: {  	_ =	swait.ge [sflag:s16], $0x4000  }
0x1d5: {  	[sflag:s16] =	ssyncset.done $0x0  }
0x1d6: {  	[sflag:s16] =	ssyncadd.s32 $0xFFFFC000  }
0x1d7: {  	[spmem:s2] =	stream.indirect.scatter.add.f32 [tilespmem:s14], [sflag:$0x4], $0x80, s1, s12, $0xb8;
	[tilespmem:$0x1D000] =	vst v63  }
0x1d8: {  	_ =	swait.ge [sflag:s17], $0x4000  }
0x1d9: {  	[sflag:s17] =	ssyncset.done $0x0  }
0x1da: {  	[sflag:s17] =	ssyncadd.s32 $0xFFFFC000  }
0x1db: {  	_ =	swait.ge [sflag:s18], $0x4000  }
0x1dc: {  	[sflag:s18] =	ssyncset.done $0x0  }
0x1dd: {  	[sflag:s18] =	ssyncadd.s32 $0xFFFFC000  }
0x1de: {  	[bflag:$0x0] =	sbarrier.arrive $0xFFFF  }
0x1df: {  	s6 =	rddreg [dreg:$0x16]  }
0x1e0: {  	s8 =	rddreg [dreg:$0x17]  }
0x1e1: {  	s7 =	rddreg [dreg:$0x19]  }
0x1e2: {  	[hbm:s8], [sflag:s6] =	dma.local [spmem:s7], $0x2800  }
0x1e3: {  	_ =	swait.ge [sflag:s10], $0x2800  }
0x1e4: {  	s0 =	sadd.s32 $0x1, s0;
	s9 =	rddreg [dreg:$0x18]  }
0x1e5: {  	p0 =	sne.s32 s0, s9  }
.Ltmp1:
0x1e6: {  	_ = 	snop;
	(pc) =	sbr.rel @p0 .LBB2_1-.Ltmp1, $3  }
0x1e7: {  	_ =	sdelay $0x1  }
0x1e8: {  	[sflag:s10] =	ssyncset.done $0x0  }
0x1e9: {  	[sflag:s10] =	ssyncadd.s32 $0xFFFFD800  }
0x1ea: {  	_ =	sfence.sel $0x180000  }
0x1eb: {  	[bflag:$0x0] =	sbarrier.arrive $0xFFFF  }
0x1ec: {  	_ =	strace $0x9000004D  }
0x1ed: {  	s0 =	stileid.u32;
	[bflag:$0x2] =	sbarrier.arrive $0xFFFF  }
0x1ee: {  	p0 =	sne.s32 s0, $0x0;
	s0 =	rddreg [dreg:$0x2]  }
0x1ef: {  	s0 =	sadd.s32 @!p0 $0x100000, s0  }
0x1f0: {  	[sflag:s0] =	ssyncadd.tile.s32 @!p0 $0x1;
	_ =	shalt  }
.Lfunc_end2:
_tile_overlayer_lowered:
.L_overlay_start_2:
0x1f1: {  	(tag) =	ssettag $0x2  }
0x1f2: {  	s0 =	rddreg [dreg:$0x0];
	s2 =	stileid.u32  }
0x1f3: {  	s1 =	rddreg [dreg:$0x1];
	p0 =	sne.s32 s2, $0x0  }
0x1f4: {  	s3 =	rddreg [dreg:$0x2];
	[bflag:$0x3] =	sbarrier.arrive $0xFFFF;
	s2 =	simm.s32 @!p0 $0x1C05  }
0x1f5: {  	[timem:s3], [sflag:s2] =	dma.local @!p0 [hbm:s0], s1  }
0x1f6: {  	s0 =	simm.s32 @!p0 $0x5  }
0x1f7: {  	_ =	swait.ge @!p0 [sflag:s0], s1  }
0x1f8: {  	s1 =	ssub.s32 @!p0 $0x0, s1;
	[sflag:s0] =	ssyncset.done @!p0 $0x0  }
0x1f9: {  	[sflag:s0] =	ssyncadd.s32 @!p0 s1  }
0x1fa: {  	[bflag:$0x3] =	sbarrier.arrive $0xFFFF  }
0x1fb: {  	_ =	shalt  }

// kernel: kernel.8.cloned.1.call-start
scs
__scs_entry_jumppad:
0x0: {  	(pc) =	sbr.rel $0x88, $3  }
0x1: {  	(tag) =	ssettag $0x0;
	lr =	simm.s32 $0x1  }
0x2: {  	[smem:$0x3F99] =	sst lr;
	_ =	strace $0xD0000000  }
0x3: {  	_ = 	snop  }
0x4: {  	_ = 	snop  }
0x5: {  	_ = 	snop  }
0x6: {  	_ = 	snop  }
0x7: {  	_ = 	snop  }
__scs_overlays_trampoline_lowered:
0x8: {  	[smem:$0x3FA8] =	sst s0  }
0x9: {  	[smem:$0x3FA9] =	sst s1  }
0xa: {  	[smem:$0x3FAA] =	sst s2  }
0xb: {  	[smem:$0x3FAB] =	sst s3  }
0xc: {  	[smem:$0x3FAC] =	sst s4  }
0xd: {  	[smem:$0x3FAD] =	sst s5  }
0xe: {  	[smem:$0x3FAE] =	sst s6  }
0xf: {  	[smem:$0x3FAF] =	sst s7  }
0x10: {  	[smem:$0x3FB0] =	sst s8  }
0x11: {  	[smem:$0x3FB1] =	sst s9;
	s0 =	simm.s32 @!p0 $0x0  }
0x12: {  	s1 =	sld [smem:$0x3F97];
	s0 =	simm.s32 @p0 $0x1  }
0x13: {  	[smem:$0x3FB2] =	sst s0;
	s0 =	simm.s32 @!p1 $0x0  }
0x14: {  	s2 =	sld [smem:$0x3F96];
	s0 =	simm.s32 @p1 $0x1  }
0x15: {  	[smem:$0x3FB3] =	sst s0;
	s0 =	simm.s32 @!p2 $0x0  }
0x16: {  	s3 =	sld [smem:$0x3FDB];
	s0 =	simm.s32 @p2 $0x1  }
0x17: {  	s4 =	simm.s32 $0x1BF5;
	[smem:$0x3FB5] =	sst s0  }
0x18: {  	s0 =	sld [smem:$0x3F98];
	_ =	swait.ge [sflag:s4], $0x0  }
0x19: {  	s7 =	sld [smem:$0x3F99]  }
0x1a: {  	s8 =	sadd.s32 $0xFFFFE003, lr  }
0x1b: {  	s9 =	sadd.s32 $0xFFFFFEF7, lr;
	s5 =	simm.s32 $0xFFFFFFFF;
	p2 =	slt.u32 s8, $0xFFFFF086  }
0x1c: {  	p1 =	slt.u32 s9, $0xF7A;
	s5 =	simm.s32 @!p2 $0x0  }
0x1d: {  	s5 =	simm.s32 @p1 $0x1;
	p0 =	seq.s32 s7, s2  }
0x1e: {  	s7 =	smul.u32 @!p0 $0xF7A, s2;
	p2 =	seq.s32 @!p0 s5, $0x0  }
0x1f: {  	s9 =	smul.u32 $0xF7A, s1;
	s8 =	simm.s32 @!p0 $0x1BF5;
	p2 =	por !p2, p0  }
0x20: {  	[sflag:s8] =	ssyncset.s32 @!p0 $0xFFFFF086;
	s6 =	sadd.s32 @!p0 s3, s7;
	s7 =	simm.s32 @!p0 $0x108  }
0x21: {  	s3 =	sadd.s32 s3, s9;
	s6 =	sadd.s32 @!p0 $0x88, s6;
	s7 =	simm.s32 @p2 $0x1082  }
0x22: {  	[simem:s7], [sflag:s8] =	dma.local @!p0 [hbm:s6], $0xF7A  }
0x23: {  	s9 =	sor.u32 $0xD0000000, s2;
	s6 =	simm.s32 $0x108;
	_ =	swait.ge @!p0 [sflag:s8], $0x0  }
0x24: {  	s3 =	sadd.s32 $0x88, s3;
	s6 =	simm.s32 @!p1 $0x1082;
	[sflag:s4] =	ssyncset.s32 $0xFFFFF086  }
0x25: {  	[simem:s6], [sflag:s4] =	dma.local [hbm:s3], $0xF7A  }
0x26: {  	[smem:$0x3F99] =	sst s1;
	(tag) =	ssettag s2;
	_ =	strace s9  }
0x27: {  	s1 =	sld [smem:$0x3FA9]  }
0x28: {  	s2 =	sld [smem:$0x3FAA]  }
0x29: {  	s4 =	sld [smem:$0x3FAC]  }
0x2a: {  	p0 =	seq.s32 s5, $0x0;
	s5 =	sld [smem:$0x3FAD]  }
0x2b: {  	s6 =	sld [smem:$0x3FAE]  }
0x2c: {  	s7 =	sld [smem:$0x3FAF]  }
0x2d: {  	s3 =	simm.s32 $0x108;
	s8 =	sld [smem:$0x3FB0]  }
0x2e: {  	s3 =	simm.s32 @!p0 $0x1082;
	s9 =	sld [smem:$0x3FB1]  }
0x2f: {  	lr =	sadd.s32 s0, s3;
	s0 =	sld [smem:$0x3FA8]  }
0x30: {  	s3 =	sld [smem:$0x3FAB]  }
0x31: {  	[smem:$0x3FB4] =	sst s10  }
0x32: {  	s10 =	sld [smem:$0x3FB2];
	_ =	sdelay $0x3  }
0x33: {  	p0 =	seq.s32 s10, $0x1;
	s10 =	sld [smem:$0x3FB4];
	_ =	sdelay $0x3  }
0x34: {  	[smem:$0x3FB4] =	sst s10  }
0x35: {  	s10 =	sld [smem:$0x3FB3];
	_ =	sdelay $0x3  }
0x36: {  	p1 =	seq.s32 s10, $0x1;
	s10 =	sld [smem:$0x3FB4];
	_ =	sdelay $0x3  }
0x37: {  	[smem:$0x3FB4] =	sst s10  }
0x38: {  	s10 =	sld [smem:$0x3FB5]  }
0x39: {  	_ = 	snop;
	(pc) =	sbr.ind lr, $3  }
0x3a: {  	_ = 	snop  }
0x3b: {  	_ = 	snop  }
0x3c: {  	p2 =	seq.s32 s10, $0x1;
	s10 =	sld [smem:$0x3FB4]  }
0x3d: {  	_ =	shalt  }
0x3e: {  	_ =	shalt  }
0x3f: {  	_ =	shalt  }
0x40: {  	_ =	shalt  }
0x41: {  	_ =	shalt  }
0x42: {  	_ =	shalt  }
0x43: {  	_ =	shalt  }
0x44: {  	_ =	shalt  }
0x45: {  	_ =	shalt  }
0x46: {  	_ =	shalt  }
0x47: {  	_ =	shalt  }
0x48: {  	_ =	shalt  }
0x49: {  	_ =	shalt  }
0x4a: {  	_ =	shalt  }
0x4b: {  	_ =	shalt  }
0x4c: {  	_ =	shalt  }
0x4d: {  	_ =	shalt  }
0x4e: {  	_ =	shalt  }
0x4f: {  	_ =	shalt  }
0x50: {  	_ =	shalt  }
0x51: {  	_ =	shalt  }
0x52: {  	_ =	shalt  }
0x53: {  	_ =	shalt  }
0x54: {  	_ =	shalt  }
0x55: {  	_ =	shalt  }
0x56: {  	_ =	shalt  }
0x57: {  	_ =	shalt  }
0x58: {  	_ =	shalt  }
0x59: {  	_ =	shalt  }
0x5a: {  	_ =	shalt  }
0x5b: {  	_ =	shalt  }
0x5c: {  	_ =	shalt  }
0x5d: {  	_ =	shalt  }
0x5e: {  	_ =	shalt  }
0x5f: {  	_ =	shalt  }
0x60: {  	_ =	shalt  }
0x61: {  	_ =	shalt  }
0x62: {  	_ =	shalt  }
0x63: {  	_ =	shalt  }
0x64: {  	_ =	shalt  }
0x65: {  	_ =	shalt  }
0x66: {  	_ =	shalt  }
0x67: {  	_ =	shalt  }
0x68: {  	_ =	shalt  }
0x69: {  	_ =	shalt  }
0x6a: {  	_ =	shalt  }
0x6b: {  	_ =	shalt  }
0x6c: {  	_ =	shalt  }
0x6d: {  	_ =	shalt  }
0x6e: {  	_ =	shalt  }
0x6f: {  	_ =	shalt  }
0x70: {  	_ =	shalt  }
0x71: {  	_ =	shalt  }
0x72: {  	_ =	shalt  }
0x73: {  	_ =	shalt  }
0x74: {  	_ =	shalt  }
0x75: {  	_ =	shalt  }
0x76: {  	_ =	shalt  }
0x77: {  	_ =	shalt  }
0x78: {  	_ =	shalt  }
0x79: {  	_ =	shalt  }
0x7a: {  	_ =	shalt  }
0x7b: {  	_ =	shalt  }
0x7c: {  	_ =	shalt  }
0x7d: {  	_ =	shalt  }
0x7e: {  	_ =	shalt  }
0x7f: {  	_ =	shalt  }
0x80: {  	_ =	shalt  }
0x81: {  	_ =	shalt  }
0x82: {  	_ =	shalt  }
0x83: {  	_ =	shalt  }
0x84: {  	_ =	shalt  }
0x85: {  	_ =	shalt  }
0x86: {  	_ =	shalt  }
0x87: {  	_ =	shalt  }
.Lfunc_end0:
.L_simem_size_0:
called_computation_lowered:
.L_overlay_start_0:
0x88: {  	s2 =	sld [smem:$0x3FD9]  }
0x89: {  	s3 =	sld [smem:$0x3FFE];
	_ =	sdelay $0x1  }
0x8a: {  	s1 =	srdreg.scid  }
0x8b: {  	s0 =	sand.u32 $0x1, s1  }
0x8c: {  	s17 =	sshll.u32 s0, $0xA;
	s2 =	sadd.s32 s3, s2  }
0x8d: {  	s2 =	sadd.s32 s2, s17  }
0x8e: {  	[smem:$0x3FC0] =	sst s2  }
0x8f: {  	_ = 	snop  }
0x90: {  	s2 =	sld [smem:$0x3FD0];
	(tm) =	ssettm $0x1  }
0x91: {  	s18 =	sld [smem:$0x3FFB];
	_ =	sdelay $0x3  }
0x92: {  	_ =	strace s18  }
0x93: {  	s3 =	sld [smem:$0x3FFC];
	_ =	sdelay $0x3  }
0x94: {  	_ =	strace s3  }
0x95: {  	s3 =	sld [smem:$0x3FFD];
	_ =	sdelay $0x3  }
0x96: {  	_ =	strace s3  }
0x97: {  	_ =	strace $0x8FFFFFFF  }
0x98: {  	s19 =	sld [smem:$0x3FDB];
	_ =	sdelay $0x1  }
0x99: {  	s4 =	simm.s32 $_scs_section_size  }
0x9a: {  	s5 =	simm.s32 $_size__tile_overlayer_lowered;
	s6 =	simm.s32 $_tile_overlayer_lowered  }
0x9b: {  	s22 =	simm.s32 $0x1BFF;
	s21 =	sshll.u32 s6, $0x1;
	s3 =	sadd.s32 s4, s19  }
0x9c: {  	s7 =	simm.s32 $0x0;
	s20 =	sshll.u32 s5, $0x1;
	s5 =	sadd.s32 s21, s3  }
0x9d: {  	[timem:s7], [sflag:s22] =	dma.local [hbm:s5], s20  }
0x9e: {  	_ =	swait.ge [sflag:s22], s20  }
0x9f: {  	s4 =	ssub.s32 $0x0, s20;
	[sflag:s22] =	ssyncset.done $0x0  }
0xa0: {  	[sflag:s22] =	ssyncadd.s32 s4;
	_ =	sdelay $0x1  }
0xa1: {  	s23 =	simm.s32 $0x1B8B  }
0xa2: {  	_ =	swait.ge [sflag:s23], $0x1  }
0xa3: {  	[sflag:s23] =	ssyncset.done $0x0  }
0xa4: {  	s25 =	simm.s32 $0x1B8E;
	s24 =	sld [smem:$0x3FFE];
	[sflag:s23] =	ssyncadd.s32 $0xFFFFFFFF  }
0xa5: {  	s26 =	simm.s32 $execute0_lowered;
	[smem:$0x3FD2] =	sst s25  }
0xa6: {  	s5 =	sshll.u32 s26, $0x1;
	_ =	strace $0x80000046;
	[dreg:$0x1] =	wrdreg $0xFFFFFFFF  }
0xa7: {  	s28 =	simm.s32 $_size_execute0_lowered;
	s3 =	sadd.s32 s3, s5;
	[dreg:$0x0] =	wrdreg $0x0  }
0xa8: {  	s5 =	sshll.u32 s28, $0x1;
	[dreg:$0x2] =	wrdreg s3  }
0xa9: {  	[dreg:$0x3] =	wrdreg s5  }
0xaa: {  	[dreg:$0x4] =	wrdreg $0xC0  }
0xab: {  	_ =	task [dreg:s7], $0x5FFFF  }
0xac: {  	[dreg:$0x1] =	wrdreg $0xFFFFFFFF  }
0xad: {  	[dreg:$0x0] =	wrdreg $0x60  }
0xae: {  	[dreg:$0x2] =	wrdreg s24  }
0xaf: {  	[dreg:$0x3] =	wrdreg s2  }
0xb0: {  	[dreg:$0x4] =	wrdreg $0x28800  }
0xb1: {  	[dreg:$0x5] =	wrdreg $0x9  }
0xb2: {  	_ =	task.clear_ibuf [dreg:s7], $0x6FFFF;
	_ =	strace $0x90000046  }
0xb3: {  	s29 =	simm.s32 $0x9;
	_ =	strace $0x80000048  }
0xb4: {  	_ =	swait.ge [sflag:s29], $0x1  }
0xb5: {  	[sflag:s29] =	ssyncadd.s32 $0xFFFFFFFF  }
0xb6: {  	_ =	strace $0x90000048  }
0xb7: {  	_ =	sfence  }
0xb8: {  	s30 =	sld [smem:$0x0];
	_ =	sdelay $0x2  }
0xb9: {  	s31 =	sshll.u32 s1, $0xD;
	s1 =	sshrl.u32 s1, $0x2  }
0xba: {  	s3 =	sand.u32 $0x4000, s31;
	s1 =	sadd.s32 s1, s30  }
0xbb: {  	s0 =	sor.u32 s3, s0;
	s1 =	sshll.u32 s1, $0x11  }
0xbc: {  	s0 =	sor.u32 s1, s0  }
0xbd: {  	s0 =	sadd.s32 $0x8F2B, s0  }
0xbe: {  	[sflag:s0] =	ssyncadd.remote.s32 $0x1  }
0xbf: {  	_ =	sfence.sel $0xFFFF  }
0xc0: {  	[dreg:$0x0] =	wrdreg $0xFFFFFFFF;
	(pc) =	sbr.abs _section_cstart, $3  }
0xc1: {  	[dreg:$0x1] =	wrdreg $0xFFFFFFFF  }
0xc2: {  	_ =	task.clear_ibuf [dreg:s7], $0x2FFFF;
	_ =	strace $0x9FFFFFFF  }
0xc3: {  	(tm) =	ssettm $0x7FFFFFFF  }
tec
execute0_lowered:
.L_overlay_start_1:
0x0: {  	(tag) =	ssettag $0x1  }
0x1: {  	s4 =	rddreg [dreg:$0x0]  }
0x2: {  	s0 =	srdreg.scid;
	s6 =	rddreg [dreg:$0x1]  }
0x3: {  	s2 =	rddreg [dreg:$0x2];
	s1 =	stileid.u32  }
0x4: {  	s3 =	simm.s32 $0x0;
	s13 =	simm.s32 $0x20;
	s14 =	simm.s32 $0x10  }
0x5: {  	s5 =	sand.u32 $0x1, s0;
	s0 =	rddreg [dreg:$0x3];
	s8 =	smul.u32 $0x280, s1  }
0x6: {  	s15 =	simm.s32 $0x0;
	[smem:$0x7FF] =	sst s3;
	s10 =	smul.u32 $0x500, s1  }
0x7: {  	s31 =	sshll.u32 s1, $0x6;
	s7 =	sshll.u32 s5, $0x4;
	_ =	strace $0x80000047  }
0x8: {  	s9 =	ssub.s32 $0x2, s5;
	s5 =	sshll.u32 s5, $0x7;
	s7 =	sor.u32 s1, s7  }
0x9: {  	s11 =	sshrl.u32 s8, $0x3;
	s12 =	sshrl.u32 s9, $0x1;
	s5 =	sor.u32 s5, s10  }
0xa: {  	s29 =	sadd.s32 s8, s2;
	s8 =	simm.s32 $0x1;
	s7 =	smul.u32 $0x500, s7  }
0xb: {  	s11 =	sadd.s32 s11, s4;
	s9 =	ssub.s32 s9, s12;
	s30 =	sshrl.u32 s5, $0x3  }
0xc: {  	s10 =	sshrl.u32 s29, $0x3;
	s12 =	simm.s32 $0x2800;
	s5 =	sadd.s32 $0xCC00, s11  }
0xd: {  	s6 =	sadd.s32 s6, s30;
	s11 =	simm.s32 $0x80;
	s7 =	sadd.s32 s7, s4  }
0xe: {  	v0 =	vimm.f32 $1.000000000e+00;
	s4 =	sadd.s32 $0x2C00, s7;
	s7 =	smax.u32 s9, $0x1;
	s9 =	sor.u32 $0x1C01, s31  }
.LBB2_1:
0xf: {  	[tilespmem:s3], [sflag:$0x1] =	stream.linear.gather [hbm4b:s4+s3], $0x2800, $0x38;
	[tilespmem:$0x2B00] =	vst v63  }
0x10: {  	_ =	swait.ge [sflag:s8], $0x2800  }
0x11: {  	[sflag:s8] =	ssyncset.done $0x0  }
0x12: {  	[sflag:s8] =	ssyncadd.s32 $0xFFFFD800  }
0x13: {  	[tilespmem:$0x2800] =	vst v0  }
0x14: {  	[tilespmem:$0x2810] =	vst v0  }
0x15: {  	[tilespmem:$0x2820] =	vst v0  }
0x16: {  	[tilespmem:$0x2830] =	vst v0  }
0x17: {  	[tilespmem:$0x2840] =	vst v0  }
0x18: {  	[tilespmem:$0x2850] =	vst v0  }
0x19: {  	[tilespmem:$0x2860] =	vst v0  }
0x1a: {  	[tilespmem:$0x2870] =	vst v0  }
0x1b: {  	[spmem:s10], [sflag:s9] =	dma.local [hbm:s5], $0x50  }
0x1c: {  	_ =	swait.ge [sflag:s8], $0x50  }
0x1d: {  	[sflag:s8] =	ssyncset.done $0x0  }
0x1e: {  	[sflag:s8] =	ssyncadd.s32 $0xFFFFFFB0  }
0x1f: {  	s16 =	simm.s32 $0x0;
	[bflag:$0x0] =	sbarrier.arrive $0xFFFF  }
0x20: {  	[spmem:s2] =	stream.indirect.scatter.add.f32 [tilespmem:s12], [sflag:$0x1], $0x1, s16, s11, $0xb8;
	[tilespmem:$0x2B00] =	vst v63  }
0x21: {  	_ =	swait.ge [sflag:s8], $0x80  }
0x22: {  	s16 =	simm.s32 $0x200;
	[sflag:s8] =	ssyncset.done $0x0  }
.LBB2_2:
0x23: {  	s17 =	sshra.s32 s16, $0x2;
	[sflag:s8] =	ssyncadd.s32 $0xFFFFFF80;
	p0 =	sne.s32 s16, $0x9E00  }
0x24: {  	[spmem:s2] =	stream.indirect.scatter.add.f32 [tilespmem:s12], [sflag:$0x1], $0x1, s17, s11, $0xb8;
	[tilespmem:$0x2B00] =	vst v63  }
.Ltmp0:
0x25: {  	_ = 	snop;
	(pc) =	sbr.rel @p0 .LBB2_2-.Ltmp0, $4  }
0x26: {  	_ = 	snop  }
0x27: {  	s16 =	sadd.s32 $0x200, s16  }
0x28: {  	_ =	swait.ge [sflag:s8], $0x80  }
0x29: {  	[sflag:s8] =	ssyncset.done $0x0  }
0x2a: {  	s15 =	sadd.s32 $0x1, s15  }
0x2b: {  	[sflag:s8] =	ssyncadd.s32 $0xFFFFFF80;
	p0 =	sne.s32 s15, s7  }
.Ltmp1:
0x2c: {  	[bflag:$0x0] =	sbarrier.arrive $0xFFFF;
	(pc) =	sbr.rel @p0 .LBB2_1-.Ltmp1, $4  }
0x2d: {  	[hbm:s6@s13], [sflag:s9] =	dma.strided [spmem:s10@s14], $0x50, s8, $0x10   }
0x2e: {  	_ =	swait.ge [sflag:s8], $0x50  }
0x2f: {  	[sflag:s8] =	ssyncset.done $0x0  }
0x30: {  	[sflag:s8] =	ssyncadd.s32 $0xFFFFFFB0  }
0x31: {  	_ =	sfence.sel $0x180000  }
0x32: {  	[bflag:$0x0] =	sbarrier.arrive $0xFFFF  }
0x33: {  	p0 =	sne.s32 s1, $0x0;
	_ =	strace $0x90000047  }
0x34: {  	s0 =	sadd.s32 @!p0 $0x100000, s0;
	[bflag:$0x2] =	sbarrier.arrive $0xFFFF  }
0x35: {  	[sflag:s0] =	ssyncadd.tile.s32 @!p0 $0x1;
	_ =	shalt  }
.Lfunc_end2:
_tile_overlayer_lowered:
.L_overlay_start_2:
0x36: {  	(tag) =	ssettag $0x2  }
0x37: {  	s0 =	rddreg [dreg:$0x0];
	s2 =	stileid.u32  }
0x38: {  	s1 =	rddreg [dreg:$0x1];
	p0 =	sne.s32 s2, $0x0  }
0x39: {  	s3 =	rddreg [dreg:$0x2];
	[bflag:$0x3] =	sbarrier.arrive $0xFFFF;
	s2 =	simm.s32 @!p0 $0x1C01  }
0x3a: {  	[timem:s3], [sflag:s2] =	dma.local @!p0 [hbm:s0], s1  }
0x3b: {  	s0 =	simm.s32 @!p0 $0x1  }
0x3c: {  	_ =	swait.ge @!p0 [sflag:s0], s1  }
0x3d: {  	s1 =	ssub.s32 @!p0 $0x0, s1;
	[sflag:s0] =	ssyncset.done @!p0 $0x0  }
0x3e: {  	[sflag:s0] =	ssyncadd.s32 @!p0 s1  }
0x3f: {  	[bflag:$0x3] =	sbarrier.arrive $0xFFFF  }
0x40: {  	_ =	shalt  }

</sc_bundles>
